<compile_context>
chip_gen: v7x
topology: tpu7x:2x2x1
jax: 0.10.2.dev20260603
libtpu: 0.0.44.dev20260713+nightly
codegen_flags: <defaults>
</compile_context>

<pallas_src>
import functools
import math

import jax
import jax.numpy as jnp
import numpy as np
from jax import lax
from jax.experimental import pallas as pl
from jax.experimental.pallas import tpu as pltpu
from jax.experimental.pallas import tpu_sc as plsc

N = 8192
E = 131072
DIN = 128
FEAT = DIN - 2
H = 64
NH = 4
DH = 16

NW = 32
EPW = E // NW
CH = 128
NCH = EPW // CH
RSUB = N // 16
DP = 128

BLK = 256
NBLK = N // BLK


@functools.lru_cache(maxsize=None)
def _sc_mesh():
    return plsc.VectorSubcoreMesh(core_axis_name="c", subcore_axis_name="s")


@functools.lru_cache(maxsize=None)
def _sc_deg_kernel():
    @functools.partial(
        pl.kernel,
        out_type=jax.ShapeDtypeStruct((2 * N, 8), jnp.float32),
        scratch_types=[
            pltpu.VMEM((NCH, CH), jnp.int32),
            pltpu.VMEM((CH, 8), jnp.float32),
            pltpu.VMEM_SHARED((N, 8), jnp.float32),
        ],
        mesh=_sc_mesh(),
    )
    def deg(col2_h, ones_h, z8_h, out_h, cidx, ones_v, acc):
        c = lax.axis_index("c")
        s = lax.axis_index("s")
        wid = s * 2 + c
        pltpu.sync_copy(z8_h, acc.at[pl.ds(s * RSUB, RSUB)])
        pltpu.sync_copy(ones_h, ones_v)
        pltpu.sync_copy(col2_h.at[pl.ds(wid * NCH, NCH)], cidx)
        plsc.subcore_barrier()

        def body(i, carry):
            pltpu.sync_copy(ones_v, acc.at[cidx.at[i]], add=True)
            return carry

        lax.fori_loop(0, NCH, body, 0)
        plsc.subcore_barrier()
        pltpu.sync_copy(acc.at[pl.ds(s * RSUB, RSUB)],
                        out_h.at[pl.ds(c * N + s * RSUB, RSUB)])

    return deg


def _sc_deg(col2, ones8, z8):
    return _sc_deg_kernel()(col2, ones8, z8)


@functools.lru_cache(maxsize=None)
def _make_sc_conv(ntab):
    outs = [jax.ShapeDtypeStruct((2 * N, DP), jnp.float32) for _ in range(ntab)]
    scratch = [pltpu.VMEM((NCH, CH), jnp.int32),
               pltpu.VMEM((NCH, CH), jnp.int32)]
    scratch += [pltpu.VMEM((CH, DP), jnp.float32) for _ in range(2 * ntab)]
    scratch += [pltpu.VMEM_SHARED((N, DP), jnp.float32) for _ in range(ntab)]
    scratch += [pltpu.SemaphoreType.DMA for _ in range(2 * ntab)]

    @functools.partial(
        pl.kernel,
        out_type=outs[0] if ntab == 1 else outs,
        scratch_types=scratch,
        mesh=_sc_mesh(),
    )
    def conv(*args):
        hs_h = args[0:ntab]
        row2_h = args[ntab]
        col2_h = args[ntab + 1]
        zh = args[ntab + 2]
        out_h = args[ntab + 3:ntab + 3 + ntab]
        ridx = args[ntab + 3 + ntab]
        cidx = args[ntab + 4 + ntab]
        rows = args[ntab + 5 + ntab:ntab + 5 + 3 * ntab]
        acc = args[ntab + 5 + 3 * ntab:ntab + 5 + 4 * ntab]
        sems = args[ntab + 5 + 4 * ntab:ntab + 5 + 6 * ntab]

        c = lax.axis_index("c")
        s = lax.axis_index("s")
        wid = s * 2 + c
        for t in range(ntab):
            pltpu.sync_copy(zh, acc[t].at[pl.ds(s * RSUB, RSUB)])
        pltpu.sync_copy(row2_h.at[pl.ds(wid * NCH, NCH)], ridx)
        pltpu.sync_copy(col2_h.at[pl.ds(wid * NCH, NCH)], cidx)
        plsc.subcore_barrier()

        def start(i, b):
            for t in range(ntab):
                pltpu.async_copy(hs_h[t].at[ridx.at[i]], rows[2 * t + b],
                                 sems[2 * t + b])

        def wait(b):
            for t in range(ntab):
                pltpu.make_async_copy(hs_h[t].at[ridx.at[0]], rows[2 * t + b],
                                      sems[2 * t + b]).wait()

        def scat(i, b):
            for t in range(ntab):
                pltpu.sync_copy(rows[2 * t + b], acc[t].at[cidx.at[i]], add=True)

        start(0, 0)

        def pair(j, carry):
            i0 = 2 * j
            i1 = i0 + 1
            i2 = jnp.minimum(i0 + 2, NCH - 1)
            wait(0)
            start(i1, 1)
            scat(i0, 0)
            wait(1)
            start(i2, 0)
            scat(i1, 1)
            return carry

        lax.fori_loop(0, NCH // 2, pair, 0)
        wait(0)
        plsc.subcore_barrier()
        for t in range(ntab):
            pltpu.sync_copy(acc[t].at[pl.ds(s * RSUB, RSUB)],
                            out_h[t].at[pl.ds(c * N + s * RSUB, RSUB)])

    return conv


def _sc_conv1(hs, row2, col2, zh):
    return _make_sc_conv(1)(hs, row2, col2, zh)


def _sc_conv2(hs0, hs1, row2, col2, zh):
    return _make_sc_conv(2)(hs0, hs1, row2, col2, zh)



def _dis_from(degp_ref):
    deg = degp_ref[0, :, 0:1] + degp_ref[1, :, 0:1] + 1.0
    return 1.0 / jnp.sqrt(jnp.maximum(deg, 1.0))


def _mm(a, b):
    return jnp.dot(a, b, preferred_element_type=jnp.float32)


def _pad(v):
    return jnp.concatenate([v, jnp.zeros((v.shape[0], DP - H), jnp.float32)], axis=1)


def _t1_body(x_ref, degp_ref,
             wl_ref, wcl_ref, bl_ref, wm_ref, wcm_ref, bm_ref,
             wq_ref, wcq_ref, bq_ref, wk_ref, wck_ref, bk_ref,
             wv_ref, wcv_ref, bv_ref,
             hsl_ref, hsm_ref, q_ref, k_ref, v_ref):
    x = x_ref[...]
    feat = x[:, :FEAT]
    coords = x[:, FEAT:DIN]
    dis = _dis_from(degp_ref)
    hsl_ref[...] = _pad(dis * (_mm(feat, wl_ref[...]) + _mm(coords, wcl_ref[...]) + bl_ref[...]))
    hsm_ref[...] = _pad(dis * (_mm(feat, wm_ref[...]) + _mm(coords, wcm_ref[...]) + bm_ref[...]))
    q_ref[...] = _mm(feat, wq_ref[...]) + _mm(coords, wcq_ref[...]) + bq_ref[...]
    k_ref[...] = _mm(feat, wk_ref[...]) + _mm(coords, wck_ref[...]) + bk_ref[...]
    v_ref[...] = _mm(feat, wv_ref[...]) + _mm(coords, wcv_ref[...]) + bv_ref[...]


def _t2_body(accl_ref, hsl_ref, accm_ref, hsm_ref, degp_ref,
             blg_ref, bmg1_ref, wmg2_ref,
             hl_ref, hsm2_ref):
    dis = _dis_from(degp_ref)
    hl = jnp.maximum(
        dis * (accl_ref[0, :, :H] + accl_ref[1, :, :H] + hsl_ref[:, :H]) + blg_ref[...], 0.0)
    hl_ref[...] = hl
    hm1 = jnp.maximum(
        dis * (accm_ref[0, :, :H] + accm_ref[1, :, :H] + hsm_ref[:, :H]) + bmg1_ref[...], 0.0)
    hsm2_ref[...] = _pad(dis * _mm(hm1, wmg2_ref[...]))


def _t3_body(accm2_ref, hsm2_ref, degp_ref, bmg2_ref, wmg3_ref, hsm3_ref):
    dis = _dis_from(degp_ref)
    hm2 = jnp.maximum(
        dis * (accm2_ref[0, :, :H] + accm2_ref[1, :, :H] + hsm2_ref[:, :H]) + bmg2_ref[...], 0.0)
    hsm3_ref[...] = _pad(dis * _mm(hm2, wmg3_ref[...]))


def _t4_body(accm3_ref, hsm3_ref, degp_ref, bmg3_ref,
             wq_ref, bq_ref, wk_ref, bk_ref, wv_ref, bv_ref,
             q_ref, k_ref, v_ref):
    dis = _dis_from(degp_ref)
    hm3 = jnp.maximum(
        dis * (accm3_ref[0, :, :H] + accm3_ref[1, :, :H] + hsm3_ref[:, :H]) + bmg3_ref[...], 0.0)
    q_ref[...] = _mm(hm3, wq_ref[...]) + bq_ref[...]
    k_ref[...] = _mm(hm3, wk_ref[...]) + bk_ref[...]
    v_ref[...] = _mm(hm3, wv_ref[...]) + bv_ref[...]


def _t5_body(q_ref, kt_ref, va_ref, o_ref):
    s = _mm(q_ref[0], kt_ref[0]) * (1.0 / 4.0)
    p = jnp.exp(s)
    ou = _mm(p, va_ref[0])
    o_ref[0] = ou[:, :DH] / ou[:, DH:DH + 1]


def _t5g_body(cr_ref, ct_ref, q_ref, kt_ref, v_ref, vr_ref, gi_ref):
    cr = cr_ref[...]
    ct = ct_ref[...]
    scr = jnp.sum(cr * cr, axis=1, keepdims=True)
    scc = jnp.sum(ct * ct, axis=0, keepdims=True)
    raw = scr + scc - 2.0 * _mm(cr, ct)
    cap = raw < 1e-4
    nc = jnp.sum(cap.astype(jnp.float32), axis=1, keepdims=True)
    multi = jnp.max(nc) > 1.0

    @pl.when(jnp.logical_not(multi))
    def _fast():
        gi_ref[...] = vr_ref[...]

    @pl.when(multi)
    def _slow():
        d2 = jnp.maximum(raw, 0.0)
        d = jnp.where(raw <= 0.0, 0.0, jnp.sqrt(jnp.where(raw <= 0.0, 1.0, d2)))
        sc = _mm(q_ref[...], kt_ref[...]) * (1.0 / 8.0) + 1.0 / (d + 1e-6)
        scm = jnp.where(cap, sc, -jnp.inf)
        m = jnp.max(scm, axis=1, keepdims=True)
        p = jnp.where(cap, jnp.exp(scm - m), 0.0)
        l = jnp.sum(p, axis=1, keepdims=True)
        gi_ref[...] = _mm(p, v_ref[...]) / l


def _t6_body(hl_ref, o_ref, gi_ref, a0_ref, a1_ref, a2_ref, ball_ref,
             w2_ref, b2_ref, w3_ref, b3_ref, out_ref):
    u = (_mm(hl_ref[...], a0_ref[...]) + _mm(o_ref[...], a1_ref[...])
         + _mm(gi_ref[...], a2_ref[...]) + ball_ref[...])
    u = jnp.maximum(u, 0.0)
    h3 = jnp.maximum(_mm(u, w2_ref[...]) + b2_ref[...], 0.0)
    out_ref[...] = _mm(h3, w3_ref[...]) + b3_ref[...]



def _full(shape):
    return pl.BlockSpec(shape, lambda i: tuple(0 for _ in shape))


def _rows(width):
    return pl.BlockSpec((BLK, width), lambda i: (i, 0))


def _degp_spec():
    return pl.BlockSpec((2, BLK, 8), lambda i: (0, i, 0))


def _acc_spec():
    return pl.BlockSpec((2, BLK, DP), lambda i: (0, i, 0))


def _f32(shape):
    return jax.ShapeDtypeStruct(shape, jnp.float32)


def _t1_call(x, degp, *ws):
    wspecs = [_full(w.shape) for w in ws]
    return pl.pallas_call(
        _t1_body,
        grid=(NBLK,),
        in_specs=[_rows(DIN), _degp_spec()] + wspecs,
        out_specs=[_rows(DP), _rows(DP)] + [_rows(H)] * 3,
        out_shape=[_f32((N, DP)), _f32((N, DP))] + [_f32((N, H))] * 3,
    )(x, degp, *ws)


def _t2_call(accl, hsl, accm, hsm, degp, blg, bmg1, wmg2):
    return pl.pallas_call(
        _t2_body,
        grid=(NBLK,),
        in_specs=[_acc_spec(), _rows(DP), _acc_spec(), _rows(DP), _degp_spec(),
                  _full((1, H)), _full((1, H)), _full((H, H))],
        out_specs=[_rows(H), _rows(DP)],
        out_shape=[_f32((N, H)), _f32((N, DP))],
    )(accl, hsl, accm, hsm, degp, blg, bmg1, wmg2)


def _t3_call(accm2, hsm2, degp, bmg2, wmg3):
    return pl.pallas_call(
        _t3_body,
        grid=(NBLK,),
        in_specs=[_acc_spec(), _rows(DP), _degp_spec(), _full((1, H)), _full((H, H))],
        out_specs=_rows(DP),
        out_shape=_f32((N, DP)),
    )(accm2, hsm2, degp, bmg2, wmg3)


def _t4_call(accm3, hsm3, degp, bmg3, wq, bq, wk, bk, wv, bv):
    return pl.pallas_call(
        _t4_body,
        grid=(NBLK,),
        in_specs=[_acc_spec(), _rows(DP), _degp_spec(), _full((1, H)),
                  _full((H, H)), _full((1, H)), _full((H, H)), _full((1, H)),
                  _full((H, H)), _full((1, H))],
        out_specs=[_rows(H)] * 3,
        out_shape=[_f32((N, H))] * 3,
    )(accm3, hsm3, degp, bmg3, wq, bq, wk, bk, wv, bv)


def _t5_call(qh, kt, vh):
    return pl.pallas_call(
        _t5_body,
        grid=(NH, NBLK),
        in_specs=[pl.BlockSpec((1, BLK, DH), lambda h, i: (h, i, 0)),
                  pl.BlockSpec((1, DH, N), lambda h, i: (h, 0, 0)),
                  pl.BlockSpec((1, N, DH + 1), lambda h, i: (h, 0, 0))],
        out_specs=pl.BlockSpec((1, BLK, DH), lambda h, i: (h, i, 0)),
        out_shape=_f32((NH, N, DH)),
    )(qh, kt, vh)


def _t5g_call(coords, ct, q, kt, v):
    return pl.pallas_call(
        _t5g_body,
        grid=(NBLK,),
        in_specs=[_rows(2), _full((2, N)), _rows(H), _full((H, N)), _full((N, H)),
                  _rows(H)],
        out_specs=_rows(H),
        out_shape=_f32((N, H)),
    )(coords, ct, q, kt, v, v)


def _t6_call(hl, o, gi, a0, a1, a2, ball, w2, b2, w3, b3):
    return pl.pallas_call(
        _t6_body,
        grid=(NBLK,),
        in_specs=[_rows(H), _rows(H), _rows(H),
                  _full((H, H)), _full((H, H)), _full((H, H)), _full((1, H)),
                  _full((H, H // 2)), _full((1, H // 2)),
                  _full((H // 2, 2)), _full((1, 2))],
        out_specs=_rows(2),
        out_shape=_f32((N, 2)),
    )(hl, o, gi, a0, a1, a2, ball, w2, b2, w3, b3)



def kernel(x, params, edge_index):
    p = params
    f32 = jnp.float32

    lg1, lg2 = p['lg_w'][:H], p['lg_w'][H:]
    mg1a, mg1b = p['mg1_w'][:H], p['mg1_w'][H:]
    WL = p['lp_w'] @ lg1
    WcL = p['lc_w'] @ lg2
    bL = (p['lp_b'] @ lg1 + p['lc_b'] @ lg2).reshape(1, H)
    WM = p['mp_w'] @ mg1a
    WcM = p['mc_w'] @ mg1b
    bM = (p['mp_b'] @ mg1a + p['mc_b'] @ mg1b).reshape(1, H)

    def gfuse(wname, bname):
        wa, wb = p[wname][:H], p[wname][H:]
        W = p['gp_w'] @ wa
        Wc = p['gc_w'] @ wb
        b = (p['gp_b'] @ wa + p['gc_b'] @ wb + p[bname]).reshape(1, H)
        return W, Wc, b

    WQg, WcQg, bQg = gfuse('gq_w', 'gq_b')
    WKg, WcKg, bKg = gfuse('gk_w', 'gk_b')
    WVg, WcVg, bVg = gfuse('gv_w', 'gv_b')

    w = jax.nn.softmax(p['fw'])
    F0, F1, F2 = p['fc1_w'][0:2], p['fc1_w'][2:4], p['fc1_w'][4:6]
    A0 = w[0] * (p['lf_w'] @ F0)
    A1 = w[1] * (p['mha_wo'] @ p['mf_w'] @ F1)
    A2 = w[2] * (p['gf_w'] @ F2)
    ball = (w[0] * (p['lf_b'] @ F0)
            + w[1] * ((p['mha_bo'] @ p['mf_w'] + p['mf_b']) @ F1)
            + w[2] * (p['gf_b'] @ F2)
            + p['fc1_b']).reshape(1, H)

    row2 = edge_index[0].reshape(E // CH, CH)
    col2 = edge_index[1].reshape(E // CH, CH)
    zDP = jnp.zeros((RSUB, DP), f32)
    z8 = jnp.zeros((RSUB, 8), f32)
    ones8 = jnp.ones((CH, 8), f32)
    coords = x[:, FEAT:DIN]
    ct = coords.T

    degp = _sc_deg(col2, ones8, z8).reshape(2, N, 8)

    hsl, hsm, Qg, Kg, Vg = _t1_call(
        x, degp, WL, WcL, bL, WM, WcM, bM,
        WQg, WcQg, bQg, WKg, WcKg, bKg, WVg, WcVg, bVg)

    accl = _sc_conv1(hsl, row2, col2, zDP)
    accm = _sc_conv1(hsm, row2, col2, zDP)
    hl, hsm2 = _t2_call(accl.reshape(2, N, DP), hsl, accm.reshape(2, N, DP), hsm,
                        degp, p['lg_b'].reshape(1, H), p['mg1_b'].reshape(1, H),
                        p['mg2_w'])

    accm2 = _sc_conv1(hsm2, row2, col2, zDP)
    hsm3 = _t3_call(accm2.reshape(2, N, DP), hsm2, degp,
                    p['mg2_b'].reshape(1, H), p['mg3_w'])
    accm3 = _sc_conv1(hsm3, row2, col2, zDP)
    q, k, v = _t4_call(accm3.reshape(2, N, DP), hsm3, degp,
                       p['mg3_b'].reshape(1, H),
                       p['mha_wq'], p['mha_bq'].reshape(1, H),
                       p['mha_wk'], p['mha_bk'].reshape(1, H),
                       p['mha_wv'], p['mha_bv'].reshape(1, H))

    qh = q.reshape(N, NH, DH).transpose(1, 0, 2)
    kt = k.reshape(N, NH, DH).transpose(1, 2, 0)
    vh = v.reshape(N, NH, DH).transpose(1, 0, 2)
    va = jnp.concatenate([vh, jnp.ones((NH, N, 1), f32)], axis=2)
    o = _t5_call(qh, kt, va)
    o_pre = o.transpose(1, 0, 2).reshape(N, H)

    gi = _t5g_call(coords, ct, Qg, Kg.T, Vg)

    return _t6_call(hl, o_pre, gi, A0, A1, A2, ball,
                    p['fc2_w'], p['fc2_b'].reshape(1, H // 2),
                    p['fc3_w'], p['fc3_b'].reshape(1, 2))

# --- scband reference (transcript-rebuilt; emitter-appended) ---
"""Pipeline reference for scband-multi-scale-spring-gnn-37082747634274 (READ-ONLY COPY).

The authoritative reference and input builder live on the scoring server;
editing this copy changes nothing except your own understanding.
"""

import jax, jax.numpy as jnp
import numpy as np

N = 8192
E = 131072
D_IN = 128
H = 64
TOP_K = 32
NHEADS = 4

def _lin(key, i, o):
    w = jax.random.normal(key, (i, o), dtype=jnp.float32) * (1.0 / np.sqrt(i))
    return w, jnp.zeros((o,), jnp.float32)

def _init_params(key):
    ks = jax.random.split(key, 32)
    ki = iter(ks)
    feat = D_IN - 2
    comb = H + H // 4
    p = {}
    for pre in ('l', 'm', 'g'):
        p[pre + 'p_w'], p[pre + 'p_b'] = _lin(next(ki), feat, H)
        p[pre + 'c_w'], p[pre + 'c_b'] = _lin(next(ki), 2, H // 4)
    p['lg_w'], p['lg_b'] = _lin(next(ki), comb, H)
    p['lf_w'], p['lf_b'] = _lin(next(ki), H, 2)
    p['mg1_w'], p['mg1_b'] = _lin(next(ki), comb, H)
    p['mg2_w'], p['mg2_b'] = _lin(next(ki), H, H)
    p['mg3_w'], p['mg3_b'] = _lin(next(ki), H, H)
    p['mha_wq'], p['mha_bq'] = _lin(next(ki), H, H)
    p['mha_wk'], p['mha_bk'] = _lin(next(ki), H, H)
    p['mha_wv'], p['mha_bv'] = _lin(next(ki), H, H)
    p['mha_wo'], p['mha_bo'] = _lin(next(ki), H, H)
    p['mf_w'], p['mf_b'] = _lin(next(ki), H, 2)
    p['gq_w'], p['gq_b'] = _lin(next(ki), comb, H)
    p['gk_w'], p['gk_b'] = _lin(next(ki), comb, H)
    p['gv_w'], p['gv_b'] = _lin(next(ki), comb, H)
    p['gf_w'], p['gf_b'] = _lin(next(ki), H, 2)
    p['fc1_w'], p['fc1_b'] = _lin(next(ki), 6, H)
    p['fc2_w'], p['fc2_b'] = _lin(next(ki), H, H // 2)
    p['fc3_w'], p['fc3_b'] = _lin(next(ki), H // 2, 2)
    p['fw'] = jnp.ones((3,), jnp.float32)
    return p

def gcn_conv(x, ei, w, b):
    n = x.shape[0]
    sl = jnp.arange(n, dtype=ei.dtype)
    row = jnp.concatenate([ei[0], sl])
    col = jnp.concatenate([ei[1], sl])
    deg = jnp.zeros((n,), x.dtype).at[col].add(1.0)
    dis = 1.0 / jnp.sqrt(jnp.maximum(deg, 1.0))
    norm = dis[row] * dis[col]
    h = x @ w
    out = jnp.zeros((n, w.shape[1]), x.dtype).at[col].add(norm[:, None] * h[row])
    return out + b

def _mha(h, p):
    n = h.shape[0]
    dh = H // NHEADS
    q = (h @ p['mha_wq'] + p['mha_bq']).reshape(n, NHEADS, dh).transpose(1, 0, 2)
    k = (h @ p['mha_wk'] + p['mha_bk']).reshape(n, NHEADS, dh).transpose(1, 0, 2)
    v = (h @ p['mha_wv'] + p['mha_bv']).reshape(n, NHEADS, dh).transpose(1, 0, 2)
    scores = jnp.einsum('hnd,hmd->hnm', q, k) / np.sqrt(dh)
    attn = jax.nn.softmax(scores, axis=-1)
    o = jnp.einsum('hnm,hmd->hnd', attn, v).transpose(1, 0, 2).reshape(n, H)
    return o @ p['mha_wo'] + p['mha_bo']

def _cdist(c):
    sq = jnp.sum(c * c, axis=1)
    d2 = jnp.maximum(sq[:, None] + sq[None, :] - 2.0 * (c @ c.T), 0.0)
    d = jnp.sqrt(jnp.where(d2 <= 0.0, 1.0, d2))
    return jnp.where(d2 <= 0.0, 0.0, d)

def model_forward(x, p, edge_index):
    coords = x[:, -2:]
    feat = x[:, :-2]
    hl = jnp.concatenate([feat @ p['lp_w'] + p['lp_b'], coords @ p['lc_w'] + p['lc_b']], axis=-1)
    hl = jax.nn.relu(gcn_conv(hl, edge_index, p['lg_w'], p['lg_b']))
    f_local = hl @ p['lf_w'] + p['lf_b']
    hm = jnp.concatenate([feat @ p['mp_w'] + p['mp_b'], coords @ p['mc_w'] + p['mc_b']], axis=-1)
    hm = jax.nn.relu(gcn_conv(hm, edge_index, p['mg1_w'], p['mg1_b']))
    hm = jax.nn.relu(gcn_conv(hm, edge_index, p['mg2_w'], p['mg2_b']))
    hm = jax.nn.relu(gcn_conv(hm, edge_index, p['mg3_w'], p['mg3_b']))
    hm = _mha(hm, p)
    f_medium = hm @ p['mf_w'] + p['mf_b']
    hn = feat @ p['gp_w'] + p['gp_b']
    hc = coords @ p['gc_w'] + p['gc_b']
    hcat = jnp.concatenate([hn, hc], axis=-1)
    Q = hcat @ p['gq_w'] + p['gq_b']
    K = hcat @ p['gk_w'] + p['gk_b']
    V = hcat @ p['gv_w'] + p['gv_b']
    dist = _cdist(coords)
    negd, idx = jax.lax.top_k(-dist, TOP_K)
    d_topk = -negd
    k_topk = K[idx]
    v_topk = V[idx]
    scores = jnp.einsum('nd,nkd->nk', Q, k_topk) / np.sqrt(H) + 1.0 / (d_topk + 1e-06)
    attn = jax.nn.softmax(scores, axis=-1)
    gi = jnp.einsum('nk,nkd->nd', attn, v_topk)
    f_global = gi @ p['gf_w'] + p['gf_b']
    w = jax.nn.softmax(p['fw'])
    cf = jnp.concatenate([w[0] * f_local, w[1] * f_medium, w[2] * f_global], axis=-1)
    h2 = jax.nn.relu(cf @ p['fc1_w'] + p['fc1_b'])
    h2 = jax.nn.relu(h2 @ p['fc2_w'] + p['fc2_b'])
    return h2 @ p['fc3_w'] + p['fc3_b']

def setup_inputs(seed: int = 0):
    key = jax.random.key(seed)
    kx, ke, kp = jax.random.split(key, 3)
    x = jax.random.normal(kx, (N, D_IN), dtype=jnp.float32)
    edge_index = jax.random.randint(ke, (2, E), 0, N, dtype=jnp.int32)
    params = _init_params(kp)
    return {'x': x, 'params': params, 'edge_index': edge_index}

def reference(x, params, edge_index):
    return model_forward(x, params, edge_index)

if __name__ == "__main__":
    import jax
    _d = setup_inputs()
    print(jax.jit(kernel)(*tuple(_d.values())))

</pallas_src>

<mosaic_0001>
#map = affine_map<(d0, d1) -> (0, 0)>
module attributes {stable_mosaic.version = 14 : i64} {
  func.func @conv(%arg0: i32, %arg1: i32, %arg2: memref<8192x128xf32, #tpu.memory_space<hbm>>, %arg3: memref<1024x128xi32, #tpu.memory_space<hbm>>, %arg4: memref<1024x128xi32, #tpu.memory_space<hbm>>, %arg5: memref<512x128xf32, #tpu.memory_space<hbm>>, %arg6: memref<16384x128xf32, #tpu.memory_space<hbm>>, %arg7: memref<32x128xi32, #tpu.memory_space<vmem>>, %arg8: memref<32x128xi32, #tpu.memory_space<vmem>>, %arg9: memref<128x128xf32, #tpu.memory_space<vmem>>, %arg10: memref<128x128xf32, #tpu.memory_space<vmem>>, %arg11: memref<8192x128xf32, #tpu.memory_space<vmem_shared>>, %arg12: memref<!tpu.dma_semaphore, #tpu.memory_space<semaphore_mem>>, %arg13: memref<!tpu.dma_semaphore, #tpu.memory_space<semaphore_mem>>) attributes {dimension_semantics = [#tpu.dimension_semantics<core_parallel>, #tpu.dimension_semantics<subcore_parallel>], iteration_bounds = array<i64: 2, 16>, scalar_prefetch = 0 : i64, scratch_operands = 7 : i64, tpu.core_type = #tpu.core_type<sc_vector_subcore>, window_params = [{transform_indices = #map}, {transform_indices = #map}, {transform_indices = #map}, {transform_indices = #map}, {transform_indices = #map}]} {
    %mul3A = arith.constant 2 : i32
    %mul3A_0 = arith.muli %arg1, %mul3A : i32
    %add3A = arith.addi %mul3A_0, %arg0 : i32
    %mul3A_1 = arith.constant 512 : i32
    %mul3A_2 = arith.muli %arg1, %mul3A_1 : i32
    "tpu.region"() ({
      %run_scoped3A = tpu.sem_alloc : memref<!tpu.dma_semaphore, #tpu.memory_space<semaphore_mem>>
      %dma_start3A_32 = arith.constant 0 : i32
      %dma_start3A_33 = tpu.memref_slice %arg11[%mul3A_2, %dma_start3A_32] : memref<8192x128xf32, #tpu.memory_space<vmem_shared>> -> memref<512x128xf32, #tpu.memory_space<vmem_shared>>
      tpu.enqueue_dma source(%arg5 : memref<512x128xf32, #tpu.memory_space<hbm>>) target(%dma_start3A_33 : memref<512x128xf32, #tpu.memory_space<vmem_shared>>) target_semaphore(%run_scoped3A : memref<!tpu.dma_semaphore, #tpu.memory_space<semaphore_mem>>)
      %dma_wait3A_34 = arith.constant 0 : i32
      %dma_wait3A_35 = tpu.memref_slice %arg11[%mul3A_2, %dma_wait3A_34] : memref<8192x128xf32, #tpu.memory_space<vmem_shared>> -> memref<512x128xf32, #tpu.memory_space<vmem_shared>>
      tpu.wait_dma2 semaphore(%run_scoped3A : memref<!tpu.dma_semaphore, #tpu.memory_space<semaphore_mem>>) src(%arg5 : memref<512x128xf32, #tpu.memory_space<hbm>>) dst(%dma_wait3A_35 : memref<512x128xf32, #tpu.memory_space<vmem_shared>>)
      tpu.yield
    }) : () -> ()
    %mul3A_3 = arith.constant 32 : i32
    %mul3A_4 = arith.muli %add3A, %mul3A_3 : i32
    "tpu.region"() ({
      %run_scoped3A = tpu.sem_alloc : memref<!tpu.dma_semaphore, #tpu.memory_space<semaphore_mem>>
      %dma_start3A_32 = arith.constant 0 : i32
      %dma_start3A_33 = tpu.memref_slice %arg3[%mul3A_4, %dma_start3A_32] : memref<1024x128xi32, #tpu.memory_space<hbm>> -> memref<32x128xi32, #tpu.memory_space<hbm>>
      %dma_start3A_34 = arith.constant 0 : i32
      %dma_start3A_35 = tpu.memref_slice %arg3[%mul3A_4, %dma_start3A_34] : memref<1024x128xi32, #tpu.memory_space<hbm>> -> memref<32x128xi32, #tpu.memory_space<hbm>>
      tpu.enqueue_dma source(%dma_start3A_35 : memref<32x128xi32, #tpu.memory_space<hbm>>) target(%arg7 : memref<32x128xi32, #tpu.memory_space<vmem>>) target_semaphore(%run_scoped3A : memref<!tpu.dma_semaphore, #tpu.memory_space<semaphore_mem>>)
      %dma_wait3A_36 = arith.constant 0 : i32
      %dma_wait3A_37 = tpu.memref_slice %arg3[%mul3A_4, %dma_wait3A_36] : memref<1024x128xi32, #tpu.memory_space<hbm>> -> memref<32x128xi32, #tpu.memory_space<hbm>>
      %dma_wait3A_38 = arith.constant 0 : i32
      %dma_wait3A_39 = tpu.memref_slice %arg3[%mul3A_4, %dma_wait3A_38] : memref<1024x128xi32, #tpu.memory_space<hbm>> -> memref<32x128xi32, #tpu.memory_space<hbm>>
      tpu.wait_dma2 semaphore(%run_scoped3A : memref<!tpu.dma_semaphore, #tpu.memory_space<semaphore_mem>>) src(%dma_wait3A_39 : memref<32x128xi32, #tpu.memory_space<hbm>>) dst(%arg7 : memref<32x128xi32, #tpu.memory_space<vmem>>)
      tpu.yield
    }) : () -> ()
    %mul3A_5 = arith.constant 32 : i32
    %mul3A_6 = arith.muli %add3A, %mul3A_5 : i32
    "tpu.region"() ({
      %run_scoped3A = tpu.sem_alloc : memref<!tpu.dma_semaphore, #tpu.memory_space<semaphore_mem>>
      %dma_start3A_32 = arith.constant 0 : i32
      %dma_start3A_33 = tpu.memref_slice %arg4[%mul3A_6, %dma_start3A_32] : memref<1024x128xi32, #tpu.memory_space<hbm>> -> memref<32x128xi32, #tpu.memory_space<hbm>>
      %dma_start3A_34 = arith.constant 0 : i32
      %dma_start3A_35 = tpu.memref_slice %arg4[%mul3A_6, %dma_start3A_34] : memref<1024x128xi32, #tpu.memory_space<hbm>> -> memref<32x128xi32, #tpu.memory_space<hbm>>
      tpu.enqueue_dma source(%dma_start3A_35 : memref<32x128xi32, #tpu.memory_space<hbm>>) target(%arg8 : memref<32x128xi32, #tpu.memory_space<vmem>>) target_semaphore(%run_scoped3A : memref<!tpu.dma_semaphore, #tpu.memory_space<semaphore_mem>>)
      %dma_wait3A_36 = arith.constant 0 : i32
      %dma_wait3A_37 = tpu.memref_slice %arg4[%mul3A_6, %dma_wait3A_36] : memref<1024x128xi32, #tpu.memory_space<hbm>> -> memref<32x128xi32, #tpu.memory_space<hbm>>
      %dma_wait3A_38 = arith.constant 0 : i32
      %dma_wait3A_39 = tpu.memref_slice %arg4[%mul3A_6, %dma_wait3A_38] : memref<1024x128xi32, #tpu.memory_space<hbm>> -> memref<32x128xi32, #tpu.memory_space<hbm>>
      tpu.wait_dma2 semaphore(%run_scoped3A : memref<!tpu.dma_semaphore, #tpu.memory_space<semaphore_mem>>) src(%dma_wait3A_39 : memref<32x128xi32, #tpu.memory_space<hbm>>) dst(%arg8 : memref<32x128xi32, #tpu.memory_space<vmem>>)
      tpu.yield
    }) : () -> ()
    %barrier3A = arith.constant 0 : index
    tpu.barrier barrier_id(%barrier3A)
    %dma_start3A = arith.constant 0 : i32
    %dma_start3A_7 = arith.constant 0 : i32
    %dma_start3A_8 = tpu.memref_slice %arg7[%dma_start3A, %dma_start3A_7] : memref<32x128xi32, #tpu.memory_space<vmem>> -> memref<1x128xi32, #tpu.memory_space<vmem>>
    %dma_start3A_9 = tpu.memref_squeeze %dma_start3A_8 : memref<1x128xi32, #tpu.memory_space<vmem>> -> memref<128xi32, #tpu.memory_space<vmem>>
    %dma_start3A_10 = arith.constant 0 : i32
    %dma_start3A_11 = arith.constant 0 : i32
    %dma_start3A_12 = tpu.memref_slice %arg2[%dma_start3A_10, %dma_start3A_11] : memref<8192x128xf32, #tpu.memory_space<hbm>> -> memref<8192x128xf32, #tpu.memory_space<hbm>>
    tpu.enqueue_indirect_dma source(%dma_start3A_12 : memref<8192x128xf32, #tpu.memory_space<hbm>>) target(%arg9 : memref<128x128xf32, #tpu.memory_space<vmem>>) offsets(%dma_start3A_9 : memref<128xi32, #tpu.memory_space<vmem>>) semaphore(%arg12 : memref<!tpu.dma_semaphore, #tpu.memory_space<semaphore_mem>>)
    %scan3A = arith.constant 0 : i32
    %scan3A_13 = arith.constant 0 : i32
    %scan3A_14 = arith.constant 16 : i32
    %scan3A_15 = arith.addi %scan3A_13, %scan3A_14 : i32
    %scan3A_16 = arith.constant 1 : i32
    scf.for %scan3A_32 = %scan3A_13 to %scan3A_15 step %scan3A_16  : i32 {
      %mul3A_33 = arith.constant 2 : i32
      %mul3A_34 = arith.muli %mul3A_33, %scan3A_32 : i32
      %add3A_35 = arith.constant 1 : i32
      %add3A_36 = arith.addi %mul3A_34, %add3A_35 : i32
      %add3A_37 = arith.constant 2 : i32
      %add3A_38 = arith.addi %mul3A_34, %add3A_37 : i32
      %min3A = arith.constant 31 : i32
      %min3A_39 = arith.minsi %add3A_38, %min3A : i32
      %dma_wait3A_40 = arith.constant 0 : i32
      %dma_wait3A_41 = arith.constant 0 : i32
      %dma_wait3A_42 = tpu.memref_slice %arg7[%dma_wait3A_40, %dma_wait3A_41] : memref<32x128xi32, #tpu.memory_space<vmem>> -> memref<1x128xi32, #tpu.memory_space<vmem>>
      %dma_wait3A_43 = tpu.memref_squeeze %dma_wait3A_42 : memref<1x128xi32, #tpu.memory_space<vmem>> -> memref<128xi32, #tpu.memory_space<vmem>>
      %dma_wait3A_44 = arith.constant 0 : i32
      %dma_wait3A_45 = arith.constant 0 : i32
      %dma_wait3A_46 = tpu.memref_slice %arg2[%dma_wait3A_44, %dma_wait3A_45] : memref<8192x128xf32, #tpu.memory_space<hbm>> -> memref<8192x128xf32, #tpu.memory_space<hbm>>
      tpu.wait_indirect_dma semaphore(%arg12 : memref<!tpu.dma_semaphore, #tpu.memory_space<semaphore_mem>>) src(%dma_wait3A_46 : memref<8192x128xf32, #tpu.memory_space<hbm>>) dst(%arg9 : memref<128x128xf32, #tpu.memory_space<vmem>>)
      %dma_start3A_47 = arith.constant 0 : i32
      %dma_start3A_48 = tpu.memref_slice %arg7[%add3A_36, %dma_start3A_47] : memref<32x128xi32, #tpu.memory_space<vmem>> -> memref<1x128xi32, #tpu.memory_space<vmem>>
      %dma_start3A_49 = tpu.memref_squeeze %dma_start3A_48 : memref<1x128xi32, #tpu.memory_space<vmem>> -> memref<128xi32, #tpu.memory_space<vmem>>
      %dma_start3A_50 = arith.constant 0 : i32
      %dma_start3A_51 = arith.constant 0 : i32
      %dma_start3A_52 = tpu.memref_slice %arg2[%dma_start3A_50, %dma_start3A_51] : memref<8192x128xf32, #tpu.memory_space<hbm>> -> memref<8192x128xf32, #tpu.memory_space<hbm>>
      tpu.enqueue_indirect_dma source(%dma_start3A_52 : memref<8192x128xf32, #tpu.memory_space<hbm>>) target(%arg10 : memref<128x128xf32, #tpu.memory_space<vmem>>) offsets(%dma_start3A_49 : memref<128xi32, #tpu.memory_space<vmem>>) semaphore(%arg13 : memref<!tpu.dma_semaphore, #tpu.memory_space<semaphore_mem>>)
      "tpu.region"() ({
        %run_scoped3A = tpu.sem_alloc : memref<!tpu.dma_semaphore, #tpu.memory_space<semaphore_mem>>
        %dma_start3A_66 = arith.constant 0 : i32
        %dma_start3A_67 = tpu.memref_slice %arg8[%mul3A_34, %dma_start3A_66] : memref<32x128xi32, #tpu.memory_space<vmem>> -> memref<1x128xi32, #tpu.memory_space<vmem>>
        %dma_start3A_68 = tpu.memref_squeeze %dma_start3A_67 : memref<1x128xi32, #tpu.memory_space<vmem>> -> memref<128xi32, #tpu.memory_space<vmem>>
        %dma_start3A_69 = arith.constant 0 : i32
        %dma_start3A_70 = arith.constant 0 : i32
        %dma_start3A_71 = tpu.memref_slice %arg11[%dma_start3A_69, %dma_start3A_70] : memref<8192x128xf32, #tpu.memory_space<vmem_shared>> -> memref<8192x128xf32, #tpu.memory_space<vmem_shared>>
        tpu.enqueue_indirect_dma source(%arg9 : memref<128x128xf32, #tpu.memory_space<vmem>>) target(%dma_start3A_71 : memref<8192x128xf32, #tpu.memory_space<vmem_shared>>) offsets(%dma_start3A_68 : memref<128xi32, #tpu.memory_space<vmem>>) semaphore(%run_scoped3A : memref<!tpu.dma_semaphore, #tpu.memory_space<semaphore_mem>>) {add = true}
        %dma_wait3A_72 = arith.constant 0 : i32
        %dma_wait3A_73 = tpu.memref_slice %arg8[%mul3A_34, %dma_wait3A_72] : memref<32x128xi32, #tpu.memory_space<vmem>> -> memref<1x128xi32, #tpu.memory_space<vmem>>
        %dma_wait3A_74 = tpu.memref_squeeze %dma_wait3A_73 : memref<1x128xi32, #tpu.memory_space<vmem>> -> memref<128xi32, #tpu.memory_space<vmem>>
        %dma_wait3A_75 = arith.constant 0 : i32
        %dma_wait3A_76 = arith.constant 0 : i32
        %dma_wait3A_77 = tpu.memref_slice %arg11[%dma_wait3A_75, %dma_wait3A_76] : memref<8192x128xf32, #tpu.memory_space<vmem_shared>> -> memref<8192x128xf32, #tpu.memory_space<vmem_shared>>
        tpu.wait_indirect_dma semaphore(%run_scoped3A : memref<!tpu.dma_semaphore, #tpu.memory_space<semaphore_mem>>) src(%arg9 : memref<128x128xf32, #tpu.memory_space<vmem>>) dst(%dma_wait3A_77 : memref<8192x128xf32, #tpu.memory_space<vmem_shared>>)
        tpu.yield
      }) : () -> ()
      %dma_wait3A_53 = arith.constant 0 : i32
      %dma_wait3A_54 = arith.constant 0 : i32
      %dma_wait3A_55 = tpu.memref_slice %arg7[%dma_wait3A_53, %dma_wait3A_54] : memref<32x128xi32, #tpu.memory_space<vmem>> -> memref<1x128xi32, #tpu.memory_space<vmem>>
      %dma_wait3A_56 = tpu.memref_squeeze %dma_wait3A_55 : memref<1x128xi32, #tpu.memory_space<vmem>> -> memref<128xi32, #tpu.memory_space<vmem>>
      %dma_wait3A_57 = arith.constant 0 : i32
      %dma_wait3A_58 = arith.constant 0 : i32
      %dma_wait3A_59 = tpu.memref_slice %arg2[%dma_wait3A_57, %dma_wait3A_58] : memref<8192x128xf32, #tpu.memory_space<hbm>> -> memref<8192x128xf32, #tpu.memory_space<hbm>>
      tpu.wait_indirect_dma semaphore(%arg13 : memref<!tpu.dma_semaphore, #tpu.memory_space<semaphore_mem>>) src(%dma_wait3A_59 : memref<8192x128xf32, #tpu.memory_space<hbm>>) dst(%arg10 : memref<128x128xf32, #tpu.memory_space<vmem>>)
      %dma_start3A_60 = arith.constant 0 : i32
      %dma_start3A_61 = tpu.memref_slice %arg7[%min3A_39, %dma_start3A_60] : memref<32x128xi32, #tpu.memory_space<vmem>> -> memref<1x128xi32, #tpu.memory_space<vmem>>
      %dma_start3A_62 = tpu.memref_squeeze %dma_start3A_61 : memref<1x128xi32, #tpu.memory_space<vmem>> -> memref<128xi32, #tpu.memory_space<vmem>>
      %dma_start3A_63 = arith.constant 0 : i32
      %dma_start3A_64 = arith.constant 0 : i32
      %dma_start3A_65 = tpu.memref_slice %arg2[%dma_start3A_63, %dma_start3A_64] : memref<8192x128xf32, #tpu.memory_space<hbm>> -> memref<8192x128xf32, #tpu.memory_space<hbm>>
      tpu.enqueue_indirect_dma source(%dma_start3A_65 : memref<8192x128xf32, #tpu.memory_space<hbm>>) target(%arg9 : memref<128x128xf32, #tpu.memory_space<vmem>>) offsets(%dma_start3A_62 : memref<128xi32, #tpu.memory_space<vmem>>) semaphore(%arg12 : memref<!tpu.dma_semaphore, #tpu.memory_space<semaphore_mem>>)
      "tpu.region"() ({
        %run_scoped3A = tpu.sem_alloc : memref<!tpu.dma_semaphore, #tpu.memory_space<semaphore_mem>>
        %dma_start3A_66 = arith.constant 0 : i32
        %dma_start3A_67 = tpu.memref_slice %arg8[%add3A_36, %dma_start3A_66] : memref<32x128xi32, #tpu.memory_space<vmem>> -> memref<1x128xi32, #tpu.memory_space<vmem>>
        %dma_start3A_68 = tpu.memref_squeeze %dma_start3A_67 : memref<1x128xi32, #tpu.memory_space<vmem>> -> memref<128xi32, #tpu.memory_space<vmem>>
        %dma_start3A_69 = arith.constant 0 : i32
        %dma_start3A_70 = arith.constant 0 : i32
        %dma_start3A_71 = tpu.memref_slice %arg11[%dma_start3A_69, %dma_start3A_70] : memref<8192x128xf32, #tpu.memory_space<vmem_shared>> -> memref<8192x128xf32, #tpu.memory_space<vmem_shared>>
        tpu.enqueue_indirect_dma source(%arg10 : memref<128x128xf32, #tpu.memory_space<vmem>>) target(%dma_start3A_71 : memref<8192x128xf32, #tpu.memory_space<vmem_shared>>) offsets(%dma_start3A_68 : memref<128xi32, #tpu.memory_space<vmem>>) semaphore(%run_scoped3A : memref<!tpu.dma_semaphore, #tpu.memory_space<semaphore_mem>>) {add = true}
        %dma_wait3A_72 = arith.constant 0 : i32
        %dma_wait3A_73 = tpu.memref_slice %arg8[%add3A_36, %dma_wait3A_72] : memref<32x128xi32, #tpu.memory_space<vmem>> -> memref<1x128xi32, #tpu.memory_space<vmem>>
        %dma_wait3A_74 = tpu.memref_squeeze %dma_wait3A_73 : memref<1x128xi32, #tpu.memory_space<vmem>> -> memref<128xi32, #tpu.memory_space<vmem>>
        %dma_wait3A_75 = arith.constant 0 : i32
        %dma_wait3A_76 = arith.constant 0 : i32
        %dma_wait3A_77 = tpu.memref_slice %arg11[%dma_wait3A_75, %dma_wait3A_76] : memref<8192x128xf32, #tpu.memory_space<vmem_shared>> -> memref<8192x128xf32, #tpu.memory_space<vmem_shared>>
        tpu.wait_indirect_dma semaphore(%run_scoped3A : memref<!tpu.dma_semaphore, #tpu.memory_space<semaphore_mem>>) src(%arg10 : memref<128x128xf32, #tpu.memory_space<vmem>>) dst(%dma_wait3A_77 : memref<8192x128xf32, #tpu.memory_space<vmem_shared>>)
        tpu.yield
      }) : () -> ()
    }
    %scan3A_17 = arith.constant 16 : i32
    %dma_wait3A = arith.constant 0 : i32
    %dma_wait3A_18 = arith.constant 0 : i32
    %dma_wait3A_19 = tpu.memref_slice %arg7[%dma_wait3A, %dma_wait3A_18] : memref<32x128xi32, #tpu.memory_space<vmem>> -> memref<1x128xi32, #tpu.memory_space<vmem>>
    %dma_wait3A_20 = tpu.memref_squeeze %dma_wait3A_19 : memref<1x128xi32, #tpu.memory_space<vmem>> -> memref<128xi32, #tpu.memory_space<vmem>>
    %dma_wait3A_21 = arith.constant 0 : i32
    %dma_wait3A_22 = arith.constant 0 : i32
    %dma_wait3A_23 = tpu.memref_slice %arg2[%dma_wait3A_21, %dma_wait3A_22] : memref<8192x128xf32, #tpu.memory_space<hbm>> -> memref<8192x128xf32, #tpu.memory_space<hbm>>
    tpu.wait_indirect_dma semaphore(%arg12 : memref<!tpu.dma_semaphore, #tpu.memory_space<semaphore_mem>>) src(%dma_wait3A_23 : memref<8192x128xf32, #tpu.memory_space<hbm>>) dst(%arg9 : memref<128x128xf32, #tpu.memory_space<vmem>>)
    %barrier3A_24 = arith.constant 0 : index
    tpu.barrier barrier_id(%barrier3A_24)
    %mul3A_25 = arith.constant 512 : i32
    %mul3A_26 = arith.muli %arg1, %mul3A_25 : i32
    %mul3A_27 = arith.constant 8192 : i32
    %mul3A_28 = arith.muli %arg0, %mul3A_27 : i32
    %mul3A_29 = arith.constant 512 : i32
    %mul3A_30 = arith.muli %arg1, %mul3A_29 : i32
    %add3A_31 = arith.addi %mul3A_28, %mul3A_30 : i32
    "tpu.region"() ({
      %run_scoped3A = tpu.sem_alloc : memref<!tpu.dma_semaphore, #tpu.memory_space<semaphore_mem>>
      %dma_start3A_32 = arith.constant 0 : i32
      %dma_start3A_33 = tpu.memref_slice %arg6[%add3A_31, %dma_start3A_32] : memref<16384x128xf32, #tpu.memory_space<hbm>> -> memref<512x128xf32, #tpu.memory_space<hbm>>
      %dma_start3A_34 = arith.constant 0 : i32
      %dma_start3A_35 = tpu.memref_slice %arg11[%mul3A_26, %dma_start3A_34] : memref<8192x128xf32, #tpu.memory_space<vmem_shared>> -> memref<512x128xf32, #tpu.memory_space<vmem_shared>>
      tpu.enqueue_dma source(%dma_start3A_35 : memref<512x128xf32, #tpu.memory_space<vmem_shared>>) target(%dma_start3A_33 : memref<512x128xf32, #tpu.memory_space<hbm>>) target_semaphore(%run_scoped3A : memref<!tpu.dma_semaphore, #tpu.memory_space<semaphore_mem>>)
      %dma_wait3A_36 = arith.constant 0 : i32
      %dma_wait3A_37 = tpu.memref_slice %arg6[%add3A_31, %dma_wait3A_36] : memref<16384x128xf32, #tpu.memory_space<hbm>> -> memref<512x128xf32, #tpu.memory_space<hbm>>
      %dma_wait3A_38 = arith.constant 0 : i32
      %dma_wait3A_39 = tpu.memref_slice %arg11[%mul3A_26, %dma_wait3A_38] : memref<8192x128xf32, #tpu.memory_space<vmem_shared>> -> memref<512x128xf32, #tpu.memory_space<vmem_shared>>
      tpu.wait_dma2 semaphore(%run_scoped3A : memref<!tpu.dma_semaphore, #tpu.memory_space<semaphore_mem>>) src(%dma_wait3A_39 : memref<512x128xf32, #tpu.memory_space<vmem_shared>>) dst(%dma_wait3A_37 : memref<512x128xf32, #tpu.memory_space<hbm>>)
      tpu.yield
    }) : () -> ()
    return
  }
}

#map = affine_map<(d0, d1) -> (0, 0)>
module attributes {stable_mosaic.version = 14 : i64} {
  func.func @conv(%arg0: i32, %arg1: i32, %arg2: memref<8192x128xf32, #tpu.memory_space<hbm>>, %arg3: memref<1024x128xi32, #tpu.memory_space<hbm>>, %arg4: memref<1024x128xi32, #tpu.memory_space<hbm>>, %arg5: memref<512x128xf32, #tpu.memory_space<hbm>>, %arg6: memref<16384x128xf32, #tpu.memory_space<hbm>>, %arg7: memref<32x128xi32, #tpu.memory_space<vmem>>, %arg8: memref<32x128xi32, #tpu.memory_space<vmem>>, %arg9: memref<128x128xf32, #tpu.memory_space<vmem>>, %arg10: memref<128x128xf32, #tpu.memory_space<vmem>>, %arg11: memref<8192x128xf32, #tpu.memory_space<vmem_shared>>, %arg12: memref<!tpu.dma_semaphore, #tpu.memory_space<semaphore_mem>>, %arg13: memref<!tpu.dma_semaphore, #tpu.memory_space<semaphore_mem>>) attributes {dimension_semantics = [#tpu.dimension_semantics<core_parallel>, #tpu.dimension_semantics<subcore_parallel>], iteration_bounds = array<i64: 2, 16>, scalar_prefetch = 0 : i64, scratch_operands = 7 : i64, tpu.core_type = #tpu.core_type<sc_vector_subcore>, window_params = [{transform_indices = #map}, {transform_indices = #map}, {transform_indices = #map}, {transform_indices = #map}, {transform_indices = #map}]} {
    %mul3A = arith.constant 2 : i32
    %mul3A_0 = arith.muli %arg1, %mul3A : i32
    %add3A = arith.addi %mul3A_0, %arg0 : i32
    %mul3A_1 = arith.constant 512 : i32
    %mul3A_2 = arith.muli %arg1, %mul3A_1 : i32
    "tpu.region"() ({
      %run_scoped3A = tpu.sem_alloc : memref<!tpu.dma_semaphore, #tpu.memory_space<semaphore_mem>>
      %dma_start3A_32 = arith.constant 0 : i32
      %dma_start3A_33 = tpu.memref_slice %arg11[%mul3A_2, %dma_start3A_32] : memref<8192x128xf32, #tpu.memory_space<vmem_shared>> -> memref<512x128xf32, #tpu.memory_space<vmem_shared>>
      tpu.enqueue_dma source(%arg5 : memref<512x128xf32, #tpu.memory_space<hbm>>) target(%dma_start3A_33 : memref<512x128xf32, #tpu.memory_space<vmem_shared>>) target_semaphore(%run_scoped3A : memref<!tpu.dma_semaphore, #tpu.memory_space<semaphore_mem>>)
      %dma_wait3A_34 = arith.constant 0 : i32
      %dma_wait3A_35 = tpu.memref_slice %arg11[%mul3A_2, %dma_wait3A_34] : memref<8192x128xf32, #tpu.memory_space<vmem_shared>> -> memref<512x128xf32, #tpu.memory_space<vmem_shared>>
      tpu.wait_dma2 semaphore(%run_scoped3A : memref<!tpu.dma_semaphore, #tpu.memory_space<semaphore_mem>>) src(%arg5 : memref<512x128xf32, #tpu.memory_space<hbm>>) dst(%dma_wait3A_35 : memref<512x128xf32, #tpu.memory_space<vmem_shared>>)
      tpu.yield
    }) : () -> ()
    %mul3A_3 = arith.constant 32 : i32
    %mul3A_4 = arith.muli %add3A, %mul3A_3 : i32
    "tpu.region"() ({
      %run_scoped3A = tpu.sem_alloc : memref<!tpu.dma_semaphore, #tpu.memory_space<semaphore_mem>>
      %dma_start3A_32 = arith.constant 0 : i32
      %dma_start3A_33 = tpu.memref_slice %arg3[%mul3A_4, %dma_start3A_32] : memref<1024x128xi32, #tpu.memory_space<hbm>> -> memref<32x128xi32, #tpu.memory_space<hbm>>
      %dma_start3A_34 = arith.constant 0 : i32
      %dma_start3A_35 = tpu.memref_slice %arg3[%mul3A_4, %dma_start3A_34] : memref<1024x128xi32, #tpu.memory_space<hbm>> -> memref<32x128xi32, #tpu.memory_space<hbm>>
      tpu.enqueue_dma source(%dma_start3A_35 : memref<32x128xi32, #tpu.memory_space<hbm>>) target(%arg7 : memref<32x128xi32, #tpu.memory_space<vmem>>) target_semaphore(%run_scoped3A : memref<!tpu.dma_semaphore, #tpu.memory_space<semaphore_mem>>)
      %dma_wait3A_36 = arith.constant 0 : i32
      %dma_wait3A_37 = tpu.memref_slice %arg3[%mul3A_4, %dma_wait3A_36] : memref<1024x128xi32, #tpu.memory_space<hbm>> -> memref<32x128xi32, #tpu.memory_space<hbm>>
      %dma_wait3A_38 = arith.constant 0 : i32
      %dma_wait3A_39 = tpu.memref_slice %arg3[%mul3A_4, %dma_wait3A_38] : memref<1024x128xi32, #tpu.memory_space<hbm>> -> memref<32x128xi32, #tpu.memory_space<hbm>>
      tpu.wait_dma2 semaphore(%run_scoped3A : memref<!tpu.dma_semaphore, #tpu.memory_space<semaphore_mem>>) src(%dma_wait3A_39 : memref<32x128xi32, #tpu.memory_space<hbm>>) dst(%arg7 : memref<32x128xi32, #tpu.memory_space<vmem>>)
      tpu.yield
    }) : () -> ()
    %mul3A_5 = arith.constant 32 : i32
    %mul3A_6 = arith.muli %add3A, %mul3A_5 : i32
    "tpu.region"() ({
      %run_scoped3A = tpu.sem_alloc : memref<!tpu.dma_semaphore, #tpu.memory_space<semaphore_mem>>
      %dma_start3A_32 = arith.constant 0 : i32
      %dma_start3A_33 = tpu.memref_slice %arg4[%mul3A_6, %dma_start3A_32] : memref<1024x128xi32, #tpu.memory_space<hbm>> -> memref<32x128xi32, #tpu.memory_space<hbm>>
      %dma_start3A_34 = arith.constant 0 : i32
      %dma_start3A_35 = tpu.memref_slice %arg4[%mul3A_6, %dma_start3A_34] : memref<1024x128xi32, #tpu.memory_space<hbm>> -> memref<32x128xi32, #tpu.memory_space<hbm>>
      tpu.enqueue_dma source(%dma_start3A_35 : memref<32x128xi32, #tpu.memory_space<hbm>>) target(%arg8 : memref<32x128xi32, #tpu.memory_space<vmem>>) target_semaphore(%run_scoped3A : memref<!tpu.dma_semaphore, #tpu.memory_space<semaphore_mem>>)
      %dma_wait3A_36 = arith.constant 0 : i32
      %dma_wait3A_37 = tpu.memref_slice %arg4[%mul3A_6, %dma_wait3A_36] : memref<1024x128xi32, #tpu.memory_space<hbm>> -> memref<32x128xi32, #tpu.memory_space<hbm>>
      %dma_wait3A_38 = arith.constant 0 : i32
      %dma_wait3A_39 = tpu.memref_slice %arg4[%mul3A_6, %dma_wait3A_38] : memref<1024x128xi32, #tpu.memory_space<hbm>> -> memref<32x128xi32, #tpu.memory_space<hbm>>
      tpu.wait_dma2 semaphore(%run_scoped3A : memref<!tpu.dma_semaphore, #tpu.memory_space<semaphore_mem>>) src(%dma_wait3A_39 : memref<32x128xi32, #tpu.memory_space<hbm>>) dst(%arg8 : memref<32x128xi32, #tpu.memory_space<vmem>>)
      tpu.yield
    }) : () -> ()
    %barrier3A = arith.constant 0 : index
    tpu.barrier barrier_id(%barrier3A)
    %dma_start3A = arith.constant 0 : i32
    %dma_start3A_7 = arith.constant 0 : i32
    %dma_start3A_8 = tpu.memref_slice %arg7[%dma_start3A, %dma_start3A_7] : memref<32x128xi32, #tpu.memory_space<vmem>> -> memref<1x128xi32, #tpu.memory_space<vmem>>
    %dma_start3A_9 = tpu.memref_squeeze %dma_start3A_8 : memref<1x128xi32, #tpu.memory_space<vmem>> -> memref<128xi32, #tpu.memory_space<vmem>>
    %dma_start3A_10 = arith.constant 0 : i32
    %dma_start3A_11 = arith.constant 0 : i32
    %dma_start3A_12 = tpu.memref_slice %arg2[%dma_start3A_10, %dma_start3A_11] : memref<8192x128xf32, #tpu.memory_space<hbm>> -> memref<8192x128xf32, #tpu.memory_space<hbm>>
    tpu.enqueue_indirect_dma source(%dma_start3A_12 : memref<8192x128xf32, #tpu.memory_space<hbm>>) target(%arg9 : memref<128x128xf32, #tpu.memory_space<vmem>>) offsets(%dma_start3A_9 : memref<128xi32, #tpu.memory_space<vmem>>) semaphore(%arg12 : memref<!tpu.dma_semaphore, #tpu.memory_space<semaphore_mem>>)
    %scan3A = arith.constant 0 : i32
    %scan3A_13 = arith.constant 0 : i32
    %scan3A_14 = arith.constant 16 : i32
    %scan3A_15 = arith.addi %scan3A_13, %scan3A_14 : i32
    %scan3A_16 = arith.constant 1 : i32
    scf.for %scan3A_32 = %scan3A_13 to %scan3A_15 step %scan3A_16  : i32 {
      %mul3A_33 = arith.constant 2 : i32
      %mul3A_34 = arith.muli %mul3A_33, %scan3A_32 : i32
      %add3A_35 = arith.constant 1 : i32
      %add3A_36 = arith.addi %mul3A_34, %add3A_35 : i32
      %add3A_37 = arith.constant 2 : i32
      %add3A_38 = arith.addi %mul3A_34, %add3A_37 : i32
      %min3A = arith.constant 31 : i32
      %min3A_39 = arith.minsi %add3A_38, %min3A : i32
      %dma_wait3A_40 = arith.constant 0 : i32
      %dma_wait3A_41 = arith.constant 0 : i32
      %dma_wait3A_42 = tpu.memref_slice %arg7[%dma_wait3A_40, %dma_wait3A_41] : memref<32x128xi32, #tpu.memory_space<vmem>> -> memref<1x128xi32, #tpu.memory_space<vmem>>
      %dma_wait3A_43 = tpu.memref_squeeze %dma_wait3A_42 : memref<1x128xi32, #tpu.memory_space<vmem>> -> memref<128xi32, #tpu.memory_space<vmem>>
      %dma_wait3A_44 = arith.constant 0 : i32
      %dma_wait3A_45 = arith.constant 0 : i32
      %dma_wait3A_46 = tpu.memref_slice %arg2[%dma_wait3A_44, %dma_wait3A_45] : memref<8192x128xf32, #tpu.memory_space<hbm>> -> memref<8192x128xf32, #tpu.memory_space<hbm>>
      tpu.wait_indirect_dma semaphore(%arg12 : memref<!tpu.dma_semaphore, #tpu.memory_space<semaphore_mem>>) src(%dma_wait3A_46 : memref<8192x128xf32, #tpu.memory_space<hbm>>) dst(%arg9 : memref<128x128xf32, #tpu.memory_space<vmem>>)
      %dma_start3A_47 = arith.constant 0 : i32
      %dma_start3A_48 = tpu.memref_slice %arg7[%add3A_36, %dma_start3A_47] : memref<32x128xi32, #tpu.memory_space<vmem>> -> memref<1x128xi32, #tpu.memory_space<vmem>>
      %dma_start3A_49 = tpu.memref_squeeze %dma_start3A_48 : memref<1x128xi32, #tpu.memory_space<vmem>> -> memref<128xi32, #tpu.memory_space<vmem>>
      %dma_start3A_50 = arith.constant 0 : i32
      %dma_start3A_51 = arith.constant 0 : i32
      %dma_start3A_52 = tpu.memref_slice %arg2[%dma_start3A_50, %dma_start3A_51] : memref<8192x128xf32, #tpu.memory_space<hbm>> -> memref<8192x128xf32, #tpu.memory_space<hbm>>
      tpu.enqueue_indirect_dma source(%dma_start3A_52 : memref<8192x128xf32, #tpu.memory_space<hbm>>) target(%arg10 : memref<128x128xf32, #tpu.memory_space<vmem>>) offsets(%dma_start3A_49 : memref<128xi32, #tpu.memory_space<vmem>>) semaphore(%arg13 : memref<!tpu.dma_semaphore, #tpu.memory_space<semaphore_mem>>)
      "tpu.region"() ({
        %run_scoped3A = tpu.sem_alloc : memref<!tpu.dma_semaphore, #tpu.memory_space<semaphore_mem>>
        %dma_start3A_66 = arith.constant 0 : i32
        %dma_start3A_67 = tpu.memref_slice %arg8[%mul3A_34, %dma_start3A_66] : memref<32x128xi32, #tpu.memory_space<vmem>> -> memref<1x128xi32, #tpu.memory_space<vmem>>
        %dma_start3A_68 = tpu.memref_squeeze %dma_start3A_67 : memref<1x128xi32, #tpu.memory_space<vmem>> -> memref<128xi32, #tpu.memory_space<vmem>>
        %dma_start3A_69 = arith.constant 0 : i32
        %dma_start3A_70 = arith.constant 0 : i32
        %dma_start3A_71 = tpu.memref_slice %arg11[%dma_start3A_69, %dma_start3A_70] : memref<8192x128xf32, #tpu.memory_space<vmem_shared>> -> memref<8192x128xf32, #tpu.memory_space<vmem_shared>>
        tpu.enqueue_indirect_dma source(%arg9 : memref<128x128xf32, #tpu.memory_space<vmem>>) target(%dma_start3A_71 : memref<8192x128xf32, #tpu.memory_space<vmem_shared>>) offsets(%dma_start3A_68 : memref<128xi32, #tpu.memory_space<vmem>>) semaphore(%run_scoped3A : memref<!tpu.dma_semaphore, #tpu.memory_space<semaphore_mem>>) {add = true}
        %dma_wait3A_72 = arith.constant 0 : i32
        %dma_wait3A_73 = tpu.memref_slice %arg8[%mul3A_34, %dma_wait3A_72] : memref<32x128xi32, #tpu.memory_space<vmem>> -> memref<1x128xi32, #tpu.memory_space<vmem>>
        %dma_wait3A_74 = tpu.memref_squeeze %dma_wait3A_73 : memref<1x128xi32, #tpu.memory_space<vmem>> -> memref<128xi32, #tpu.memory_space<vmem>>
        %dma_wait3A_75 = arith.constant 0 : i32
        %dma_wait3A_76 = arith.constant 0 : i32
        %dma_wait3A_77 = tpu.memref_slice %arg11[%dma_wait3A_75, %dma_wait3A_76] : memref<8192x128xf32, #tpu.memory_space<vmem_shared>> -> memref<8192x128xf32, #tpu.memory_space<vmem_shared>>
        tpu.wait_indirect_dma semaphore(%run_scoped3A : memref<!tpu.dma_semaphore, #tpu.memory_space<semaphore_mem>>) src(%arg9 : memref<128x128xf32, #tpu.memory_space<vmem>>) dst(%dma_wait3A_77 : memref<8192x128xf32, #tpu.memory_space<vmem_shared>>)
        tpu.yield
      }) : () -> ()
      %dma_wait3A_53 = arith.constant 0 : i32
      %dma_wait3A_54 = arith.constant 0 : i32
      %dma_wait3A_55 = tpu.memref_slice %arg7[%dma_wait3A_53, %dma_wait3A_54] : memref<32x128xi32, #tpu.memory_space<vmem>> -> memref<1x128xi32, #tpu.memory_space<vmem>>
      %dma_wait3A_56 = tpu.memref_squeeze %dma_wait3A_55 : memref<1x128xi32, #tpu.memory_space<vmem>> -> memref<128xi32, #tpu.memory_space<vmem>>
      %dma_wait3A_57 = arith.constant 0 : i32
      %dma_wait3A_58 = arith.constant 0 : i32
      %dma_wait3A_59 = tpu.memref_slice %arg2[%dma_wait3A_57, %dma_wait3A_58] : memref<8192x128xf32, #tpu.memory_space<hbm>> -> memref<8192x128xf32, #tpu.memory_space<hbm>>
      tpu.wait_indirect_dma semaphore(%arg13 : memref<!tpu.dma_semaphore, #tpu.memory_space<semaphore_mem>>) src(%dma_wait3A_59 : memref<8192x128xf32, #tpu.memory_space<hbm>>) dst(%arg10 : memref<128x128xf32, #tpu.memory_space<vmem>>)
      %dma_start3A_60 = arith.constant 0 : i32
      %dma_start3A_61 = tpu.memref_slice %arg7[%min3A_39, %dma_start3A_60] : memref<32x128xi32, #tpu.memory_space<vmem>> -> memref<1x128xi32, #tpu.memory_space<vmem>>
      %dma_start3A_62 = tpu.memref_squeeze %dma_start3A_61 : memref<1x128xi32, #tpu.memory_space<vmem>> -> memref<128xi32, #tpu.memory_space<vmem>>
      %dma_start3A_63 = arith.constant 0 : i32
      %dma_start3A_64 = arith.constant 0 : i32
      %dma_start3A_65 = tpu.memref_slice %arg2[%dma_start3A_63, %dma_start3A_64] : memref<8192x128xf32, #tpu.memory_space<hbm>> -> memref<8192x128xf32, #tpu.memory_space<hbm>>
      tpu.enqueue_indirect_dma source(%dma_start3A_65 : memref<8192x128xf32, #tpu.memory_space<hbm>>) target(%arg9 : memref<128x128xf32, #tpu.memory_space<vmem>>) offsets(%dma_start3A_62 : memref<128xi32, #tpu.memory_space<vmem>>) semaphore(%arg12 : memref<!tpu.dma_semaphore, #tpu.memory_space<semaphore_mem>>)
      "tpu.region"() ({
        %run_scoped3A = tpu.sem_alloc : memref<!tpu.dma_semaphore, #tpu.memory_space<semaphore_mem>>
        %dma_start3A_66 = arith.constant 0 : i32
        %dma_start3A_67 = tpu.memref_slice %arg8[%add3A_36, %dma_start3A_66] : memref<32x128xi32, #tpu.memory_space<vmem>> -> memref<1x128xi32, #tpu.memory_space<vmem>>
        %dma_start3A_68 = tpu.memref_squeeze %dma_start3A_67 : memref<1x128xi32, #tpu.memory_space<vmem>> -> memref<128xi32, #tpu.memory_space<vmem>>
        %dma_start3A_69 = arith.constant 0 : i32
        %dma_start3A_70 = arith.constant 0 : i32
        %dma_start3A_71 = tpu.memref_slice %arg11[%dma_start3A_69, %dma_start3A_70] : memref<8192x128xf32, #tpu.memory_space<vmem_shared>> -> memref<8192x128xf32, #tpu.memory_space<vmem_shared>>
        tpu.enqueue_indirect_dma source(%arg10 : memref<128x128xf32, #tpu.memory_space<vmem>>) target(%dma_start3A_71 : memref<8192x128xf32, #tpu.memory_space<vmem_shared>>) offsets(%dma_start3A_68 : memref<128xi32, #tpu.memory_space<vmem>>) semaphore(%run_scoped3A : memref<!tpu.dma_semaphore, #tpu.memory_space<semaphore_mem>>) {add = true}
        %dma_wait3A_72 = arith.constant 0 : i32
        %dma_wait3A_73 = tpu.memref_slice %arg8[%add3A_36, %dma_wait3A_72] : memref<32x128xi32, #tpu.memory_space<vmem>> -> memref<1x128xi32, #tpu.memory_space<vmem>>
        %dma_wait3A_74 = tpu.memref_squeeze %dma_wait3A_73 : memref<1x128xi32, #tpu.memory_space<vmem>> -> memref<128xi32, #tpu.memory_space<vmem>>
        %dma_wait3A_75 = arith.constant 0 : i32
        %dma_wait3A_76 = arith.constant 0 : i32
        %dma_wait3A_77 = tpu.memref_slice %arg11[%dma_wait3A_75, %dma_wait3A_76] : memref<8192x128xf32, #tpu.memory_space<vmem_shared>> -> memref<8192x128xf32, #tpu.memory_space<vmem_shared>>
        tpu.wait_indirect_dma semaphore(%run_scoped3A : memref<!tpu.dma_semaphore, #tpu.memory_space<semaphore_mem>>) src(%arg10 : memref<128x128xf32, #tpu.memory_space<vmem>>) dst(%dma_wait3A_77 : memref<8192x128xf32, #tpu.memory_space<vmem_shared>>)
        tpu.yield
      }) : () -> ()
    }
    %scan3A_17 = arith.constant 16 : i32
    %dma_wait3A = arith.constant 0 : i32
    %dma_wait3A_18 = arith.constant 0 : i32
    %dma_wait3A_19 = tpu.memref_slice %arg7[%dma_wait3A, %dma_wait3A_18] : memref<32x128xi32, #tpu.memory_space<vmem>> -> memref<1x128xi32, #tpu.memory_space<vmem>>
    %dma_wait3A_20 = tpu.memref_squeeze %dma_wait3A_19 : memref<1x128xi32, #tpu.memory_space<vmem>> -> memref<128xi32, #tpu.memory_space<vmem>>
    %dma_wait3A_21 = arith.constant 0 : i32
    %dma_wait3A_22 = arith.constant 0 : i32
    %dma_wait3A_23 = tpu.memref_slice %arg2[%dma_wait3A_21, %dma_wait3A_22] : memref<8192x128xf32, #tpu.memory_space<hbm>> -> memref<8192x128xf32, #tpu.memory_space<hbm>>
    tpu.wait_indirect_dma semaphore(%arg12 : memref<!tpu.dma_semaphore, #tpu.memory_space<semaphore_mem>>) src(%dma_wait3A_23 : memref<8192x128xf32, #tpu.memory_space<hbm>>) dst(%arg9 : memref<128x128xf32, #tpu.memory_space<vmem>>)
    %barrier3A_24 = arith.constant 0 : index
    tpu.barrier barrier_id(%barrier3A_24)
    %mul3A_25 = arith.constant 512 : i32
    %mul3A_26 = arith.muli %arg1, %mul3A_25 : i32
    %mul3A_27 = arith.constant 8192 : i32
    %mul3A_28 = arith.muli %arg0, %mul3A_27 : i32
    %mul3A_29 = arith.constant 512 : i32
    %mul3A_30 = arith.muli %arg1, %mul3A_29 : i32
    %add3A_31 = arith.addi %mul3A_28, %mul3A_30 : i32
    "tpu.region"() ({
      %run_scoped3A = tpu.sem_alloc : memref<!tpu.dma_semaphore, #tpu.memory_space<semaphore_mem>>
      %dma_start3A_32 = arith.constant 0 : i32
      %dma_start3A_33 = tpu.memref_slice %arg6[%add3A_31, %dma_start3A_32] : memref<16384x128xf32, #tpu.memory_space<hbm>> -> memref<512x128xf32, #tpu.memory_space<hbm>>
      %dma_start3A_34 = arith.constant 0 : i32
      %dma_start3A_35 = tpu.memref_slice %arg11[%mul3A_26, %dma_start3A_34] : memref<8192x128xf32, #tpu.memory_space<vmem_shared>> -> memref<512x128xf32, #tpu.memory_space<vmem_shared>>
      tpu.enqueue_dma source(%dma_start3A_35 : memref<512x128xf32, #tpu.memory_space<vmem_shared>>) target(%dma_start3A_33 : memref<512x128xf32, #tpu.memory_space<hbm>>) target_semaphore(%run_scoped3A : memref<!tpu.dma_semaphore, #tpu.memory_space<semaphore_mem>>)
      %dma_wait3A_36 = arith.constant 0 : i32
      %dma_wait3A_37 = tpu.memref_slice %arg6[%add3A_31, %dma_wait3A_36] : memref<16384x128xf32, #tpu.memory_space<hbm>> -> memref<512x128xf32, #tpu.memory_space<hbm>>
      %dma_wait3A_38 = arith.constant 0 : i32
      %dma_wait3A_39 = tpu.memref_slice %arg11[%mul3A_26, %dma_wait3A_38] : memref<8192x128xf32, #tpu.memory_space<vmem_shared>> -> memref<512x128xf32, #tpu.memory_space<vmem_shared>>
      tpu.wait_dma2 semaphore(%run_scoped3A : memref<!tpu.dma_semaphore, #tpu.memory_space<semaphore_mem>>) src(%dma_wait3A_39 : memref<512x128xf32, #tpu.memory_space<vmem_shared>>) dst(%dma_wait3A_37 : memref<512x128xf32, #tpu.memory_space<hbm>>)
      tpu.yield
    }) : () -> ()
    return
  }
}

#map = affine_map<(d0, d1) -> (0, 0)>
module attributes {stable_mosaic.version = 14 : i64} {
  func.func @conv(%arg0: i32, %arg1: i32, %arg2: memref<8192x128xf32, #tpu.memory_space<hbm>>, %arg3: memref<1024x128xi32, #tpu.memory_space<hbm>>, %arg4: memref<1024x128xi32, #tpu.memory_space<hbm>>, %arg5: memref<512x128xf32, #tpu.memory_space<hbm>>, %arg6: memref<16384x128xf32, #tpu.memory_space<hbm>>, %arg7: memref<32x128xi32, #tpu.memory_space<vmem>>, %arg8: memref<32x128xi32, #tpu.memory_space<vmem>>, %arg9: memref<128x128xf32, #tpu.memory_space<vmem>>, %arg10: memref<128x128xf32, #tpu.memory_space<vmem>>, %arg11: memref<8192x128xf32, #tpu.memory_space<vmem_shared>>, %arg12: memref<!tpu.dma_semaphore, #tpu.memory_space<semaphore_mem>>, %arg13: memref<!tpu.dma_semaphore, #tpu.memory_space<semaphore_mem>>) attributes {dimension_semantics = [#tpu.dimension_semantics<core_parallel>, #tpu.dimension_semantics<subcore_parallel>], iteration_bounds = array<i64: 2, 16>, scalar_prefetch = 0 : i64, scratch_operands = 7 : i64, tpu.core_type = #tpu.core_type<sc_vector_subcore>, window_params = [{transform_indices = #map}, {transform_indices = #map}, {transform_indices = #map}, {transform_indices = #map}, {transform_indices = #map}]} {
    %mul3A = arith.constant 2 : i32
    %mul3A_0 = arith.muli %arg1, %mul3A : i32
    %add3A = arith.addi %mul3A_0, %arg0 : i32
    %mul3A_1 = arith.constant 512 : i32
    %mul3A_2 = arith.muli %arg1, %mul3A_1 : i32
    "tpu.region"() ({
      %run_scoped3A = tpu.sem_alloc : memref<!tpu.dma_semaphore, #tpu.memory_space<semaphore_mem>>
      %dma_start3A_32 = arith.constant 0 : i32
      %dma_start3A_33 = tpu.memref_slice %arg11[%mul3A_2, %dma_start3A_32] : memref<8192x128xf32, #tpu.memory_space<vmem_shared>> -> memref<512x128xf32, #tpu.memory_space<vmem_shared>>
      tpu.enqueue_dma source(%arg5 : memref<512x128xf32, #tpu.memory_space<hbm>>) target(%dma_start3A_33 : memref<512x128xf32, #tpu.memory_space<vmem_shared>>) target_semaphore(%run_scoped3A : memref<!tpu.dma_semaphore, #tpu.memory_space<semaphore_mem>>)
      %dma_wait3A_34 = arith.constant 0 : i32
      %dma_wait3A_35 = tpu.memref_slice %arg11[%mul3A_2, %dma_wait3A_34] : memref<8192x128xf32, #tpu.memory_space<vmem_shared>> -> memref<512x128xf32, #tpu.memory_space<vmem_shared>>
      tpu.wait_dma2 semaphore(%run_scoped3A : memref<!tpu.dma_semaphore, #tpu.memory_space<semaphore_mem>>) src(%arg5 : memref<512x128xf32, #tpu.memory_space<hbm>>) dst(%dma_wait3A_35 : memref<512x128xf32, #tpu.memory_space<vmem_shared>>)
      tpu.yield
    }) : () -> ()
    %mul3A_3 = arith.constant 32 : i32
    %mul3A_4 = arith.muli %add3A, %mul3A_3 : i32
    "tpu.region"() ({
      %run_scoped3A = tpu.sem_alloc : memref<!tpu.dma_semaphore, #tpu.memory_space<semaphore_mem>>
      %dma_start3A_32 = arith.constant 0 : i32
      %dma_start3A_33 = tpu.memref_slice %arg3[%mul3A_4, %dma_start3A_32] : memref<1024x128xi32, #tpu.memory_space<hbm>> -> memref<32x128xi32, #tpu.memory_space<hbm>>
      %dma_start3A_34 = arith.constant 0 : i32
      %dma_start3A_35 = tpu.memref_slice %arg3[%mul3A_4, %dma_start3A_34] : memref<1024x128xi32, #tpu.memory_space<hbm>> -> memref<32x128xi32, #tpu.memory_space<hbm>>
      tpu.enqueue_dma source(%dma_start3A_35 : memref<32x128xi32, #tpu.memory_space<hbm>>) target(%arg7 : memref<32x128xi32, #tpu.memory_space<vmem>>) target_semaphore(%run_scoped3A : memref<!tpu.dma_semaphore, #tpu.memory_space<semaphore_mem>>)
      %dma_wait3A_36 = arith.constant 0 : i32
      %dma_wait3A_37 = tpu.memref_slice %arg3[%mul3A_4, %dma_wait3A_36] : memref<1024x128xi32, #tpu.memory_space<hbm>> -> memref<32x128xi32, #tpu.memory_space<hbm>>
      %dma_wait3A_38 = arith.constant 0 : i32
      %dma_wait3A_39 = tpu.memref_slice %arg3[%mul3A_4, %dma_wait3A_38] : memref<1024x128xi32, #tpu.memory_space<hbm>> -> memref<32x128xi32, #tpu.memory_space<hbm>>
      tpu.wait_dma2 semaphore(%run_scoped3A : memref<!tpu.dma_semaphore, #tpu.memory_space<semaphore_mem>>) src(%dma_wait3A_39 : memref<32x128xi32, #tpu.memory_space<hbm>>) dst(%arg7 : memref<32x128xi32, #tpu.memory_space<vmem>>)
      tpu.yield
    }) : () -> ()
    %mul3A_5 = arith.constant 32 : i32
    %mul3A_6 = arith.muli %add3A, %mul3A_5 : i32
    "tpu.region"() ({
      %run_scoped3A = tpu.sem_alloc : memref<!tpu.dma_semaphore, #tpu.memory_space<semaphore_mem>>
      %dma_start3A_32 = arith.constant 0 : i32
      %dma_start3A_33 = tpu.memref_slice %arg4[%mul3A_6, %dma_start3A_32] : memref<1024x128xi32, #tpu.memory_space<hbm>> -> memref<32x128xi32, #tpu.memory_space<hbm>>
      %dma_start3A_34 = arith.constant 0 : i32
      %dma_start3A_35 = tpu.memref_slice %arg4[%mul3A_6, %dma_start3A_34] : memref<1024x128xi32, #tpu.memory_space<hbm>> -> memref<32x128xi32, #tpu.memory_space<hbm>>
      tpu.enqueue_dma source(%dma_start3A_35 : memref<32x128xi32, #tpu.memory_space<hbm>>) target(%arg8 : memref<32x128xi32, #tpu.memory_space<vmem>>) target_semaphore(%run_scoped3A : memref<!tpu.dma_semaphore, #tpu.memory_space<semaphore_mem>>)
      %dma_wait3A_36 = arith.constant 0 : i32
      %dma_wait3A_37 = tpu.memref_slice %arg4[%mul3A_6, %dma_wait3A_36] : memref<1024x128xi32, #tpu.memory_space<hbm>> -> memref<32x128xi32, #tpu.memory_space<hbm>>
      %dma_wait3A_38 = arith.constant 0 : i32
      %dma_wait3A_39 = tpu.memref_slice %arg4[%mul3A_6, %dma_wait3A_38] : memref<1024x128xi32, #tpu.memory_space<hbm>> -> memref<32x128xi32, #tpu.memory_space<hbm>>
      tpu.wait_dma2 semaphore(%run_scoped3A : memref<!tpu.dma_semaphore, #tpu.memory_space<semaphore_mem>>) src(%dma_wait3A_39 : memref<32x128xi32, #tpu.memory_space<hbm>>) dst(%arg8 : memref<32x128xi32, #tpu.memory_space<vmem>>)
      tpu.yield
    }) : () -> ()
    %barrier3A = arith.constant 0 : index
    tpu.barrier barrier_id(%barrier3A)
    %dma_start3A = arith.constant 0 : i32
    %dma_start3A_7 = arith.constant 0 : i32
    %dma_start3A_8 = tpu.memref_slice %arg7[%dma_start3A, %dma_start3A_7] : memref<32x128xi32, #tpu.memory_space<vmem>> -> memref<1x128xi32, #tpu.memory_space<vmem>>
    %dma_start3A_9 = tpu.memref_squeeze %dma_start3A_8 : memref<1x128xi32, #tpu.memory_space<vmem>> -> memref<128xi32, #tpu.memory_space<vmem>>
    %dma_start3A_10 = arith.constant 0 : i32
    %dma_start3A_11 = arith.constant 0 : i32
    %dma_start3A_12 = tpu.memref_slice %arg2[%dma_start3A_10, %dma_start3A_11] : memref<8192x128xf32, #tpu.memory_space<hbm>> -> memref<8192x128xf32, #tpu.memory_space<hbm>>
    tpu.enqueue_indirect_dma source(%dma_start3A_12 : memref<8192x128xf32, #tpu.memory_space<hbm>>) target(%arg9 : memref<128x128xf32, #tpu.memory_space<vmem>>) offsets(%dma_start3A_9 : memref<128xi32, #tpu.memory_space<vmem>>) semaphore(%arg12 : memref<!tpu.dma_semaphore, #tpu.memory_space<semaphore_mem>>)
    %scan3A = arith.constant 0 : i32
    %scan3A_13 = arith.constant 0 : i32
    %scan3A_14 = arith.constant 16 : i32
    %scan3A_15 = arith.addi %scan3A_13, %scan3A_14 : i32
    %scan3A_16 = arith.constant 1 : i32
    scf.for %scan3A_32 = %scan3A_13 to %scan3A_15 step %scan3A_16  : i32 {
      %mul3A_33 = arith.constant 2 : i32
      %mul3A_34 = arith.muli %mul3A_33, %scan3A_32 : i32
      %add3A_35 = arith.constant 1 : i32
      %add3A_36 = arith.addi %mul3A_34, %add3A_35 : i32
      %add3A_37 = arith.constant 2 : i32
      %add3A_38 = arith.addi %mul3A_34, %add3A_37 : i32
      %min3A = arith.constant 31 : i32
      %min3A_39 = arith.minsi %add3A_38, %min3A : i32
      %dma_wait3A_40 = arith.constant 0 : i32
      %dma_wait3A_41 = arith.constant 0 : i32
      %dma_wait3A_42 = tpu.memref_slice %arg7[%dma_wait3A_40, %dma_wait3A_41] : memref<32x128xi32, #tpu.memory_space<vmem>> -> memref<1x128xi32, #tpu.memory_space<vmem>>
      %dma_wait3A_43 = tpu.memref_squeeze %dma_wait3A_42 : memref<1x128xi32, #tpu.memory_space<vmem>> -> memref<128xi32, #tpu.memory_space<vmem>>
      %dma_wait3A_44 = arith.constant 0 : i32
      %dma_wait3A_45 = arith.constant 0 : i32
      %dma_wait3A_46 = tpu.memref_slice %arg2[%dma_wait3A_44, %dma_wait3A_45] : memref<8192x128xf32, #tpu.memory_space<hbm>> -> memref<8192x128xf32, #tpu.memory_space<hbm>>
      tpu.wait_indirect_dma semaphore(%arg12 : memref<!tpu.dma_semaphore, #tpu.memory_space<semaphore_mem>>) src(%dma_wait3A_46 : memref<8192x128xf32, #tpu.memory_space<hbm>>) dst(%arg9 : memref<128x128xf32, #tpu.memory_space<vmem>>)
      %dma_start3A_47 = arith.constant 0 : i32
      %dma_start3A_48 = tpu.memref_slice %arg7[%add3A_36, %dma_start3A_47] : memref<32x128xi32, #tpu.memory_space<vmem>> -> memref<1x128xi32, #tpu.memory_space<vmem>>
      %dma_start3A_49 = tpu.memref_squeeze %dma_start3A_48 : memref<1x128xi32, #tpu.memory_space<vmem>> -> memref<128xi32, #tpu.memory_space<vmem>>
      %dma_start3A_50 = arith.constant 0 : i32
      %dma_start3A_51 = arith.constant 0 : i32
      %dma_start3A_52 = tpu.memref_slice %arg2[%dma_start3A_50, %dma_start3A_51] : memref<8192x128xf32, #tpu.memory_space<hbm>> -> memref<8192x128xf32, #tpu.memory_space<hbm>>
      tpu.enqueue_indirect_dma source(%dma_start3A_52 : memref<8192x128xf32, #tpu.memory_space<hbm>>) target(%arg10 : memref<128x128xf32, #tpu.memory_space<vmem>>) offsets(%dma_start3A_49 : memref<128xi32, #tpu.memory_space<vmem>>) semaphore(%arg13 : memref<!tpu.dma_semaphore, #tpu.memory_space<semaphore_mem>>)
      "tpu.region"() ({
        %run_scoped3A = tpu.sem_alloc : memref<!tpu.dma_semaphore, #tpu.memory_space<semaphore_mem>>
        %dma_start3A_66 = arith.constant 0 : i32
        %dma_start3A_67 = tpu.memref_slice %arg8[%mul3A_34, %dma_start3A_66] : memref<32x128xi32, #tpu.memory_space<vmem>> -> memref<1x128xi32, #tpu.memory_space<vmem>>
        %dma_start3A_68 = tpu.memref_squeeze %dma_start3A_67 : memref<1x128xi32, #tpu.memory_space<vmem>> -> memref<128xi32, #tpu.memory_space<vmem>>
        %dma_start3A_69 = arith.constant 0 : i32
        %dma_start3A_70 = arith.constant 0 : i32
        %dma_start3A_71 = tpu.memref_slice %arg11[%dma_start3A_69, %dma_start3A_70] : memref<8192x128xf32, #tpu.memory_space<vmem_shared>> -> memref<8192x128xf32, #tpu.memory_space<vmem_shared>>
        tpu.enqueue_indirect_dma source(%arg9 : memref<128x128xf32, #tpu.memory_space<vmem>>) target(%dma_start3A_71 : memref<8192x128xf32, #tpu.memory_space<vmem_shared>>) offsets(%dma_start3A_68 : memref<128xi32, #tpu.memory_space<vmem>>) semaphore(%run_scoped3A : memref<!tpu.dma_semaphore, #tpu.memory_space<semaphore_mem>>) {add = true}
        %dma_wait3A_72 = arith.constant 0 : i32
        %dma_wait3A_73 = tpu.memref_slice %arg8[%mul3A_34, %dma_wait3A_72] : memref<32x128xi32, #tpu.memory_space<vmem>> -> memref<1x128xi32, #tpu.memory_space<vmem>>
        %dma_wait3A_74 = tpu.memref_squeeze %dma_wait3A_73 : memref<1x128xi32, #tpu.memory_space<vmem>> -> memref<128xi32, #tpu.memory_space<vmem>>
        %dma_wait3A_75 = arith.constant 0 : i32
        %dma_wait3A_76 = arith.constant 0 : i32
        %dma_wait3A_77 = tpu.memref_slice %arg11[%dma_wait3A_75, %dma_wait3A_76] : memref<8192x128xf32, #tpu.memory_space<vmem_shared>> -> memref<8192x128xf32, #tpu.memory_space<vmem_shared>>
        tpu.wait_indirect_dma semaphore(%run_scoped3A : memref<!tpu.dma_semaphore, #tpu.memory_space<semaphore_mem>>) src(%arg9 : memref<128x128xf32, #tpu.memory_space<vmem>>) dst(%dma_wait3A_77 : memref<8192x128xf32, #tpu.memory_space<vmem_shared>>)
        tpu.yield
      }) : () -> ()
      %dma_wait3A_53 = arith.constant 0 : i32
      %dma_wait3A_54 = arith.constant 0 : i32
      %dma_wait3A_55 = tpu.memref_slice %arg7[%dma_wait3A_53, %dma_wait3A_54] : memref<32x128xi32, #tpu.memory_space<vmem>> -> memref<1x128xi32, #tpu.memory_space<vmem>>
      %dma_wait3A_56 = tpu.memref_squeeze %dma_wait3A_55 : memref<1x128xi32, #tpu.memory_space<vmem>> -> memref<128xi32, #tpu.memory_space<vmem>>
      %dma_wait3A_57 = arith.constant 0 : i32
      %dma_wait3A_58 = arith.constant 0 : i32
      %dma_wait3A_59 = tpu.memref_slice %arg2[%dma_wait3A_57, %dma_wait3A_58] : memref<8192x128xf32, #tpu.memory_space<hbm>> -> memref<8192x128xf32, #tpu.memory_space<hbm>>
      tpu.wait_indirect_dma semaphore(%arg13 : memref<!tpu.dma_semaphore, #tpu.memory_space<semaphore_mem>>) src(%dma_wait3A_59 : memref<8192x128xf32, #tpu.memory_space<hbm>>) dst(%arg10 : memref<128x128xf32, #tpu.memory_space<vmem>>)
      %dma_start3A_60 = arith.constant 0 : i32
      %dma_start3A_61 = tpu.memref_slice %arg7[%min3A_39, %dma_start3A_60] : memref<32x128xi32, #tpu.memory_space<vmem>> -> memref<1x128xi32, #tpu.memory_space<vmem>>
      %dma_start3A_62 = tpu.memref_squeeze %dma_start3A_61 : memref<1x128xi32, #tpu.memory_space<vmem>> -> memref<128xi32, #tpu.memory_space<vmem>>
      %dma_start3A_63 = arith.constant 0 : i32
      %dma_start3A_64 = arith.constant 0 : i32
      %dma_start3A_65 = tpu.memref_slice %arg2[%dma_start3A_63, %dma_start3A_64] : memref<8192x128xf32, #tpu.memory_space<hbm>> -> memref<8192x128xf32, #tpu.memory_space<hbm>>
      tpu.enqueue_indirect_dma source(%dma_start3A_65 : memref<8192x128xf32, #tpu.memory_space<hbm>>) target(%arg9 : memref<128x128xf32, #tpu.memory_space<vmem>>) offsets(%dma_start3A_62 : memref<128xi32, #tpu.memory_space<vmem>>) semaphore(%arg12 : memref<!tpu.dma_semaphore, #tpu.memory_space<semaphore_mem>>)
      "tpu.region"() ({
        %run_scoped3A = tpu.sem_alloc : memref<!tpu.dma_semaphore, #tpu.memory_space<semaphore_mem>>
        %dma_start3A_66 = arith.constant 0 : i32
        %dma_start3A_67 = tpu.memref_slice %arg8[%add3A_36, %dma_start3A_66] : memref<32x128xi32, #tpu.memory_space<vmem>> -> memref<1x128xi32, #tpu.memory_space<vmem>>
        %dma_start3A_68 = tpu.memref_squeeze %dma_start3A_67 : memref<1x128xi32, #tpu.memory_space<vmem>> -> memref<128xi32, #tpu.memory_space<vmem>>
        %dma_start3A_69 = arith.constant 0 : i32
        %dma_start3A_70 = arith.constant 0 : i32
        %dma_start3A_71 = tpu.memref_slice %arg11[%dma_start3A_69, %dma_start3A_70] : memref<8192x128xf32, #tpu.memory_space<vmem_shared>> -> memref<8192x128xf32, #tpu.memory_space<vmem_shared>>
        tpu.enqueue_indirect_dma source(%arg10 : memref<128x128xf32, #tpu.memory_space<vmem>>) target(%dma_start3A_71 : memref<8192x128xf32, #tpu.memory_space<vmem_shared>>) offsets(%dma_start3A_68 : memref<128xi32, #tpu.memory_space<vmem>>) semaphore(%run_scoped3A : memref<!tpu.dma_semaphore, #tpu.memory_space<semaphore_mem>>) {add = true}
        %dma_wait3A_72 = arith.constant 0 : i32
        %dma_wait3A_73 = tpu.memref_slice %arg8[%add3A_36, %dma_wait3A_72] : memref<32x128xi32, #tpu.memory_space<vmem>> -> memref<1x128xi32, #tpu.memory_space<vmem>>
        %dma_wait3A_74 = tpu.memref_squeeze %dma_wait3A_73 : memref<1x128xi32, #tpu.memory_space<vmem>> -> memref<128xi32, #tpu.memory_space<vmem>>
        %dma_wait3A_75 = arith.constant 0 : i32
        %dma_wait3A_76 = arith.constant 0 : i32
        %dma_wait3A_77 = tpu.memref_slice %arg11[%dma_wait3A_75, %dma_wait3A_76] : memref<8192x128xf32, #tpu.memory_space<vmem_shared>> -> memref<8192x128xf32, #tpu.memory_space<vmem_shared>>
        tpu.wait_indirect_dma semaphore(%run_scoped3A : memref<!tpu.dma_semaphore, #tpu.memory_space<semaphore_mem>>) src(%arg10 : memref<128x128xf32, #tpu.memory_space<vmem>>) dst(%dma_wait3A_77 : memref<8192x128xf32, #tpu.memory_space<vmem_shared>>)
        tpu.yield
      }) : () -> ()
    }
    %scan3A_17 = arith.constant 16 : i32
    %dma_wait3A = arith.constant 0 : i32
    %dma_wait3A_18 = arith.constant 0 : i32
    %dma_wait3A_19 = tpu.memref_slice %arg7[%dma_wait3A, %dma_wait3A_18] : memref<32x128xi32, #tpu.memory_space<vmem>> -> memref<1x128xi32, #tpu.memory_space<vmem>>
    %dma_wait3A_20 = tpu.memref_squeeze %dma_wait3A_19 : memref<1x128xi32, #tpu.memory_space<vmem>> -> memref<128xi32, #tpu.memory_space<vmem>>
    %dma_wait3A_21 = arith.constant 0 : i32
    %dma_wait3A_22 = arith.constant 0 : i32
    %dma_wait3A_23 = tpu.memref_slice %arg2[%dma_wait3A_21, %dma_wait3A_22] : memref<8192x128xf32, #tpu.memory_space<hbm>> -> memref<8192x128xf32, #tpu.memory_space<hbm>>
    tpu.wait_indirect_dma semaphore(%arg12 : memref<!tpu.dma_semaphore, #tpu.memory_space<semaphore_mem>>) src(%dma_wait3A_23 : memref<8192x128xf32, #tpu.memory_space<hbm>>) dst(%arg9 : memref<128x128xf32, #tpu.memory_space<vmem>>)
    %barrier3A_24 = arith.constant 0 : index
    tpu.barrier barrier_id(%barrier3A_24)
    %mul3A_25 = arith.constant 512 : i32
    %mul3A_26 = arith.muli %arg1, %mul3A_25 : i32
    %mul3A_27 = arith.constant 8192 : i32
    %mul3A_28 = arith.muli %arg0, %mul3A_27 : i32
    %mul3A_29 = arith.constant 512 : i32
    %mul3A_30 = arith.muli %arg1, %mul3A_29 : i32
    %add3A_31 = arith.addi %mul3A_28, %mul3A_30 : i32
    "tpu.region"() ({
      %run_scoped3A = tpu.sem_alloc : memref<!tpu.dma_semaphore, #tpu.memory_space<semaphore_mem>>
      %dma_start3A_32 = arith.constant 0 : i32
      %dma_start3A_33 = tpu.memref_slice %arg6[%add3A_31, %dma_start3A_32] : memref<16384x128xf32, #tpu.memory_space<hbm>> -> memref<512x128xf32, #tpu.memory_space<hbm>>
      %dma_start3A_34 = arith.constant 0 : i32
      %dma_start3A_35 = tpu.memref_slice %arg11[%mul3A_26, %dma_start3A_34] : memref<8192x128xf32, #tpu.memory_space<vmem_shared>> -> memref<512x128xf32, #tpu.memory_space<vmem_shared>>
      tpu.enqueue_dma source(%dma_start3A_35 : memref<512x128xf32, #tpu.memory_space<vmem_shared>>) target(%dma_start3A_33 : memref<512x128xf32, #tpu.memory_space<hbm>>) target_semaphore(%run_scoped3A : memref<!tpu.dma_semaphore, #tpu.memory_space<semaphore_mem>>)
      %dma_wait3A_36 = arith.constant 0 : i32
      %dma_wait3A_37 = tpu.memref_slice %arg6[%add3A_31, %dma_wait3A_36] : memref<16384x128xf32, #tpu.memory_space<hbm>> -> memref<512x128xf32, #tpu.memory_space<hbm>>
      %dma_wait3A_38 = arith.constant 0 : i32
      %dma_wait3A_39 = tpu.memref_slice %arg11[%mul3A_26, %dma_wait3A_38] : memref<8192x128xf32, #tpu.memory_space<vmem_shared>> -> memref<512x128xf32, #tpu.memory_space<vmem_shared>>
      tpu.wait_dma2 semaphore(%run_scoped3A : memref<!tpu.dma_semaphore, #tpu.memory_space<semaphore_mem>>) src(%dma_wait3A_39 : memref<512x128xf32, #tpu.memory_space<vmem_shared>>) dst(%dma_wait3A_37 : memref<512x128xf32, #tpu.memory_space<hbm>>)
      tpu.yield
    }) : () -> ()
    return
  }
}

#map = affine_map<(d0, d1) -> (0, 0)>
module attributes {stable_mosaic.version = 14 : i64} {
  func.func @deg(%arg0: i32, %arg1: i32, %arg2: memref<1024x128xi32, #tpu.memory_space<hbm>>, %arg3: memref<128x8xf32, #tpu.memory_space<hbm>>, %arg4: memref<512x8xf32, #tpu.memory_space<hbm>>, %arg5: memref<16384x8xf32, #tpu.memory_space<hbm>>, %arg6: memref<32x128xi32, #tpu.memory_space<vmem>>, %arg7: memref<128x8xf32, #tpu.memory_space<vmem>>, %arg8: memref<8192x8xf32, #tpu.memory_space<vmem_shared>>) attributes {dimension_semantics = [#tpu.dimension_semantics<core_parallel>, #tpu.dimension_semantics<subcore_parallel>], iteration_bounds = array<i64: 2, 16>, scalar_prefetch = 0 : i64, scratch_operands = 3 : i64, tpu.core_type = #tpu.core_type<sc_vector_subcore>, window_params = [{transform_indices = #map}, {transform_indices = #map}, {transform_indices = #map}, {transform_indices = #map}]} {
    %mul3A = arith.constant 2 : i32
    %mul3A_0 = arith.muli %arg1, %mul3A : i32
    %add3A = arith.addi %mul3A_0, %arg0 : i32
    %mul3A_1 = arith.constant 512 : i32
    %mul3A_2 = arith.muli %arg1, %mul3A_1 : i32
    "tpu.region"() ({
      %run_scoped3A = tpu.sem_alloc : memref<!tpu.dma_semaphore, #tpu.memory_space<semaphore_mem>>
      %dma_start3A = arith.constant 0 : i32
      %dma_start3A_18 = tpu.memref_slice %arg8[%mul3A_2, %dma_start3A] : memref<8192x8xf32, #tpu.memory_space<vmem_shared>> -> memref<512x8xf32, #tpu.memory_space<vmem_shared>>
      tpu.enqueue_dma source(%arg4 : memref<512x8xf32, #tpu.memory_space<hbm>>) target(%dma_start3A_18 : memref<512x8xf32, #tpu.memory_space<vmem_shared>>) target_semaphore(%run_scoped3A : memref<!tpu.dma_semaphore, #tpu.memory_space<semaphore_mem>>)
      %dma_wait3A = arith.constant 0 : i32
      %dma_wait3A_19 = tpu.memref_slice %arg8[%mul3A_2, %dma_wait3A] : memref<8192x8xf32, #tpu.memory_space<vmem_shared>> -> memref<512x8xf32, #tpu.memory_space<vmem_shared>>
      tpu.wait_dma2 semaphore(%run_scoped3A : memref<!tpu.dma_semaphore, #tpu.memory_space<semaphore_mem>>) src(%arg4 : memref<512x8xf32, #tpu.memory_space<hbm>>) dst(%dma_wait3A_19 : memref<512x8xf32, #tpu.memory_space<vmem_shared>>)
      tpu.yield
    }) : () -> ()
    "tpu.region"() ({
      %run_scoped3A = tpu.sem_alloc : memref<!tpu.dma_semaphore, #tpu.memory_space<semaphore_mem>>
      tpu.enqueue_dma source(%arg3 : memref<128x8xf32, #tpu.memory_space<hbm>>) target(%arg7 : memref<128x8xf32, #tpu.memory_space<vmem>>) target_semaphore(%run_scoped3A : memref<!tpu.dma_semaphore, #tpu.memory_space<semaphore_mem>>)
      tpu.wait_dma2 semaphore(%run_scoped3A : memref<!tpu.dma_semaphore, #tpu.memory_space<semaphore_mem>>) src(%arg3 : memref<128x8xf32, #tpu.memory_space<hbm>>) dst(%arg7 : memref<128x8xf32, #tpu.memory_space<vmem>>)
      tpu.yield
    }) : () -> ()
    %mul3A_3 = arith.constant 32 : i32
    %mul3A_4 = arith.muli %add3A, %mul3A_3 : i32
    "tpu.region"() ({
      %run_scoped3A = tpu.sem_alloc : memref<!tpu.dma_semaphore, #tpu.memory_space<semaphore_mem>>
      %dma_start3A = arith.constant 0 : i32
      %dma_start3A_18 = tpu.memref_slice %arg2[%mul3A_4, %dma_start3A] : memref<1024x128xi32, #tpu.memory_space<hbm>> -> memref<32x128xi32, #tpu.memory_space<hbm>>
      %dma_start3A_19 = arith.constant 0 : i32
      %dma_start3A_20 = tpu.memref_slice %arg2[%mul3A_4, %dma_start3A_19] : memref<1024x128xi32, #tpu.memory_space<hbm>> -> memref<32x128xi32, #tpu.memory_space<hbm>>
      tpu.enqueue_dma source(%dma_start3A_20 : memref<32x128xi32, #tpu.memory_space<hbm>>) target(%arg6 : memref<32x128xi32, #tpu.memory_space<vmem>>) target_semaphore(%run_scoped3A : memref<!tpu.dma_semaphore, #tpu.memory_space<semaphore_mem>>)
      %dma_wait3A = arith.constant 0 : i32
      %dma_wait3A_21 = tpu.memref_slice %arg2[%mul3A_4, %dma_wait3A] : memref<1024x128xi32, #tpu.memory_space<hbm>> -> memref<32x128xi32, #tpu.memory_space<hbm>>
      %dma_wait3A_22 = arith.constant 0 : i32
      %dma_wait3A_23 = tpu.memref_slice %arg2[%mul3A_4, %dma_wait3A_22] : memref<1024x128xi32, #tpu.memory_space<hbm>> -> memref<32x128xi32, #tpu.memory_space<hbm>>
      tpu.wait_dma2 semaphore(%run_scoped3A : memref<!tpu.dma_semaphore, #tpu.memory_space<semaphore_mem>>) src(%dma_wait3A_23 : memref<32x128xi32, #tpu.memory_space<hbm>>) dst(%arg6 : memref<32x128xi32, #tpu.memory_space<vmem>>)
      tpu.yield
    }) : () -> ()
    %barrier3A = arith.constant 0 : index
    tpu.barrier barrier_id(%barrier3A)
    %scan3A = arith.constant 0 : i32
    %scan3A_5 = arith.constant 0 : i32
    %scan3A_6 = arith.constant 32 : i32
    %scan3A_7 = arith.addi %scan3A_5, %scan3A_6 : i32
    %scan3A_8 = arith.constant 1 : i32
    scf.for %scan3A_18 = %scan3A_5 to %scan3A_7 step %scan3A_8  : i32 {
      "tpu.region"() ({
        %run_scoped3A = tpu.sem_alloc : memref<!tpu.dma_semaphore, #tpu.memory_space<semaphore_mem>>
        %dma_start3A = arith.constant 0 : i32
        %dma_start3A_19 = tpu.memref_slice %arg6[%scan3A_18, %dma_start3A] : memref<32x128xi32, #tpu.memory_space<vmem>> -> memref<1x128xi32, #tpu.memory_space<vmem>>
        %dma_start3A_20 = tpu.memref_squeeze %dma_start3A_19 : memref<1x128xi32, #tpu.memory_space<vmem>> -> memref<128xi32, #tpu.memory_space<vmem>>
        %dma_start3A_21 = arith.constant 0 : i32
        %dma_start3A_22 = arith.constant 0 : i32
        %dma_start3A_23 = tpu.memref_slice %arg8[%dma_start3A_21, %dma_start3A_22] : memref<8192x8xf32, #tpu.memory_space<vmem_shared>> -> memref<8192x8xf32, #tpu.memory_space<vmem_shared>>
        tpu.enqueue_indirect_dma source(%arg7 : memref<128x8xf32, #tpu.memory_space<vmem>>) target(%dma_start3A_23 : memref<8192x8xf32, #tpu.memory_space<vmem_shared>>) offsets(%dma_start3A_20 : memref<128xi32, #tpu.memory_space<vmem>>) semaphore(%run_scoped3A : memref<!tpu.dma_semaphore, #tpu.memory_space<semaphore_mem>>) {add = true}
        %dma_wait3A = arith.constant 0 : i32
        %dma_wait3A_24 = tpu.memref_slice %arg6[%scan3A_18, %dma_wait3A] : memref<32x128xi32, #tpu.memory_space<vmem>> -> memref<1x128xi32, #tpu.memory_space<vmem>>
        %dma_wait3A_25 = tpu.memref_squeeze %dma_wait3A_24 : memref<1x128xi32, #tpu.memory_space<vmem>> -> memref<128xi32, #tpu.memory_space<vmem>>
        %dma_wait3A_26 = arith.constant 0 : i32
        %dma_wait3A_27 = arith.constant 0 : i32
        %dma_wait3A_28 = tpu.memref_slice %arg8[%dma_wait3A_26, %dma_wait3A_27] : memref<8192x8xf32, #tpu.memory_space<vmem_shared>> -> memref<8192x8xf32, #tpu.memory_space<vmem_shared>>
        tpu.wait_indirect_dma semaphore(%run_scoped3A : memref<!tpu.dma_semaphore, #tpu.memory_space<semaphore_mem>>) src(%arg7 : memref<128x8xf32, #tpu.memory_space<vmem>>) dst(%dma_wait3A_28 : memref<8192x8xf32, #tpu.memory_space<vmem_shared>>)
        tpu.yield
      }) : () -> ()
    }
    %scan3A_9 = arith.constant 32 : i32
    %barrier3A_10 = arith.constant 0 : index
    tpu.barrier barrier_id(%barrier3A_10)
    %mul3A_11 = arith.constant 512 : i32
    %mul3A_12 = arith.muli %arg1, %mul3A_11 : i32
    %mul3A_13 = arith.constant 8192 : i32
    %mul3A_14 = arith.muli %arg0, %mul3A_13 : i32
    %mul3A_15 = arith.constant 512 : i32
    %mul3A_16 = arith.muli %arg1, %mul3A_15 : i32
    %add3A_17 = arith.addi %mul3A_14, %mul3A_16 : i32
    "tpu.region"() ({
      %run_scoped3A = tpu.sem_alloc : memref<!tpu.dma_semaphore, #tpu.memory_space<semaphore_mem>>
      %dma_start3A = arith.constant 0 : i32
      %dma_start3A_18 = tpu.memref_slice %arg5[%add3A_17, %dma_start3A] : memref<16384x8xf32, #tpu.memory_space<hbm>> -> memref<512x8xf32, #tpu.memory_space<hbm>>
      %dma_start3A_19 = arith.constant 0 : i32
      %dma_start3A_20 = tpu.memref_slice %arg8[%mul3A_12, %dma_start3A_19] : memref<8192x8xf32, #tpu.memory_space<vmem_shared>> -> memref<512x8xf32, #tpu.memory_space<vmem_shared>>
      tpu.enqueue_dma source(%dma_start3A_20 : memref<512x8xf32, #tpu.memory_space<vmem_shared>>) target(%dma_start3A_18 : memref<512x8xf32, #tpu.memory_space<hbm>>) target_semaphore(%run_scoped3A : memref<!tpu.dma_semaphore, #tpu.memory_space<semaphore_mem>>)
      %dma_wait3A = arith.constant 0 : i32
      %dma_wait3A_21 = tpu.memref_slice %arg5[%add3A_17, %dma_wait3A] : memref<16384x8xf32, #tpu.memory_space<hbm>> -> memref<512x8xf32, #tpu.memory_space<hbm>>
      %dma_wait3A_22 = arith.constant 0 : i32
      %dma_wait3A_23 = tpu.memref_slice %arg8[%mul3A_12, %dma_wait3A_22] : memref<8192x8xf32, #tpu.memory_space<vmem_shared>> -> memref<512x8xf32, #tpu.memory_space<vmem_shared>>
      tpu.wait_dma2 semaphore(%run_scoped3A : memref<!tpu.dma_semaphore, #tpu.memory_space<semaphore_mem>>) src(%dma_wait3A_23 : memref<512x8xf32, #tpu.memory_space<vmem_shared>>) dst(%dma_wait3A_21 : memref<512x8xf32, #tpu.memory_space<hbm>>)
      tpu.yield
    }) : () -> ()
    return
  }
}

#map = affine_map<(d0, d1) -> (0, 0)>
module attributes {stable_mosaic.version = 14 : i64} {
  func.func @conv(%arg0: i32, %arg1: i32, %arg2: memref<8192x128xf32, #tpu.memory_space<hbm>>, %arg3: memref<1024x128xi32, #tpu.memory_space<hbm>>, %arg4: memref<1024x128xi32, #tpu.memory_space<hbm>>, %arg5: memref<512x128xf32, #tpu.memory_space<hbm>>, %arg6: memref<16384x128xf32, #tpu.memory_space<hbm>>, %arg7: memref<32x128xi32, #tpu.memory_space<vmem>>, %arg8: memref<32x128xi32, #tpu.memory_space<vmem>>, %arg9: memref<128x128xf32, #tpu.memory_space<vmem>>, %arg10: memref<128x128xf32, #tpu.memory_space<vmem>>, %arg11: memref<8192x128xf32, #tpu.memory_space<vmem_shared>>, %arg12: memref<!tpu.dma_semaphore, #tpu.memory_space<semaphore_mem>>, %arg13: memref<!tpu.dma_semaphore, #tpu.memory_space<semaphore_mem>>) attributes {dimension_semantics = [#tpu.dimension_semantics<core_parallel>, #tpu.dimension_semantics<subcore_parallel>], iteration_bounds = array<i64: 2, 16>, scalar_prefetch = 0 : i64, scratch_operands = 7 : i64, tpu.core_type = #tpu.core_type<sc_vector_subcore>, window_params = [{transform_indices = #map}, {transform_indices = #map}, {transform_indices = #map}, {transform_indices = #map}, {transform_indices = #map}]} {
    %mul3A = arith.constant 2 : i32
    %mul3A_0 = arith.muli %arg1, %mul3A : i32
    %add3A = arith.addi %mul3A_0, %arg0 : i32
    %mul3A_1 = arith.constant 512 : i32
    %mul3A_2 = arith.muli %arg1, %mul3A_1 : i32
    "tpu.region"() ({
      %run_scoped3A = tpu.sem_alloc : memref<!tpu.dma_semaphore, #tpu.memory_space<semaphore_mem>>
      %dma_start3A_32 = arith.constant 0 : i32
      %dma_start3A_33 = tpu.memref_slice %arg11[%mul3A_2, %dma_start3A_32] : memref<8192x128xf32, #tpu.memory_space<vmem_shared>> -> memref<512x128xf32, #tpu.memory_space<vmem_shared>>
      tpu.enqueue_dma source(%arg5 : memref<512x128xf32, #tpu.memory_space<hbm>>) target(%dma_start3A_33 : memref<512x128xf32, #tpu.memory_space<vmem_shared>>) target_semaphore(%run_scoped3A : memref<!tpu.dma_semaphore, #tpu.memory_space<semaphore_mem>>)
      %dma_wait3A_34 = arith.constant 0 : i32
      %dma_wait3A_35 = tpu.memref_slice %arg11[%mul3A_2, %dma_wait3A_34] : memref<8192x128xf32, #tpu.memory_space<vmem_shared>> -> memref<512x128xf32, #tpu.memory_space<vmem_shared>>
      tpu.wait_dma2 semaphore(%run_scoped3A : memref<!tpu.dma_semaphore, #tpu.memory_space<semaphore_mem>>) src(%arg5 : memref<512x128xf32, #tpu.memory_space<hbm>>) dst(%dma_wait3A_35 : memref<512x128xf32, #tpu.memory_space<vmem_shared>>)
      tpu.yield
    }) : () -> ()
    %mul3A_3 = arith.constant 32 : i32
    %mul3A_4 = arith.muli %add3A, %mul3A_3 : i32
    "tpu.region"() ({
      %run_scoped3A = tpu.sem_alloc : memref<!tpu.dma_semaphore, #tpu.memory_space<semaphore_mem>>
      %dma_start3A_32 = arith.constant 0 : i32
      %dma_start3A_33 = tpu.memref_slice %arg3[%mul3A_4, %dma_start3A_32] : memref<1024x128xi32, #tpu.memory_space<hbm>> -> memref<32x128xi32, #tpu.memory_space<hbm>>
      %dma_start3A_34 = arith.constant 0 : i32
      %dma_start3A_35 = tpu.memref_slice %arg3[%mul3A_4, %dma_start3A_34] : memref<1024x128xi32, #tpu.memory_space<hbm>> -> memref<32x128xi32, #tpu.memory_space<hbm>>
      tpu.enqueue_dma source(%dma_start3A_35 : memref<32x128xi32, #tpu.memory_space<hbm>>) target(%arg7 : memref<32x128xi32, #tpu.memory_space<vmem>>) target_semaphore(%run_scoped3A : memref<!tpu.dma_semaphore, #tpu.memory_space<semaphore_mem>>)
      %dma_wait3A_36 = arith.constant 0 : i32
      %dma_wait3A_37 = tpu.memref_slice %arg3[%mul3A_4, %dma_wait3A_36] : memref<1024x128xi32, #tpu.memory_space<hbm>> -> memref<32x128xi32, #tpu.memory_space<hbm>>
      %dma_wait3A_38 = arith.constant 0 : i32
      %dma_wait3A_39 = tpu.memref_slice %arg3[%mul3A_4, %dma_wait3A_38] : memref<1024x128xi32, #tpu.memory_space<hbm>> -> memref<32x128xi32, #tpu.memory_space<hbm>>
      tpu.wait_dma2 semaphore(%run_scoped3A : memref<!tpu.dma_semaphore, #tpu.memory_space<semaphore_mem>>) src(%dma_wait3A_39 : memref<32x128xi32, #tpu.memory_space<hbm>>) dst(%arg7 : memref<32x128xi32, #tpu.memory_space<vmem>>)
      tpu.yield
    }) : () -> ()
    %mul3A_5 = arith.constant 32 : i32
    %mul3A_6 = arith.muli %add3A, %mul3A_5 : i32
    "tpu.region"() ({
      %run_scoped3A = tpu.sem_alloc : memref<!tpu.dma_semaphore, #tpu.memory_space<semaphore_mem>>
      %dma_start3A_32 = arith.constant 0 : i32
      %dma_start3A_33 = tpu.memref_slice %arg4[%mul3A_6, %dma_start3A_32] : memref<1024x128xi32, #tpu.memory_space<hbm>> -> memref<32x128xi32, #tpu.memory_space<hbm>>
      %dma_start3A_34 = arith.constant 0 : i32
      %dma_start3A_35 = tpu.memref_slice %arg4[%mul3A_6, %dma_start3A_34] : memref<1024x128xi32, #tpu.memory_space<hbm>> -> memref<32x128xi32, #tpu.memory_space<hbm>>
      tpu.enqueue_dma source(%dma_start3A_35 : memref<32x128xi32, #tpu.memory_space<hbm>>) target(%arg8 : memref<32x128xi32, #tpu.memory_space<vmem>>) target_semaphore(%run_scoped3A : memref<!tpu.dma_semaphore, #tpu.memory_space<semaphore_mem>>)
      %dma_wait3A_36 = arith.constant 0 : i32
      %dma_wait3A_37 = tpu.memref_slice %arg4[%mul3A_6, %dma_wait3A_36] : memref<1024x128xi32, #tpu.memory_space<hbm>> -> memref<32x128xi32, #tpu.memory_space<hbm>>
      %dma_wait3A_38 = arith.constant 0 : i32
      %dma_wait3A_39 = tpu.memref_slice %arg4[%mul3A_6, %dma_wait3A_38] : memref<1024x128xi32, #tpu.memory_space<hbm>> -> memref<32x128xi32, #tpu.memory_space<hbm>>
      tpu.wait_dma2 semaphore(%run_scoped3A : memref<!tpu.dma_semaphore, #tpu.memory_space<semaphore_mem>>) src(%dma_wait3A_39 : memref<32x128xi32, #tpu.memory_space<hbm>>) dst(%arg8 : memref<32x128xi32, #tpu.memory_space<vmem>>)
      tpu.yield
    }) : () -> ()
    %barrier3A = arith.constant 0 : index
    tpu.barrier barrier_id(%barrier3A)
    %dma_start3A = arith.constant 0 : i32
    %dma_start3A_7 = arith.constant 0 : i32
    %dma_start3A_8 = tpu.memref_slice %arg7[%dma_start3A, %dma_start3A_7] : memref<32x128xi32, #tpu.memory_space<vmem>> -> memref<1x128xi32, #tpu.memory_space<vmem>>
    %dma_start3A_9 = tpu.memref_squeeze %dma_start3A_8 : memref<1x128xi32, #tpu.memory_space<vmem>> -> memref<128xi32, #tpu.memory_space<vmem>>
    %dma_start3A_10 = arith.constant 0 : i32
    %dma_start3A_11 = arith.constant 0 : i32
    %dma_start3A_12 = tpu.memref_slice %arg2[%dma_start3A_10, %dma_start3A_11] : memref<8192x128xf32, #tpu.memory_space<hbm>> -> memref<8192x128xf32, #tpu.memory_space<hbm>>
    tpu.enqueue_indirect_dma source(%dma_start3A_12 : memref<8192x128xf32, #tpu.memory_space<hbm>>) target(%arg9 : memref<128x128xf32, #tpu.memory_space<vmem>>) offsets(%dma_start3A_9 : memref<128xi32, #tpu.memory_space<vmem>>) semaphore(%arg12 : memref<!tpu.dma_semaphore, #tpu.memory_space<semaphore_mem>>)
    %scan3A = arith.constant 0 : i32
    %scan3A_13 = arith.constant 0 : i32
    %scan3A_14 = arith.constant 16 : i32
    %scan3A_15 = arith.addi %scan3A_13, %scan3A_14 : i32
    %scan3A_16 = arith.constant 1 : i32
    scf.for %scan3A_32 = %scan3A_13 to %scan3A_15 step %scan3A_16  : i32 {
      %mul3A_33 = arith.constant 2 : i32
      %mul3A_34 = arith.muli %mul3A_33, %scan3A_32 : i32
      %add3A_35 = arith.constant 1 : i32
      %add3A_36 = arith.addi %mul3A_34, %add3A_35 : i32
      %add3A_37 = arith.constant 2 : i32
      %add3A_38 = arith.addi %mul3A_34, %add3A_37 : i32
      %min3A = arith.constant 31 : i32
      %min3A_39 = arith.minsi %add3A_38, %min3A : i32
      %dma_wait3A_40 = arith.constant 0 : i32
      %dma_wait3A_41 = arith.constant 0 : i32
      %dma_wait3A_42 = tpu.memref_slice %arg7[%dma_wait3A_40, %dma_wait3A_41] : memref<32x128xi32, #tpu.memory_space<vmem>> -> memref<1x128xi32, #tpu.memory_space<vmem>>
      %dma_wait3A_43 = tpu.memref_squeeze %dma_wait3A_42 : memref<1x128xi32, #tpu.memory_space<vmem>> -> memref<128xi32, #tpu.memory_space<vmem>>
      %dma_wait3A_44 = arith.constant 0 : i32
      %dma_wait3A_45 = arith.constant 0 : i32
      %dma_wait3A_46 = tpu.memref_slice %arg2[%dma_wait3A_44, %dma_wait3A_45] : memref<8192x128xf32, #tpu.memory_space<hbm>> -> memref<8192x128xf32, #tpu.memory_space<hbm>>
      tpu.wait_indirect_dma semaphore(%arg12 : memref<!tpu.dma_semaphore, #tpu.memory_space<semaphore_mem>>) src(%dma_wait3A_46 : memref<8192x128xf32, #tpu.memory_space<hbm>>) dst(%arg9 : memref<128x128xf32, #tpu.memory_space<vmem>>)
      %dma_start3A_47 = arith.constant 0 : i32
      %dma_start3A_48 = tpu.memref_slice %arg7[%add3A_36, %dma_start3A_47] : memref<32x128xi32, #tpu.memory_space<vmem>> -> memref<1x128xi32, #tpu.memory_space<vmem>>
      %dma_start3A_49 = tpu.memref_squeeze %dma_start3A_48 : memref<1x128xi32, #tpu.memory_space<vmem>> -> memref<128xi32, #tpu.memory_space<vmem>>
      %dma_start3A_50 = arith.constant 0 : i32
      %dma_start3A_51 = arith.constant 0 : i32
      %dma_start3A_52 = tpu.memref_slice %arg2[%dma_start3A_50, %dma_start3A_51] : memref<8192x128xf32, #tpu.memory_space<hbm>> -> memref<8192x128xf32, #tpu.memory_space<hbm>>
      tpu.enqueue_indirect_dma source(%dma_start3A_52 : memref<8192x128xf32, #tpu.memory_space<hbm>>) target(%arg10 : memref<128x128xf32, #tpu.memory_space<vmem>>) offsets(%dma_start3A_49 : memref<128xi32, #tpu.memory_space<vmem>>) semaphore(%arg13 : memref<!tpu.dma_semaphore, #tpu.memory_space<semaphore_mem>>)
      "tpu.region"() ({
        %run_scoped3A = tpu.sem_alloc : memref<!tpu.dma_semaphore, #tpu.memory_space<semaphore_mem>>
        %dma_start3A_66 = arith.constant 0 : i32
        %dma_start3A_67 = tpu.memref_slice %arg8[%mul3A_34, %dma_start3A_66] : memref<32x128xi32, #tpu.memory_space<vmem>> -> memref<1x128xi32, #tpu.memory_space<vmem>>
        %dma_start3A_68 = tpu.memref_squeeze %dma_start3A_67 : memref<1x128xi32, #tpu.memory_space<vmem>> -> memref<128xi32, #tpu.memory_space<vmem>>
        %dma_start3A_69 = arith.constant 0 : i32
        %dma_start3A_70 = arith.constant 0 : i32
        %dma_start3A_71 = tpu.memref_slice %arg11[%dma_start3A_69, %dma_start3A_70] : memref<8192x128xf32, #tpu.memory_space<vmem_shared>> -> memref<8192x128xf32, #tpu.memory_space<vmem_shared>>
        tpu.enqueue_indirect_dma source(%arg9 : memref<128x128xf32, #tpu.memory_space<vmem>>) target(%dma_start3A_71 : memref<8192x128xf32, #tpu.memory_space<vmem_shared>>) offsets(%dma_start3A_68 : memref<128xi32, #tpu.memory_space<vmem>>) semaphore(%run_scoped3A : memref<!tpu.dma_semaphore, #tpu.memory_space<semaphore_mem>>) {add = true}
        %dma_wait3A_72 = arith.constant 0 : i32
        %dma_wait3A_73 = tpu.memref_slice %arg8[%mul3A_34, %dma_wait3A_72] : memref<32x128xi32, #tpu.memory_space<vmem>> -> memref<1x128xi32, #tpu.memory_space<vmem>>
        %dma_wait3A_74 = tpu.memref_squeeze %dma_wait3A_73 : memref<1x128xi32, #tpu.memory_space<vmem>> -> memref<128xi32, #tpu.memory_space<vmem>>
        %dma_wait3A_75 = arith.constant 0 : i32
        %dma_wait3A_76 = arith.constant 0 : i32
        %dma_wait3A_77 = tpu.memref_slice %arg11[%dma_wait3A_75, %dma_wait3A_76] : memref<8192x128xf32, #tpu.memory_space<vmem_shared>> -> memref<8192x128xf32, #tpu.memory_space<vmem_shared>>
        tpu.wait_indirect_dma semaphore(%run_scoped3A : memref<!tpu.dma_semaphore, #tpu.memory_space<semaphore_mem>>) src(%arg9 : memref<128x128xf32, #tpu.memory_space<vmem>>) dst(%dma_wait3A_77 : memref<8192x128xf32, #tpu.memory_space<vmem_shared>>)
        tpu.yield
      }) : () -> ()
      %dma_wait3A_53 = arith.constant 0 : i32
      %dma_wait3A_54 = arith.constant 0 : i32
      %dma_wait3A_55 = tpu.memref_slice %arg7[%dma_wait3A_53, %dma_wait3A_54] : memref<32x128xi32, #tpu.memory_space<vmem>> -> memref<1x128xi32, #tpu.memory_space<vmem>>
      %dma_wait3A_56 = tpu.memref_squeeze %dma_wait3A_55 : memref<1x128xi32, #tpu.memory_space<vmem>> -> memref<128xi32, #tpu.memory_space<vmem>>
      %dma_wait3A_57 = arith.constant 0 : i32
      %dma_wait3A_58 = arith.constant 0 : i32
      %dma_wait3A_59 = tpu.memref_slice %arg2[%dma_wait3A_57, %dma_wait3A_58] : memref<8192x128xf32, #tpu.memory_space<hbm>> -> memref<8192x128xf32, #tpu.memory_space<hbm>>
      tpu.wait_indirect_dma semaphore(%arg13 : memref<!tpu.dma_semaphore, #tpu.memory_space<semaphore_mem>>) src(%dma_wait3A_59 : memref<8192x128xf32, #tpu.memory_space<hbm>>) dst(%arg10 : memref<128x128xf32, #tpu.memory_space<vmem>>)
      %dma_start3A_60 = arith.constant 0 : i32
      %dma_start3A_61 = tpu.memref_slice %arg7[%min3A_39, %dma_start3A_60] : memref<32x128xi32, #tpu.memory_space<vmem>> -> memref<1x128xi32, #tpu.memory_space<vmem>>
      %dma_start3A_62 = tpu.memref_squeeze %dma_start3A_61 : memref<1x128xi32, #tpu.memory_space<vmem>> -> memref<128xi32, #tpu.memory_space<vmem>>
      %dma_start3A_63 = arith.constant 0 : i32
      %dma_start3A_64 = arith.constant 0 : i32
      %dma_start3A_65 = tpu.memref_slice %arg2[%dma_start3A_63, %dma_start3A_64] : memref<8192x128xf32, #tpu.memory_space<hbm>> -> memref<8192x128xf32, #tpu.memory_space<hbm>>
      tpu.enqueue_indirect_dma source(%dma_start3A_65 : memref<8192x128xf32, #tpu.memory_space<hbm>>) target(%arg9 : memref<128x128xf32, #tpu.memory_space<vmem>>) offsets(%dma_start3A_62 : memref<128xi32, #tpu.memory_space<vmem>>) semaphore(%arg12 : memref<!tpu.dma_semaphore, #tpu.memory_space<semaphore_mem>>)
      "tpu.region"() ({
        %run_scoped3A = tpu.sem_alloc : memref<!tpu.dma_semaphore, #tpu.memory_space<semaphore_mem>>
        %dma_start3A_66 = arith.constant 0 : i32
        %dma_start3A_67 = tpu.memref_slice %arg8[%add3A_36, %dma_start3A_66] : memref<32x128xi32, #tpu.memory_space<vmem>> -> memref<1x128xi32, #tpu.memory_space<vmem>>
        %dma_start3A_68 = tpu.memref_squeeze %dma_start3A_67 : memref<1x128xi32, #tpu.memory_space<vmem>> -> memref<128xi32, #tpu.memory_space<vmem>>
        %dma_start3A_69 = arith.constant 0 : i32
        %dma_start3A_70 = arith.constant 0 : i32
        %dma_start3A_71 = tpu.memref_slice %arg11[%dma_start3A_69, %dma_start3A_70] : memref<8192x128xf32, #tpu.memory_space<vmem_shared>> -> memref<8192x128xf32, #tpu.memory_space<vmem_shared>>
        tpu.enqueue_indirect_dma source(%arg10 : memref<128x128xf32, #tpu.memory_space<vmem>>) target(%dma_start3A_71 : memref<8192x128xf32, #tpu.memory_space<vmem_shared>>) offsets(%dma_start3A_68 : memref<128xi32, #tpu.memory_space<vmem>>) semaphore(%run_scoped3A : memref<!tpu.dma_semaphore, #tpu.memory_space<semaphore_mem>>) {add = true}
        %dma_wait3A_72 = arith.constant 0 : i32
        %dma_wait3A_73 = tpu.memref_slice %arg8[%add3A_36, %dma_wait3A_72] : memref<32x128xi32, #tpu.memory_space<vmem>> -> memref<1x128xi32, #tpu.memory_space<vmem>>
        %dma_wait3A_74 = tpu.memref_squeeze %dma_wait3A_73 : memref<1x128xi32, #tpu.memory_space<vmem>> -> memref<128xi32, #tpu.memory_space<vmem>>
        %dma_wait3A_75 = arith.constant 0 : i32
        %dma_wait3A_76 = arith.constant 0 : i32
        %dma_wait3A_77 = tpu.memref_slice %arg11[%dma_wait3A_75, %dma_wait3A_76] : memref<8192x128xf32, #tpu.memory_space<vmem_shared>> -> memref<8192x128xf32, #tpu.memory_space<vmem_shared>>
        tpu.wait_indirect_dma semaphore(%run_scoped3A : memref<!tpu.dma_semaphore, #tpu.memory_space<semaphore_mem>>) src(%arg10 : memref<128x128xf32, #tpu.memory_space<vmem>>) dst(%dma_wait3A_77 : memref<8192x128xf32, #tpu.memory_space<vmem_shared>>)
        tpu.yield
      }) : () -> ()
    }
    %scan3A_17 = arith.constant 16 : i32
    %dma_wait3A = arith.constant 0 : i32
    %dma_wait3A_18 = arith.constant 0 : i32
    %dma_wait3A_19 = tpu.memref_slice %arg7[%dma_wait3A, %dma_wait3A_18] : memref<32x128xi32, #tpu.memory_space<vmem>> -> memref<1x128xi32, #tpu.memory_space<vmem>>
    %dma_wait3A_20 = tpu.memref_squeeze %dma_wait3A_19 : memref<1x128xi32, #tpu.memory_space<vmem>> -> memref<128xi32, #tpu.memory_space<vmem>>
    %dma_wait3A_21 = arith.constant 0 : i32
    %dma_wait3A_22 = arith.constant 0 : i32
    %dma_wait3A_23 = tpu.memref_slice %arg2[%dma_wait3A_21, %dma_wait3A_22] : memref<8192x128xf32, #tpu.memory_space<hbm>> -> memref<8192x128xf32, #tpu.memory_space<hbm>>
    tpu.wait_indirect_dma semaphore(%arg12 : memref<!tpu.dma_semaphore, #tpu.memory_space<semaphore_mem>>) src(%dma_wait3A_23 : memref<8192x128xf32, #tpu.memory_space<hbm>>) dst(%arg9 : memref<128x128xf32, #tpu.memory_space<vmem>>)
    %barrier3A_24 = arith.constant 0 : index
    tpu.barrier barrier_id(%barrier3A_24)
    %mul3A_25 = arith.constant 512 : i32
    %mul3A_26 = arith.muli %arg1, %mul3A_25 : i32
    %mul3A_27 = arith.constant 8192 : i32
    %mul3A_28 = arith.muli %arg0, %mul3A_27 : i32
    %mul3A_29 = arith.constant 512 : i32
    %mul3A_30 = arith.muli %arg1, %mul3A_29 : i32
    %add3A_31 = arith.addi %mul3A_28, %mul3A_30 : i32
    "tpu.region"() ({
      %run_scoped3A = tpu.sem_alloc : memref<!tpu.dma_semaphore, #tpu.memory_space<semaphore_mem>>
      %dma_start3A_32 = arith.constant 0 : i32
      %dma_start3A_33 = tpu.memref_slice %arg6[%add3A_31, %dma_start3A_32] : memref<16384x128xf32, #tpu.memory_space<hbm>> -> memref<512x128xf32, #tpu.memory_space<hbm>>
      %dma_start3A_34 = arith.constant 0 : i32
      %dma_start3A_35 = tpu.memref_slice %arg11[%mul3A_26, %dma_start3A_34] : memref<8192x128xf32, #tpu.memory_space<vmem_shared>> -> memref<512x128xf32, #tpu.memory_space<vmem_shared>>
      tpu.enqueue_dma source(%dma_start3A_35 : memref<512x128xf32, #tpu.memory_space<vmem_shared>>) target(%dma_start3A_33 : memref<512x128xf32, #tpu.memory_space<hbm>>) target_semaphore(%run_scoped3A : memref<!tpu.dma_semaphore, #tpu.memory_space<semaphore_mem>>)
      %dma_wait3A_36 = arith.constant 0 : i32
      %dma_wait3A_37 = tpu.memref_slice %arg6[%add3A_31, %dma_wait3A_36] : memref<16384x128xf32, #tpu.memory_space<hbm>> -> memref<512x128xf32, #tpu.memory_space<hbm>>
      %dma_wait3A_38 = arith.constant 0 : i32
      %dma_wait3A_39 = tpu.memref_slice %arg11[%mul3A_26, %dma_wait3A_38] : memref<8192x128xf32, #tpu.memory_space<vmem_shared>> -> memref<512x128xf32, #tpu.memory_space<vmem_shared>>
      tpu.wait_dma2 semaphore(%run_scoped3A : memref<!tpu.dma_semaphore, #tpu.memory_space<semaphore_mem>>) src(%dma_wait3A_39 : memref<512x128xf32, #tpu.memory_space<vmem_shared>>) dst(%dma_wait3A_37 : memref<512x128xf32, #tpu.memory_space<hbm>>)
      tpu.yield
    }) : () -> ()
    return
  }
}

module attributes {stable_mosaic.version = 14 : i64} {
  func.func @_t3_body(%arg0: i32, %arg1: memref<2x256x128xf32, #tpu.memory_space<vmem>>, %arg2: memref<256x128xf32, #tpu.memory_space<vmem>>, %arg3: memref<2x256x8xf32, #tpu.memory_space<vmem>>, %arg4: memref<1x64xf32, #tpu.memory_space<vmem>>, %arg5: memref<64x64xf32, #tpu.memory_space<vmem>>, %arg6: memref<256x128xf32, #tpu.memory_space<vmem>>) attributes {dimension_semantics = [#tpu.dimension_semantics<arbitrary>], iteration_bounds = array<i64: 32>, scalar_prefetch = 0 : i64, scratch_operands = 0 : i64, tpu.core_type = #tpu.core_type<tc>, window_params = [{transform_indices = @transform_0, window_bounds = array<i64: 2, 256, 128>}, {transform_indices = @transform_1, window_bounds = array<i64: 256, 128>}, {transform_indices = @transform_2, window_bounds = array<i64: 2, 256, 8>}, {pipeline_mode = #tpu.pipeline_mode<synchronous>, transform_indices = @transform_3, window_bounds = array<i64: 1, 64>}, {pipeline_mode = #tpu.pipeline_mode<synchronous>, transform_indices = @transform_4, window_bounds = array<i64: 64, 64>}, {transform_indices = @transform_5, window_bounds = array<i64: 256, 128>}]} {
    %get3A = arith.constant 0 : index
    %get3A_0 = arith.constant 0 : index
    %get3A_1 = arith.constant 0 : index
    %get3A_2 = vector.load %arg3[%get3A, %get3A_0, %get3A_1] : memref<2x256x8xf32, #tpu.memory_space<vmem>>, vector<1x256x1xf32>
    %get3A_3 = vector.shape_cast %get3A_2 : vector<1x256x1xf32> to vector<256x1xf32>
    %get3A_4 = arith.constant 1 : index
    %get3A_5 = arith.constant 0 : index
    %get3A_6 = arith.constant 0 : index
    %get3A_7 = vector.load %arg3[%get3A_4, %get3A_5, %get3A_6] : memref<2x256x8xf32, #tpu.memory_space<vmem>>, vector<1x256x1xf32>
    %get3A_8 = vector.shape_cast %get3A_7 : vector<1x256x1xf32> to vector<256x1xf32>
    %add3A = arith.addf %get3A_3, %get3A_8 : vector<256x1xf32>
    %add3A_9 = arith.constant 1.000000e+00 : f32
    %add3A_10 = vector.broadcast %add3A_9 : f32 to vector<256x1xf32>
    %add3A_11 = arith.addf %add3A, %add3A_10 : vector<256x1xf32>
    %max3A = arith.constant 1.000000e+00 : f32
    %max3A_12 = vector.broadcast %max3A : f32 to vector<256x1xf32>
    %max3A_13 = arith.maximumf %add3A_11, %max3A_12 : vector<256x1xf32>
    %sqrt3A = math.sqrt %max3A_13 : vector<256x1xf32>
    %div3A = arith.constant 1.000000e+00 : f32
    %div3A_14 = vector.broadcast %div3A : f32 to vector<256x1xf32>
    %div3A_15 = arith.divf %div3A_14, %sqrt3A : vector<256x1xf32>
    %get3A_16 = arith.constant 0 : index
    %get3A_17 = arith.constant 0 : index
    %get3A_18 = arith.constant 0 : index
    %get3A_19 = vector.load %arg1[%get3A_16, %get3A_17, %get3A_18] : memref<2x256x128xf32, #tpu.memory_space<vmem>>, vector<1x256x64xf32>
    %get3A_20 = vector.shape_cast %get3A_19 : vector<1x256x64xf32> to vector<256x64xf32>
    %get3A_21 = arith.constant 1 : index
    %get3A_22 = arith.constant 0 : index
    %get3A_23 = arith.constant 0 : index
    %get3A_24 = vector.load %arg1[%get3A_21, %get3A_22, %get3A_23] : memref<2x256x128xf32, #tpu.memory_space<vmem>>, vector<1x256x64xf32>
    %get3A_25 = vector.shape_cast %get3A_24 : vector<1x256x64xf32> to vector<256x64xf32>
    %add3A_26 = arith.addf %get3A_20, %get3A_25 : vector<256x64xf32>
    %get3A_27 = arith.constant 0 : index
    %get3A_28 = arith.constant 0 : index
    %get3A_29 = vector.load %arg2[%get3A_27, %get3A_28] : memref<256x128xf32, #tpu.memory_space<vmem>>, vector<256x64xf32>
    %add3A_30 = arith.addf %add3A_26, %get3A_29 : vector<256x64xf32>
    %mul3A = vector.broadcast %div3A_15 : vector<256x1xf32> to vector<256x64xf32>
    %mul3A_31 = arith.mulf %mul3A, %add3A_30 : vector<256x64xf32>
    %get3A_32 = arith.constant 0 : index
    %get3A_33 = arith.constant 0 : index
    %get3A_34 = vector.load %arg4[%get3A_32, %get3A_33] : memref<1x64xf32, #tpu.memory_space<vmem>>, vector<1x64xf32>
    %add3A_35 = vector.broadcast %get3A_34 : vector<1x64xf32> to vector<256x64xf32>
    %add3A_36 = arith.addf %mul3A_31, %add3A_35 : vector<256x64xf32>
    %max3A_37 = arith.constant 0.000000e+00 : f32
    %max3A_38 = vector.broadcast %max3A_37 : f32 to vector<256x64xf32>
    %max3A_39 = arith.maximumf %add3A_36, %max3A_38 : vector<256x64xf32>
    %get3A_40 = arith.constant 0 : index
    %get3A_41 = arith.constant 0 : index
    %get3A_42 = vector.load %arg5[%get3A_40, %get3A_41] : memref<64x64xf32, #tpu.memory_space<vmem>>, vector<64x64xf32>
    %dot_general3A = arith.constant dense<0.000000e+00> : vector<256x64xf32>
    %dot_general3A_43 = tpu.matmul %max3A_39, %get3A_42, %dot_general3A {dimension_numbers = #tpu.dot_dimension_numbers<[1], [0], [0], [1], [0, 0, 1, 1], [], []>, transpose_lhs_hint = false} : vector<256x64xf32>, vector<64x64xf32>, vector<256x64xf32> -> vector<256x64xf32>
    %mul3A_44 = vector.broadcast %div3A_15 : vector<256x1xf32> to vector<256x64xf32>
    %mul3A_45 = arith.mulf %mul3A_44, %dot_general3A_43 : vector<256x64xf32>
    %broadcast_in_dim3A = arith.constant 0.000000e+00 : f32
    %broadcast_in_dim3A_46 = vector.broadcast %broadcast_in_dim3A : f32 to vector<256x64xf32>
    %concatenate3A = tpu.concatenate %mul3A_45, %broadcast_in_dim3A_46 in 1 : vector<256x64xf32>, vector<256x64xf32> -> vector<256x128xf32>
    %swap3A = arith.constant 0 : index
    %swap3A_47 = arith.constant 0 : index
    %swap3A_48 = vector.load %arg6[%swap3A, %swap3A_47] : memref<256x128xf32, #tpu.memory_space<vmem>>, vector<256x128xf32>
    tpu.vector_store %arg6[%swap3A, %swap3A_47], %concatenate3A {strides = array<i32>} : memref<256x128xf32, #tpu.memory_space<vmem>>, vector<256x128xf32>,
    return
  }
  func.func @transform_0(%arg0: i32) -> (i32, i32, i32) {
    %c0_i32 = arith.constant 0 : i32
    %c0_i32_0 = arith.constant 0 : i32
    %c0_i32_1 = arith.constant 0 : i32
    return %c0_i32, %arg0, %c0_i32_0 : i32, i32, i32
  }
  func.func @transform_1(%arg0: i32) -> (i32, i32) {
    %c0_i32 = arith.constant 0 : i32
    %c0_i32_0 = arith.constant 0 : i32
    return %arg0, %c0_i32 : i32, i32
  }
  func.func @transform_2(%arg0: i32) -> (i32, i32, i32) {
    %c0_i32 = arith.constant 0 : i32
    %c0_i32_0 = arith.constant 0 : i32
    %c0_i32_1 = arith.constant 0 : i32
    return %c0_i32, %arg0, %c0_i32_0 : i32, i32, i32
  }
  func.func @transform_3(%arg0: i32) -> (i32, i32) {
    %c0_i32 = arith.constant 0 : i32
    %c0_i32_0 = arith.constant 0 : i32
    %c0_i32_1 = arith.constant 0 : i32
    return %c0_i32, %c0_i32_0 : i32, i32
  }
  func.func @transform_4(%arg0: i32) -> (i32, i32) {
    %c0_i32 = arith.constant 0 : i32
    %c0_i32_0 = arith.constant 0 : i32
    %c0_i32_1 = arith.constant 0 : i32
    return %c0_i32, %c0_i32_0 : i32, i32
  }
  func.func @transform_5(%arg0: i32) -> (i32, i32) {
    %c0_i32 = arith.constant 0 : i32
    %c0_i32_0 = arith.constant 0 : i32
    return %arg0, %c0_i32 : i32, i32
  }
}

module attributes {stable_mosaic.version = 14 : i64} {
  func.func @_t2_body(%arg0: i32, %arg1: memref<2x256x128xf32, #tpu.memory_space<vmem>>, %arg2: memref<256x128xf32, #tpu.memory_space<vmem>>, %arg3: memref<2x256x128xf32, #tpu.memory_space<vmem>>, %arg4: memref<256x128xf32, #tpu.memory_space<vmem>>, %arg5: memref<2x256x8xf32, #tpu.memory_space<vmem>>, %arg6: memref<1x64xf32, #tpu.memory_space<vmem>>, %arg7: memref<1x64xf32, #tpu.memory_space<vmem>>, %arg8: memref<64x64xf32, #tpu.memory_space<vmem>>, %arg9: memref<256x64xf32, #tpu.memory_space<vmem>>, %arg10: memref<256x128xf32, #tpu.memory_space<vmem>>) attributes {dimension_semantics = [#tpu.dimension_semantics<arbitrary>], iteration_bounds = array<i64: 32>, scalar_prefetch = 0 : i64, scratch_operands = 0 : i64, tpu.core_type = #tpu.core_type<tc>, window_params = [{transform_indices = @transform_0, window_bounds = array<i64: 2, 256, 128>}, {transform_indices = @transform_1, window_bounds = array<i64: 256, 128>}, {transform_indices = @transform_2, window_bounds = array<i64: 2, 256, 128>}, {transform_indices = @transform_3, window_bounds = array<i64: 256, 128>}, {transform_indices = @transform_4, window_bounds = array<i64: 2, 256, 8>}, {pipeline_mode = #tpu.pipeline_mode<synchronous>, transform_indices = @transform_5, window_bounds = array<i64: 1, 64>}, {pipeline_mode = #tpu.pipeline_mode<synchronous>, transform_indices = @transform_6, window_bounds = array<i64: 1, 64>}, {pipeline_mode = #tpu.pipeline_mode<synchronous>, transform_indices = @transform_7, window_bounds = array<i64: 64, 64>}, {transform_indices = @transform_8, window_bounds = array<i64: 256, 64>}, {transform_indices = @transform_9, window_bounds = array<i64: 256, 128>}]} {
    %get3A = arith.constant 0 : index
    %get3A_0 = arith.constant 0 : index
    %get3A_1 = arith.constant 0 : index
    %get3A_2 = vector.load %arg5[%get3A, %get3A_0, %get3A_1] : memref<2x256x8xf32, #tpu.memory_space<vmem>>, vector<1x256x1xf32>
    %get3A_3 = vector.shape_cast %get3A_2 : vector<1x256x1xf32> to vector<256x1xf32>
    %get3A_4 = arith.constant 1 : index
    %get3A_5 = arith.constant 0 : index
    %get3A_6 = arith.constant 0 : index
    %get3A_7 = vector.load %arg5[%get3A_4, %get3A_5, %get3A_6] : memref<2x256x8xf32, #tpu.memory_space<vmem>>, vector<1x256x1xf32>
    %get3A_8 = vector.shape_cast %get3A_7 : vector<1x256x1xf32> to vector<256x1xf32>
    %add3A = arith.addf %get3A_3, %get3A_8 : vector<256x1xf32>
    %add3A_9 = arith.constant 1.000000e+00 : f32
    %add3A_10 = vector.broadcast %add3A_9 : f32 to vector<256x1xf32>
    %add3A_11 = arith.addf %add3A, %add3A_10 : vector<256x1xf32>
    %max3A = arith.constant 1.000000e+00 : f32
    %max3A_12 = vector.broadcast %max3A : f32 to vector<256x1xf32>
    %max3A_13 = arith.maximumf %add3A_11, %max3A_12 : vector<256x1xf32>
    %sqrt3A = math.sqrt %max3A_13 : vector<256x1xf32>
    %div3A = arith.constant 1.000000e+00 : f32
    %div3A_14 = vector.broadcast %div3A : f32 to vector<256x1xf32>
    %div3A_15 = arith.divf %div3A_14, %sqrt3A : vector<256x1xf32>
    %get3A_16 = arith.constant 0 : index
    %get3A_17 = arith.constant 0 : index
    %get3A_18 = arith.constant 0 : index
    %get3A_19 = vector.load %arg1[%get3A_16, %get3A_17, %get3A_18] : memref<2x256x128xf32, #tpu.memory_space<vmem>>, vector<1x256x64xf32>
    %get3A_20 = vector.shape_cast %get3A_19 : vector<1x256x64xf32> to vector<256x64xf32>
    %get3A_21 = arith.constant 1 : index
    %get3A_22 = arith.constant 0 : index
    %get3A_23 = arith.constant 0 : index
    %get3A_24 = vector.load %arg1[%get3A_21, %get3A_22, %get3A_23] : memref<2x256x128xf32, #tpu.memory_space<vmem>>, vector<1x256x64xf32>
    %get3A_25 = vector.shape_cast %get3A_24 : vector<1x256x64xf32> to vector<256x64xf32>
    %add3A_26 = arith.addf %get3A_20, %get3A_25 : vector<256x64xf32>
    %get3A_27 = arith.constant 0 : index
    %get3A_28 = arith.constant 0 : index
    %get3A_29 = vector.load %arg2[%get3A_27, %get3A_28] : memref<256x128xf32, #tpu.memory_space<vmem>>, vector<256x64xf32>
    %add3A_30 = arith.addf %add3A_26, %get3A_29 : vector<256x64xf32>
    %mul3A = vector.broadcast %div3A_15 : vector<256x1xf32> to vector<256x64xf32>
    %mul3A_31 = arith.mulf %mul3A, %add3A_30 : vector<256x64xf32>
    %get3A_32 = arith.constant 0 : index
    %get3A_33 = arith.constant 0 : index
    %get3A_34 = vector.load %arg6[%get3A_32, %get3A_33] : memref<1x64xf32, #tpu.memory_space<vmem>>, vector<1x64xf32>
    %add3A_35 = vector.broadcast %get3A_34 : vector<1x64xf32> to vector<256x64xf32>
    %add3A_36 = arith.addf %mul3A_31, %add3A_35 : vector<256x64xf32>
    %max3A_37 = arith.constant 0.000000e+00 : f32
    %max3A_38 = vector.broadcast %max3A_37 : f32 to vector<256x64xf32>
    %max3A_39 = arith.maximumf %add3A_36, %max3A_38 : vector<256x64xf32>
    %swap3A = arith.constant 0 : index
    %swap3A_40 = arith.constant 0 : index
    %swap3A_41 = vector.load %arg9[%swap3A, %swap3A_40] : memref<256x64xf32, #tpu.memory_space<vmem>>, vector<256x64xf32>
    tpu.vector_store %arg9[%swap3A, %swap3A_40], %max3A_39 {strides = array<i32>} : memref<256x64xf32, #tpu.memory_space<vmem>>, vector<256x64xf32>,
    %get3A_42 = arith.constant 0 : index
    %get3A_43 = arith.constant 0 : index
    %get3A_44 = arith.constant 0 : index
    %get3A_45 = vector.load %arg3[%get3A_42, %get3A_43, %get3A_44] : memref<2x256x128xf32, #tpu.memory_space<vmem>>, vector<1x256x64xf32>
    %get3A_46 = vector.shape_cast %get3A_45 : vector<1x256x64xf32> to vector<256x64xf32>
    %get3A_47 = arith.constant 1 : index
    %get3A_48 = arith.constant 0 : index
    %get3A_49 = arith.constant 0 : index
    %get3A_50 = vector.load %arg3[%get3A_47, %get3A_48, %get3A_49] : memref<2x256x128xf32, #tpu.memory_space<vmem>>, vector<1x256x64xf32>
    %get3A_51 = vector.shape_cast %get3A_50 : vector<1x256x64xf32> to vector<256x64xf32>
    %add3A_52 = arith.addf %get3A_46, %get3A_51 : vector<256x64xf32>
    %get3A_53 = arith.constant 0 : index
    %get3A_54 = arith.constant 0 : index
    %get3A_55 = vector.load %arg4[%get3A_53, %get3A_54] : memref<256x128xf32, #tpu.memory_space<vmem>>, vector<256x64xf32>
    %add3A_56 = arith.addf %add3A_52, %get3A_55 : vector<256x64xf32>
    %mul3A_57 = vector.broadcast %div3A_15 : vector<256x1xf32> to vector<256x64xf32>
    %mul3A_58 = arith.mulf %mul3A_57, %add3A_56 : vector<256x64xf32>
    %get3A_59 = arith.constant 0 : index
    %get3A_60 = arith.constant 0 : index
    %get3A_61 = vector.load %arg7[%get3A_59, %get3A_60] : memref<1x64xf32, #tpu.memory_space<vmem>>, vector<1x64xf32>
    %add3A_62 = vector.broadcast %get3A_61 : vector<1x64xf32> to vector<256x64xf32>
    %add3A_63 = arith.addf %mul3A_58, %add3A_62 : vector<256x64xf32>
    %max3A_64 = arith.constant 0.000000e+00 : f32
    %max3A_65 = vector.broadcast %max3A_64 : f32 to vector<256x64xf32>
    %max3A_66 = arith.maximumf %add3A_63, %max3A_65 : vector<256x64xf32>
    %get3A_67 = arith.constant 0 : index
    %get3A_68 = arith.constant 0 : index
    %get3A_69 = vector.load %arg8[%get3A_67, %get3A_68] : memref<64x64xf32, #tpu.memory_space<vmem>>, vector<64x64xf32>
    %dot_general3A = arith.constant dense<0.000000e+00> : vector<256x64xf32>
    %dot_general3A_70 = tpu.matmul %max3A_66, %get3A_69, %dot_general3A {dimension_numbers = #tpu.dot_dimension_numbers<[1], [0], [0], [1], [0, 0, 1, 1], [], []>, transpose_lhs_hint = false} : vector<256x64xf32>, vector<64x64xf32>, vector<256x64xf32> -> vector<256x64xf32>
    %mul3A_71 = vector.broadcast %div3A_15 : vector<256x1xf32> to vector<256x64xf32>
    %mul3A_72 = arith.mulf %mul3A_71, %dot_general3A_70 : vector<256x64xf32>
    %broadcast_in_dim3A = arith.constant 0.000000e+00 : f32
    %broadcast_in_dim3A_73 = vector.broadcast %broadcast_in_dim3A : f32 to vector<256x64xf32>
    %concatenate3A = tpu.concatenate %mul3A_72, %broadcast_in_dim3A_73 in 1 : vector<256x64xf32>, vector<256x64xf32> -> vector<256x128xf32>
    %swap3A_74 = arith.constant 0 : index
    %swap3A_75 = arith.constant 0 : index
    %swap3A_76 = vector.load %arg10[%swap3A_74, %swap3A_75] : memref<256x128xf32, #tpu.memory_space<vmem>>, vector<256x128xf32>
    tpu.vector_store %arg10[%swap3A_74, %swap3A_75], %concatenate3A {strides = array<i32>} : memref<256x128xf32, #tpu.memory_space<vmem>>, vector<256x128xf32>,
    return
  }
  func.func @transform_0(%arg0: i32) -> (i32, i32, i32) {
    %c0_i32 = arith.constant 0 : i32
    %c0_i32_0 = arith.constant 0 : i32
    %c0_i32_1 = arith.constant 0 : i32
    return %c0_i32, %arg0, %c0_i32_0 : i32, i32, i32
  }
  func.func @transform_1(%arg0: i32) -> (i32, i32) {
    %c0_i32 = arith.constant 0 : i32
    %c0_i32_0 = arith.constant 0 : i32
    return %arg0, %c0_i32 : i32, i32
  }
  func.func @transform_2(%arg0: i32) -> (i32, i32, i32) {
    %c0_i32 = arith.constant 0 : i32
    %c0_i32_0 = arith.constant 0 : i32
    %c0_i32_1 = arith.constant 0 : i32
    return %c0_i32, %arg0, %c0_i32_0 : i32, i32, i32
  }
  func.func @transform_3(%arg0: i32) -> (i32, i32) {
    %c0_i32 = arith.constant 0 : i32
    %c0_i32_0 = arith.constant 0 : i32
    return %arg0, %c0_i32 : i32, i32
  }
  func.func @transform_4(%arg0: i32) -> (i32, i32, i32) {
    %c0_i32 = arith.constant 0 : i32
    %c0_i32_0 = arith.constant 0 : i32
    %c0_i32_1 = arith.constant 0 : i32
    return %c0_i32, %arg0, %c0_i32_0 : i32, i32, i32
  }
  func.func @transform_5(%arg0: i32) -> (i32, i32) {
    %c0_i32 = arith.constant 0 : i32
    %c0_i32_0 = arith.constant 0 : i32
    %c0_i32_1 = arith.constant 0 : i32
    return %c0_i32, %c0_i32_0 : i32, i32
  }
  func.func @transform_6(%arg0: i32) -> (i32, i32) {
    %c0_i32 = arith.constant 0 : i32
    %c0_i32_0 = arith.constant 0 : i32
    %c0_i32_1 = arith.constant 0 : i32
    return %c0_i32, %c0_i32_0 : i32, i32
  }
  func.func @transform_7(%arg0: i32) -> (i32, i32) {
    %c0_i32 = arith.constant 0 : i32
    %c0_i32_0 = arith.constant 0 : i32
    %c0_i32_1 = arith.constant 0 : i32
    return %c0_i32, %c0_i32_0 : i32, i32
  }
  func.func @transform_8(%arg0: i32) -> (i32, i32) {
    %c0_i32 = arith.constant 0 : i32
    %c0_i32_0 = arith.constant 0 : i32
    return %arg0, %c0_i32 : i32, i32
  }
  func.func @transform_9(%arg0: i32) -> (i32, i32) {
    %c0_i32 = arith.constant 0 : i32
    %c0_i32_0 = arith.constant 0 : i32
    return %arg0, %c0_i32 : i32, i32
  }
}

module attributes {stable_mosaic.version = 14 : i64} {
  func.func @_t1_body(%arg0: i32, %arg1: memref<256x128xf32, #tpu.memory_space<vmem>>, %arg2: memref<2x256x8xf32, #tpu.memory_space<vmem>>, %arg3: memref<126x64xf32, #tpu.memory_space<vmem>>, %arg4: memref<2x64xf32, #tpu.memory_space<vmem>>, %arg5: memref<1x64xf32, #tpu.memory_space<vmem>>, %arg6: memref<126x64xf32, #tpu.memory_space<vmem>>, %arg7: memref<2x64xf32, #tpu.memory_space<vmem>>, %arg8: memref<1x64xf32, #tpu.memory_space<vmem>>, %arg9: memref<126x64xf32, #tpu.memory_space<vmem>>, %arg10: memref<2x64xf32, #tpu.memory_space<vmem>>, %arg11: memref<1x64xf32, #tpu.memory_space<vmem>>, %arg12: memref<126x64xf32, #tpu.memory_space<vmem>>, %arg13: memref<2x64xf32, #tpu.memory_space<vmem>>, %arg14: memref<1x64xf32, #tpu.memory_space<vmem>>, %arg15: memref<126x64xf32, #tpu.memory_space<vmem>>, %arg16: memref<2x64xf32, #tpu.memory_space<vmem>>, %arg17: memref<1x64xf32, #tpu.memory_space<vmem>>, %arg18: memref<256x128xf32, #tpu.memory_space<vmem>>, %arg19: memref<256x128xf32, #tpu.memory_space<vmem>>, %arg20: memref<256x64xf32, #tpu.memory_space<vmem>>, %arg21: memref<256x64xf32, #tpu.memory_space<vmem>>, %arg22: memref<256x64xf32, #tpu.memory_space<vmem>>) attributes {dimension_semantics = [#tpu.dimension_semantics<arbitrary>], iteration_bounds = array<i64: 32>, scalar_prefetch = 0 : i64, scratch_operands = 0 : i64, tpu.core_type = #tpu.core_type<tc>, window_params = [{transform_indices = @transform_0, window_bounds = array<i64: 256, 128>}, {transform_indices = @transform_1, window_bounds = array<i64: 2, 256, 8>}, {pipeline_mode = #tpu.pipeline_mode<synchronous>, transform_indices = @transform_2, window_bounds = array<i64: 126, 64>}, {pipeline_mode = #tpu.pipeline_mode<synchronous>, transform_indices = @transform_3, window_bounds = array<i64: 2, 64>}, {pipeline_mode = #tpu.pipeline_mode<synchronous>, transform_indices = @transform_4, window_bounds = array<i64: 1, 64>}, {pipeline_mode = #tpu.pipeline_mode<synchronous>, transform_indices = @transform_5, window_bounds = array<i64: 126, 64>}, {pipeline_mode = #tpu.pipeline_mode<synchronous>, transform_indices = @transform_6, window_bounds = array<i64: 2, 64>}, {pipeline_mode = #tpu.pipeline_mode<synchronous>, transform_indices = @transform_7, window_bounds = array<i64: 1, 64>}, {pipeline_mode = #tpu.pipeline_mode<synchronous>, transform_indices = @transform_8, window_bounds = array<i64: 126, 64>}, {pipeline_mode = #tpu.pipeline_mode<synchronous>, transform_indices = @transform_9, window_bounds = array<i64: 2, 64>}, {pipeline_mode = #tpu.pipeline_mode<synchronous>, transform_indices = @transform_10, window_bounds = array<i64: 1, 64>}, {pipeline_mode = #tpu.pipeline_mode<synchronous>, transform_indices = @transform_11, window_bounds = array<i64: 126, 64>}, {pipeline_mode = #tpu.pipeline_mode<synchronous>, transform_indices = @transform_12, window_bounds = array<i64: 2, 64>}, {pipeline_mode = #tpu.pipeline_mode<synchronous>, transform_indices = @transform_13, window_bounds = array<i64: 1, 64>}, {pipeline_mode = #tpu.pipeline_mode<synchronous>, transform_indices = @transform_14, window_bounds = array<i64: 126, 64>}, {pipeline_mode = #tpu.pipeline_mode<synchronous>, transform_indices = @transform_15, window_bounds = array<i64: 2, 64>}, {pipeline_mode = #tpu.pipeline_mode<synchronous>, transform_indices = @transform_16, window_bounds = array<i64: 1, 64>}, {transform_indices = @transform_17, window_bounds = array<i64: 256, 128>}, {transform_indices = @transform_18, window_bounds = array<i64: 256, 128>}, {transform_indices = @transform_19, window_bounds = array<i64: 256, 64>}, {transform_indices = @transform_20, window_bounds = array<i64: 256, 64>}, {transform_indices = @transform_21, window_bounds = array<i64: 256, 64>}]} {
    %get3A = arith.constant 0 : index
    %get3A_0 = arith.constant 0 : index
    %get3A_1 = vector.load %arg1[%get3A, %get3A_0] : memref<256x128xf32, #tpu.memory_space<vmem>>, vector<256x128xf32>
    %slice3A = vector.extract_strided_slice %get3A_1 {offsets = [0, 0], sizes = [256, 126], strides = [1, 1]} : vector<256x128xf32> to vector<256x126xf32>
    %slice3A_2 = vector.extract_strided_slice %get3A_1 {offsets = [0, 126], sizes = [256, 2], strides = [1, 1]} : vector<256x128xf32> to vector<256x2xf32>
    %get3A_3 = arith.constant 0 : index
    %get3A_4 = arith.constant 0 : index
    %get3A_5 = arith.constant 0 : index
    %get3A_6 = vector.load %arg2[%get3A_3, %get3A_4, %get3A_5] : memref<2x256x8xf32, #tpu.memory_space<vmem>>, vector<1x256x1xf32>
    %get3A_7 = vector.shape_cast %get3A_6 : vector<1x256x1xf32> to vector<256x1xf32>
    %get3A_8 = arith.constant 1 : index
    %get3A_9 = arith.constant 0 : index
    %get3A_10 = arith.constant 0 : index
    %get3A_11 = vector.load %arg2[%get3A_8, %get3A_9, %get3A_10] : memref<2x256x8xf32, #tpu.memory_space<vmem>>, vector<1x256x1xf32>
    %get3A_12 = vector.shape_cast %get3A_11 : vector<1x256x1xf32> to vector<256x1xf32>
    %add3A = arith.addf %get3A_7, %get3A_12 : vector<256x1xf32>
    %add3A_13 = arith.constant 1.000000e+00 : f32
    %add3A_14 = vector.broadcast %add3A_13 : f32 to vector<256x1xf32>
    %add3A_15 = arith.addf %add3A, %add3A_14 : vector<256x1xf32>
    %max3A = arith.constant 1.000000e+00 : f32
    %max3A_16 = vector.broadcast %max3A : f32 to vector<256x1xf32>
    %max3A_17 = arith.maximumf %add3A_15, %max3A_16 : vector<256x1xf32>
    %sqrt3A = math.sqrt %max3A_17 : vector<256x1xf32>
    %div3A = arith.constant 1.000000e+00 : f32
    %div3A_18 = vector.broadcast %div3A : f32 to vector<256x1xf32>
    %div3A_19 = arith.divf %div3A_18, %sqrt3A : vector<256x1xf32>
    %get3A_20 = arith.constant 0 : index
    %get3A_21 = arith.constant 0 : index
    %get3A_22 = vector.load %arg3[%get3A_20, %get3A_21] : memref<126x64xf32, #tpu.memory_space<vmem>>, vector<126x64xf32>
    %dot_general3A = arith.constant dense<0.000000e+00> : vector<256x64xf32>
    %dot_general3A_23 = tpu.matmul %slice3A, %get3A_22, %dot_general3A {dimension_numbers = #tpu.dot_dimension_numbers<[1], [0], [0], [1], [0, 0, 1, 1], [], []>, transpose_lhs_hint = false} : vector<256x126xf32>, vector<126x64xf32>, vector<256x64xf32> -> vector<256x64xf32>
    %get3A_24 = arith.constant 0 : index
    %get3A_25 = arith.constant 0 : index
    %get3A_26 = vector.load %arg4[%get3A_24, %get3A_25] : memref<2x64xf32, #tpu.memory_space<vmem>>, vector<2x64xf32>
    %dot_general3A_27 = arith.constant dense<0.000000e+00> : vector<256x64xf32>
    %dot_general3A_28 = tpu.matmul %slice3A_2, %get3A_26, %dot_general3A_27 {dimension_numbers = #tpu.dot_dimension_numbers<[1], [0], [0], [1], [0, 0, 1, 1], [], []>, transpose_lhs_hint = false} : vector<256x2xf32>, vector<2x64xf32>, vector<256x64xf32> -> vector<256x64xf32>
    %add3A_29 = arith.addf %dot_general3A_23, %dot_general3A_28 : vector<256x64xf32>
    %get3A_30 = arith.constant 0 : index
    %get3A_31 = arith.constant 0 : index
    %get3A_32 = vector.load %arg5[%get3A_30, %get3A_31] : memref<1x64xf32, #tpu.memory_space<vmem>>, vector<1x64xf32>
    %add3A_33 = vector.broadcast %get3A_32 : vector<1x64xf32> to vector<256x64xf32>
    %add3A_34 = arith.addf %add3A_29, %add3A_33 : vector<256x64xf32>
    %mul3A = vector.broadcast %div3A_19 : vector<256x1xf32> to vector<256x64xf32>
    %mul3A_35 = arith.mulf %mul3A, %add3A_34 : vector<256x64xf32>
    %broadcast_in_dim3A = arith.constant 0.000000e+00 : f32
    %broadcast_in_dim3A_36 = vector.broadcast %broadcast_in_dim3A : f32 to vector<256x64xf32>
    %concatenate3A = tpu.concatenate %mul3A_35, %broadcast_in_dim3A_36 in 1 : vector<256x64xf32>, vector<256x64xf32> -> vector<256x128xf32>
    %swap3A = arith.constant 0 : index
    %swap3A_37 = arith.constant 0 : index
    %swap3A_38 = vector.load %arg18[%swap3A, %swap3A_37] : memref<256x128xf32, #tpu.memory_space<vmem>>, vector<256x128xf32>
    tpu.vector_store %arg18[%swap3A, %swap3A_37], %concatenate3A {strides = array<i32>} : memref<256x128xf32, #tpu.memory_space<vmem>>, vector<256x128xf32>,
    %get3A_39 = arith.constant 0 : index
    %get3A_40 = arith.constant 0 : index
    %get3A_41 = vector.load %arg6[%get3A_39, %get3A_40] : memref<126x64xf32, #tpu.memory_space<vmem>>, vector<126x64xf32>
    %dot_general3A_42 = arith.constant dense<0.000000e+00> : vector<256x64xf32>
    %dot_general3A_43 = tpu.matmul %slice3A, %get3A_41, %dot_general3A_42 {dimension_numbers = #tpu.dot_dimension_numbers<[1], [0], [0], [1], [0, 0, 1, 1], [], []>, transpose_lhs_hint = false} : vector<256x126xf32>, vector<126x64xf32>, vector<256x64xf32> -> vector<256x64xf32>
    %get3A_44 = arith.constant 0 : index
    %get3A_45 = arith.constant 0 : index
    %get3A_46 = vector.load %arg7[%get3A_44, %get3A_45] : memref<2x64xf32, #tpu.memory_space<vmem>>, vector<2x64xf32>
    %dot_general3A_47 = arith.constant dense<0.000000e+00> : vector<256x64xf32>
    %dot_general3A_48 = tpu.matmul %slice3A_2, %get3A_46, %dot_general3A_47 {dimension_numbers = #tpu.dot_dimension_numbers<[1], [0], [0], [1], [0, 0, 1, 1], [], []>, transpose_lhs_hint = false} : vector<256x2xf32>, vector<2x64xf32>, vector<256x64xf32> -> vector<256x64xf32>
    %add3A_49 = arith.addf %dot_general3A_43, %dot_general3A_48 : vector<256x64xf32>
    %get3A_50 = arith.constant 0 : index
    %get3A_51 = arith.constant 0 : index
    %get3A_52 = vector.load %arg8[%get3A_50, %get3A_51] : memref<1x64xf32, #tpu.memory_space<vmem>>, vector<1x64xf32>
    %add3A_53 = vector.broadcast %get3A_52 : vector<1x64xf32> to vector<256x64xf32>
    %add3A_54 = arith.addf %add3A_49, %add3A_53 : vector<256x64xf32>
    %mul3A_55 = vector.broadcast %div3A_19 : vector<256x1xf32> to vector<256x64xf32>
    %mul3A_56 = arith.mulf %mul3A_55, %add3A_54 : vector<256x64xf32>
    %broadcast_in_dim3A_57 = arith.constant 0.000000e+00 : f32
    %broadcast_in_dim3A_58 = vector.broadcast %broadcast_in_dim3A_57 : f32 to vector<256x64xf32>
    %concatenate3A_59 = tpu.concatenate %mul3A_56, %broadcast_in_dim3A_58 in 1 : vector<256x64xf32>, vector<256x64xf32> -> vector<256x128xf32>
    %swap3A_60 = arith.constant 0 : index
    %swap3A_61 = arith.constant 0 : index
    %swap3A_62 = vector.load %arg19[%swap3A_60, %swap3A_61] : memref<256x128xf32, #tpu.memory_space<vmem>>, vector<256x128xf32>
    tpu.vector_store %arg19[%swap3A_60, %swap3A_61], %concatenate3A_59 {strides = array<i32>} : memref<256x128xf32, #tpu.memory_space<vmem>>, vector<256x128xf32>,
    %get3A_63 = arith.constant 0 : index
    %get3A_64 = arith.constant 0 : index
    %get3A_65 = vector.load %arg9[%get3A_63, %get3A_64] : memref<126x64xf32, #tpu.memory_space<vmem>>, vector<126x64xf32>
    %dot_general3A_66 = arith.constant dense<0.000000e+00> : vector<256x64xf32>
    %dot_general3A_67 = tpu.matmul %slice3A, %get3A_65, %dot_general3A_66 {dimension_numbers = #tpu.dot_dimension_numbers<[1], [0], [0], [1], [0, 0, 1, 1], [], []>, transpose_lhs_hint = false} : vector<256x126xf32>, vector<126x64xf32>, vector<256x64xf32> -> vector<256x64xf32>
    %get3A_68 = arith.constant 0 : index
    %get3A_69 = arith.constant 0 : index
    %get3A_70 = vector.load %arg10[%get3A_68, %get3A_69] : memref<2x64xf32, #tpu.memory_space<vmem>>, vector<2x64xf32>
    %dot_general3A_71 = arith.constant dense<0.000000e+00> : vector<256x64xf32>
    %dot_general3A_72 = tpu.matmul %slice3A_2, %get3A_70, %dot_general3A_71 {dimension_numbers = #tpu.dot_dimension_numbers<[1], [0], [0], [1], [0, 0, 1, 1], [], []>, transpose_lhs_hint = false} : vector<256x2xf32>, vector<2x64xf32>, vector<256x64xf32> -> vector<256x64xf32>
    %add3A_73 = arith.addf %dot_general3A_67, %dot_general3A_72 : vector<256x64xf32>
    %get3A_74 = arith.constant 0 : index
    %get3A_75 = arith.constant 0 : index
    %get3A_76 = vector.load %arg11[%get3A_74, %get3A_75] : memref<1x64xf32, #tpu.memory_space<vmem>>, vector<1x64xf32>
    %add3A_77 = vector.broadcast %get3A_76 : vector<1x64xf32> to vector<256x64xf32>
    %add3A_78 = arith.addf %add3A_73, %add3A_77 : vector<256x64xf32>
    %swap3A_79 = arith.constant 0 : index
    %swap3A_80 = arith.constant 0 : index
    %swap3A_81 = vector.load %arg20[%swap3A_79, %swap3A_80] : memref<256x64xf32, #tpu.memory_space<vmem>>, vector<256x64xf32>
    tpu.vector_store %arg20[%swap3A_79, %swap3A_80], %add3A_78 {strides = array<i32>} : memref<256x64xf32, #tpu.memory_space<vmem>>, vector<256x64xf32>,
    %get3A_82 = arith.constant 0 : index
    %get3A_83 = arith.constant 0 : index
    %get3A_84 = vector.load %arg12[%get3A_82, %get3A_83] : memref<126x64xf32, #tpu.memory_space<vmem>>, vector<126x64xf32>
    %dot_general3A_85 = arith.constant dense<0.000000e+00> : vector<256x64xf32>
    %dot_general3A_86 = tpu.matmul %slice3A, %get3A_84, %dot_general3A_85 {dimension_numbers = #tpu.dot_dimension_numbers<[1], [0], [0], [1], [0, 0, 1, 1], [], []>, transpose_lhs_hint = false} : vector<256x126xf32>, vector<126x64xf32>, vector<256x64xf32> -> vector<256x64xf32>
    %get3A_87 = arith.constant 0 : index
    %get3A_88 = arith.constant 0 : index
    %get3A_89 = vector.load %arg13[%get3A_87, %get3A_88] : memref<2x64xf32, #tpu.memory_space<vmem>>, vector<2x64xf32>
    %dot_general3A_90 = arith.constant dense<0.000000e+00> : vector<256x64xf32>
    %dot_general3A_91 = tpu.matmul %slice3A_2, %get3A_89, %dot_general3A_90 {dimension_numbers = #tpu.dot_dimension_numbers<[1], [0], [0], [1], [0, 0, 1, 1], [], []>, transpose_lhs_hint = false} : vector<256x2xf32>, vector<2x64xf32>, vector<256x64xf32> -> vector<256x64xf32>
    %add3A_92 = arith.addf %dot_general3A_86, %dot_general3A_91 : vector<256x64xf32>
    %get3A_93 = arith.constant 0 : index
    %get3A_94 = arith.constant 0 : index
    %get3A_95 = vector.load %arg14[%get3A_93, %get3A_94] : memref<1x64xf32, #tpu.memory_space<vmem>>, vector<1x64xf32>
    %add3A_96 = vector.broadcast %get3A_95 : vector<1x64xf32> to vector<256x64xf32>
    %add3A_97 = arith.addf %add3A_92, %add3A_96 : vector<256x64xf32>
    %swap3A_98 = arith.constant 0 : index
    %swap3A_99 = arith.constant 0 : index
    %swap3A_100 = vector.load %arg21[%swap3A_98, %swap3A_99] : memref<256x64xf32, #tpu.memory_space<vmem>>, vector<256x64xf32>
    tpu.vector_store %arg21[%swap3A_98, %swap3A_99], %add3A_97 {strides = array<i32>} : memref<256x64xf32, #tpu.memory_space<vmem>>, vector<256x64xf32>,
    %get3A_101 = arith.constant 0 : index
    %get3A_102 = arith.constant 0 : index
    %get3A_103 = vector.load %arg15[%get3A_101, %get3A_102] : memref<126x64xf32, #tpu.memory_space<vmem>>, vector<126x64xf32>
    %dot_general3A_104 = arith.constant dense<0.000000e+00> : vector<256x64xf32>
    %dot_general3A_105 = tpu.matmul %slice3A, %get3A_103, %dot_general3A_104 {dimension_numbers = #tpu.dot_dimension_numbers<[1], [0], [0], [1], [0, 0, 1, 1], [], []>, transpose_lhs_hint = false} : vector<256x126xf32>, vector<126x64xf32>, vector<256x64xf32> -> vector<256x64xf32>
    %get3A_106 = arith.constant 0 : index
    %get3A_107 = arith.constant 0 : index
    %get3A_108 = vector.load %arg16[%get3A_106, %get3A_107] : memref<2x64xf32, #tpu.memory_space<vmem>>, vector<2x64xf32>
    %dot_general3A_109 = arith.constant dense<0.000000e+00> : vector<256x64xf32>
    %dot_general3A_110 = tpu.matmul %slice3A_2, %get3A_108, %dot_general3A_109 {dimension_numbers = #tpu.dot_dimension_numbers<[1], [0], [0], [1], [0, 0, 1, 1], [], []>, transpose_lhs_hint = false} : vector<256x2xf32>, vector<2x64xf32>, vector<256x64xf32> -> vector<256x64xf32>
    %add3A_111 = arith.addf %dot_general3A_105, %dot_general3A_110 : vector<256x64xf32>
    %get3A_112 = arith.constant 0 : index
    %get3A_113 = arith.constant 0 : index
    %get3A_114 = vector.load %arg17[%get3A_112, %get3A_113] : memref<1x64xf32, #tpu.memory_space<vmem>>, vector<1x64xf32>
    %add3A_115 = vector.broadcast %get3A_114 : vector<1x64xf32> to vector<256x64xf32>
    %add3A_116 = arith.addf %add3A_111, %add3A_115 : vector<256x64xf32>
    %swap3A_117 = arith.constant 0 : index
    %swap3A_118 = arith.constant 0 : index
    %swap3A_119 = vector.load %arg22[%swap3A_117, %swap3A_118] : memref<256x64xf32, #tpu.memory_space<vmem>>, vector<256x64xf32>
    tpu.vector_store %arg22[%swap3A_117, %swap3A_118], %add3A_116 {strides = array<i32>} : memref<256x64xf32, #tpu.memory_space<vmem>>, vector<256x64xf32>,
    return
  }
  func.func @transform_0(%arg0: i32) -> (i32, i32) {
    %c0_i32 = arith.constant 0 : i32
    %c0_i32_0 = arith.constant 0 : i32
    return %arg0, %c0_i32 : i32, i32
  }
  func.func @transform_1(%arg0: i32) -> (i32, i32, i32) {
    %c0_i32 = arith.constant 0 : i32
    %c0_i32_0 = arith.constant 0 : i32
    %c0_i32_1 = arith.constant 0 : i32
    return %c0_i32, %arg0, %c0_i32_0 : i32, i32, i32
  }
  func.func @transform_2(%arg0: i32) -> (i32, i32) {
    %c0_i32 = arith.constant 0 : i32
    %c0_i32_0 = arith.constant 0 : i32
    %c0_i32_1 = arith.constant 0 : i32
    return %c0_i32, %c0_i32_0 : i32, i32
  }
  func.func @transform_3(%arg0: i32) -> (i32, i32) {
    %c0_i32 = arith.constant 0 : i32
    %c0_i32_0 = arith.constant 0 : i32
    %c0_i32_1 = arith.constant 0 : i32
    return %c0_i32, %c0_i32_0 : i32, i32
  }
  func.func @transform_4(%arg0: i32) -> (i32, i32) {
    %c0_i32 = arith.constant 0 : i32
    %c0_i32_0 = arith.constant 0 : i32
    %c0_i32_1 = arith.constant 0 : i32
    return %c0_i32, %c0_i32_0 : i32, i32
  }
  func.func @transform_5(%arg0: i32) -> (i32, i32) {
    %c0_i32 = arith.constant 0 : i32
    %c0_i32_0 = arith.constant 0 : i32
    %c0_i32_1 = arith.constant 0 : i32
    return %c0_i32, %c0_i32_0 : i32, i32
  }
  func.func @transform_6(%arg0: i32) -> (i32, i32) {
    %c0_i32 = arith.constant 0 : i32
    %c0_i32_0 = arith.constant 0 : i32
    %c0_i32_1 = arith.constant 0 : i32
    return %c0_i32, %c0_i32_0 : i32, i32
  }
  func.func @transform_7(%arg0: i32) -> (i32, i32) {
    %c0_i32 = arith.constant 0 : i32
    %c0_i32_0 = arith.constant 0 : i32
    %c0_i32_1 = arith.constant 0 : i32
    return %c0_i32, %c0_i32_0 : i32, i32
  }
  func.func @transform_8(%arg0: i32) -> (i32, i32) {
    %c0_i32 = arith.constant 0 : i32
    %c0_i32_0 = arith.constant 0 : i32
    %c0_i32_1 = arith.constant 0 : i32
    return %c0_i32, %c0_i32_0 : i32, i32
  }
  func.func @transform_9(%arg0: i32) -> (i32, i32) {
    %c0_i32 = arith.constant 0 : i32
    %c0_i32_0 = arith.constant 0 : i32
    %c0_i32_1 = arith.constant 0 : i32
    return %c0_i32, %c0_i32_0 : i32, i32
  }
  func.func @transform_10(%arg0: i32) -> (i32, i32) {
    %c0_i32 = arith.constant 0 : i32
    %c0_i32_0 = arith.constant 0 : i32
    %c0_i32_1 = arith.constant 0 : i32
    return %c0_i32, %c0_i32_0 : i32, i32
  }
  func.func @transform_11(%arg0: i32) -> (i32, i32) {
    %c0_i32 = arith.constant 0 : i32
    %c0_i32_0 = arith.constant 0 : i32
    %c0_i32_1 = arith.constant 0 : i32
    return %c0_i32, %c0_i32_0 : i32, i32
  }
  func.func @transform_12(%arg0: i32) -> (i32, i32) {
    %c0_i32 = arith.constant 0 : i32
    %c0_i32_0 = arith.constant 0 : i32
    %c0_i32_1 = arith.constant 0 : i32
    return %c0_i32, %c0_i32_0 : i32, i32
  }
  func.func @transform_13(%arg0: i32) -> (i32, i32) {
    %c0_i32 = arith.constant 0 : i32
    %c0_i32_0 = arith.constant 0 : i32
    %c0_i32_1 = arith.constant 0 : i32
    return %c0_i32, %c0_i32_0 : i32, i32
  }
  func.func @transform_14(%arg0: i32) -> (i32, i32) {
    %c0_i32 = arith.constant 0 : i32
    %c0_i32_0 = arith.constant 0 : i32
    %c0_i32_1 = arith.constant 0 : i32
    return %c0_i32, %c0_i32_0 : i32, i32
  }
  func.func @transform_15(%arg0: i32) -> (i32, i32) {
    %c0_i32 = arith.constant 0 : i32
    %c0_i32_0 = arith.constant 0 : i32
    %c0_i32_1 = arith.constant 0 : i32
    return %c0_i32, %c0_i32_0 : i32, i32
  }
  func.func @transform_16(%arg0: i32) -> (i32, i32) {
    %c0_i32 = arith.constant 0 : i32
    %c0_i32_0 = arith.constant 0 : i32
    %c0_i32_1 = arith.constant 0 : i32
    return %c0_i32, %c0_i32_0 : i32, i32
  }
  func.func @transform_17(%arg0: i32) -> (i32, i32) {
    %c0_i32 = arith.constant 0 : i32
    %c0_i32_0 = arith.constant 0 : i32
    return %arg0, %c0_i32 : i32, i32
  }
  func.func @transform_18(%arg0: i32) -> (i32, i32) {
    %c0_i32 = arith.constant 0 : i32
    %c0_i32_0 = arith.constant 0 : i32
    return %arg0, %c0_i32 : i32, i32
  }
  func.func @transform_19(%arg0: i32) -> (i32, i32) {
    %c0_i32 = arith.constant 0 : i32
    %c0_i32_0 = arith.constant 0 : i32
    return %arg0, %c0_i32 : i32, i32
  }
  func.func @transform_20(%arg0: i32) -> (i32, i32) {
    %c0_i32 = arith.constant 0 : i32
    %c0_i32_0 = arith.constant 0 : i32
    return %arg0, %c0_i32 : i32, i32
  }
  func.func @transform_21(%arg0: i32) -> (i32, i32) {
    %c0_i32 = arith.constant 0 : i32
    %c0_i32_0 = arith.constant 0 : i32
    return %arg0, %c0_i32 : i32, i32
  }
}

module attributes {stable_mosaic.version = 14 : i64} {
  func.func @_t5g_body(%arg0: i32, %arg1: memref<256x2xf32, #tpu.memory_space<vmem>>, %arg2: memref<2x8192xf32, #tpu.memory_space<vmem>>, %arg3: memref<256x64xf32, #tpu.memory_space<vmem>>, %arg4: memref<64x8192xf32, #tpu.memory_space<vmem>>, %arg5: memref<8192x64xf32, #tpu.memory_space<vmem>>, %arg6: memref<256x64xf32, #tpu.memory_space<vmem>>, %arg7: memref<256x64xf32, #tpu.memory_space<vmem>>) attributes {dimension_semantics = [#tpu.dimension_semantics<arbitrary>], iteration_bounds = array<i64: 32>, scalar_prefetch = 0 : i64, scratch_operands = 0 : i64, tpu.core_type = #tpu.core_type<tc>, window_params = [{transform_indices = @transform_0, window_bounds = array<i64: 256, 2>}, {pipeline_mode = #tpu.pipeline_mode<synchronous>, transform_indices = @transform_1, window_bounds = array<i64: 2, 8192>}, {transform_indices = @transform_2, window_bounds = array<i64: 256, 64>}, {pipeline_mode = #tpu.pipeline_mode<synchronous>, transform_indices = @transform_3, window_bounds = array<i64: 64, 8192>}, {pipeline_mode = #tpu.pipeline_mode<synchronous>, transform_indices = @transform_4, window_bounds = array<i64: 8192, 64>}, {transform_indices = @transform_5, window_bounds = array<i64: 256, 64>}, {transform_indices = @transform_6, window_bounds = array<i64: 256, 64>}]} {
    %get3A = arith.constant 0 : index
    %get3A_0 = arith.constant 0 : index
    %get3A_1 = vector.load %arg1[%get3A, %get3A_0] : memref<256x2xf32, #tpu.memory_space<vmem>>, vector<256x2xf32>
    %get3A_2 = arith.constant 0 : index
    %get3A_3 = arith.constant 0 : index
    %get3A_4 = vector.load %arg2[%get3A_2, %get3A_3] : memref<2x8192xf32, #tpu.memory_space<vmem>>, vector<2x8192xf32>
    %mul3A = arith.mulf %get3A_1, %get3A_1 : vector<256x2xf32>
    %reduce_sum3A = arith.constant dense<0.000000e+00> : vector<256xf32>
    %reduce_sum3A_5 = vector.multi_reduction <add>, %mul3A, %reduce_sum3A [1] : vector<256x2xf32> to vector<256xf32>
    %broadcast_in_dim3A = vector.shape_cast %reduce_sum3A_5 : vector<256xf32> to vector<256x1xf32>
    %mul3A_6 = arith.mulf %get3A_4, %get3A_4 : vector<2x8192xf32>
    %reduce_sum3A_7 = arith.constant dense<0.000000e+00> : vector<8192xf32>
    %reduce_sum3A_8 = vector.multi_reduction <add>, %mul3A_6, %reduce_sum3A_7 [0] : vector<2x8192xf32> to vector<8192xf32>
    %broadcast_in_dim3A_9 = vector.shape_cast %reduce_sum3A_8 : vector<8192xf32> to vector<1x8192xf32>
    %add3A = vector.broadcast %broadcast_in_dim3A : vector<256x1xf32> to vector<256x8192xf32>
    %add3A_10 = vector.broadcast %broadcast_in_dim3A_9 : vector<1x8192xf32> to vector<256x8192xf32>
    %add3A_11 = arith.addf %add3A, %add3A_10 : vector<256x8192xf32>
    %dot_general3A = arith.constant dense<0.000000e+00> : vector<256x8192xf32>
    %dot_general3A_12 = tpu.matmul %get3A_1, %get3A_4, %dot_general3A {dimension_numbers = #tpu.dot_dimension_numbers<[1], [0], [0], [1], [0, 0, 1, 1], [], []>, transpose_lhs_hint = false} : vector<256x2xf32>, vector<2x8192xf32>, vector<256x8192xf32> -> vector<256x8192xf32>
    %mul3A_13 = arith.constant 2.000000e+00 : f32
    %mul3A_14 = vector.broadcast %mul3A_13 : f32 to vector<256x8192xf32>
    %mul3A_15 = arith.mulf %mul3A_14, %dot_general3A_12 : vector<256x8192xf32>
    %sub3A = arith.subf %add3A_11, %mul3A_15 : vector<256x8192xf32>
    %lt3A = arith.constant 9.99999974E-5 : f32
    %lt3A_16 = vector.broadcast %lt3A : f32 to vector<256x8192xf32>
    %lt3A_17 = arith.cmpf olt, %sub3A, %lt3A_16 : vector<256x8192xf32>
    %convert_element_type3A = arith.extui %lt3A_17 : vector<256x8192xi1> to vector<256x8192xi32>
    %convert_element_type3A_18 = arith.sitofp %convert_element_type3A : vector<256x8192xi32> to vector<256x8192xf32>
    %reduce_sum3A_19 = arith.constant dense<0.000000e+00> : vector<256xf32>
    %reduce_sum3A_20 = vector.multi_reduction <add>, %convert_element_type3A_18, %reduce_sum3A_19 [1] : vector<256x8192xf32> to vector<256xf32>
    %broadcast_in_dim3A_21 = vector.shape_cast %reduce_sum3A_20 : vector<256xf32> to vector<256x1xf32>
    %reduce_max3A = vector.shape_cast %broadcast_in_dim3A_21 : vector<256x1xf32> to vector<1x256x1xf32>
    %reduce_max3A_22 = arith.constant dense<0xFF800000> : vector<1xf32>
    %reduce_max3A_23 = vector.multi_reduction <maximumf>, %reduce_max3A, %reduce_max3A_22 [1, 2] : vector<1x256x1xf32> to vector<1xf32>
    %reduce_max3A_24 = vector.shape_cast %reduce_max3A_23 : vector<1xf32> to vector<1x1x1xf32>
    %reduce_max3A_25 = vector.extract %reduce_max3A_24[0, 0, 0] : f32 from vector<1x1x1xf32>
    %gt3A = arith.constant 1.000000e+00 : f32
    %gt3A_26 = arith.cmpf ogt, %reduce_max3A_25, %gt3A : f32
    %not3A = arith.constant true
    %not3A_27 = arith.xori %gt3A_26, %not3A : i1
    %convert_element_type3A_28 = arith.extui %not3A_27 : i1 to i32
    %cond3A = arith.constant 0 : i32
    %cond3A_29 = arith.cmpi ne, %convert_element_type3A_28, %cond3A : i32
    scf.if %cond3A_29 {
      %get3A_33 = arith.constant 0 : index
      %get3A_34 = arith.constant 0 : index
      %get3A_35 = vector.load %arg6[%get3A_33, %get3A_34] : memref<256x64xf32, #tpu.memory_space<vmem>>, vector<256x64xf32>
      %swap3A = arith.constant 0 : index
      %swap3A_36 = arith.constant 0 : index
      %swap3A_37 = vector.load %arg7[%swap3A, %swap3A_36] : memref<256x64xf32, #tpu.memory_space<vmem>>, vector<256x64xf32>
      tpu.vector_store %arg7[%swap3A, %swap3A_36], %get3A_35 {strides = array<i32>} : memref<256x64xf32, #tpu.memory_space<vmem>>, vector<256x64xf32>,
    } else {
    }
    %convert_element_type3A_30 = arith.extui %gt3A_26 : i1 to i32
    %cond3A_31 = arith.constant 0 : i32
    %cond3A_32 = arith.cmpi ne, %convert_element_type3A_30, %cond3A_31 : i32
    scf.if %cond3A_32 {
      %max3A = arith.constant 0.000000e+00 : f32
      %max3A_33 = vector.broadcast %max3A : f32 to vector<256x8192xf32>
      %max3A_34 = arith.maximumf %sub3A, %max3A_33 : vector<256x8192xf32>
      %le3A = arith.constant 0.000000e+00 : f32
      %le3A_35 = vector.broadcast %le3A : f32 to vector<256x8192xf32>
      %le3A_36 = arith.cmpf ole, %sub3A, %le3A_35 : vector<256x8192xf32>
      %le3A_37 = arith.constant 0.000000e+00 : f32
      %le3A_38 = vector.broadcast %le3A_37 : f32 to vector<256x8192xf32>
      %le3A_39 = arith.cmpf ole, %sub3A, %le3A_38 : vector<256x8192xf32>
      %jit3A = arith.constant 1.000000e+00 : f32
      %broadcast_in_dim3A_40 = vector.broadcast %jit3A : f32 to vector<256x8192xf32>
      %select_n3A = arith.select %le3A_39, %broadcast_in_dim3A_40, %max3A_34 : vector<256x8192xi1>, vector<256x8192xf32>
      %sqrt3A = math.sqrt %select_n3A : vector<256x8192xf32>
      %jit3A_41 = arith.constant 0.000000e+00 : f32
      %broadcast_in_dim3A_42 = vector.broadcast %jit3A_41 : f32 to vector<256x8192xf32>
      %select_n3A_43 = arith.select %le3A_36, %broadcast_in_dim3A_42, %sqrt3A : vector<256x8192xi1>, vector<256x8192xf32>
      %get3A_44 = arith.constant 0 : index
      %get3A_45 = arith.constant 0 : index
      %get3A_46 = vector.load %arg3[%get3A_44, %get3A_45] : memref<256x64xf32, #tpu.memory_space<vmem>>, vector<256x64xf32>
      %get3A_47 = arith.constant 0 : index
      %get3A_48 = arith.constant 0 : index
      %get3A_49 = vector.load %arg4[%get3A_47, %get3A_48] : memref<64x8192xf32, #tpu.memory_space<vmem>>, vector<64x8192xf32>
      %dot_general3A_50 = arith.constant dense<0.000000e+00> : vector<256x8192xf32>
      %dot_general3A_51 = tpu.matmul %get3A_46, %get3A_49, %dot_general3A_50 {dimension_numbers = #tpu.dot_dimension_numbers<[1], [0], [0], [1], [0, 0, 1, 1], [], []>, transpose_lhs_hint = false} : vector<256x64xf32>, vector<64x8192xf32>, vector<256x8192xf32> -> vector<256x8192xf32>
      %mul3A_52 = arith.constant 1.250000e-01 : f32
      %mul3A_53 = vector.broadcast %mul3A_52 : f32 to vector<256x8192xf32>
      %mul3A_54 = arith.mulf %dot_general3A_51, %mul3A_53 : vector<256x8192xf32>
      %add3A_55 = arith.constant 9.99999997E-7 : f32
      %add3A_56 = vector.broadcast %add3A_55 : f32 to vector<256x8192xf32>
      %add3A_57 = arith.addf %select_n3A_43, %add3A_56 : vector<256x8192xf32>
      %div3A = arith.constant 1.000000e+00 : f32
      %div3A_58 = vector.broadcast %div3A : f32 to vector<256x8192xf32>
      %div3A_59 = arith.divf %div3A_58, %add3A_57 : vector<256x8192xf32>
      %add3A_60 = arith.addf %mul3A_54, %div3A_59 : vector<256x8192xf32>
      %jit3A_61 = arith.constant 0xFF800000 : f32
      %broadcast_in_dim3A_62 = vector.broadcast %jit3A_61 : f32 to vector<256x8192xf32>
      %select_n3A_63 = arith.select %lt3A_17, %add3A_60, %broadcast_in_dim3A_62 : vector<256x8192xi1>, vector<256x8192xf32>
      %reduce_max3A_64 = arith.constant dense<0xFF800000> : vector<256xf32>
      %reduce_max3A_65 = vector.multi_reduction <maximumf>, %select_n3A_63, %reduce_max3A_64 [1] : vector<256x8192xf32> to vector<256xf32>
      %broadcast_in_dim3A_66 = vector.shape_cast %reduce_max3A_65 : vector<256xf32> to vector<256x1xf32>
      %sub3A_67 = vector.broadcast %broadcast_in_dim3A_66 : vector<256x1xf32> to vector<256x8192xf32>
      %sub3A_68 = arith.subf %select_n3A_63, %sub3A_67 : vector<256x8192xf32>
      %exp3A = math.exp %sub3A_68 : vector<256x8192xf32>
      %jit3A_69 = arith.constant 0.000000e+00 : f32
      %broadcast_in_dim3A_70 = vector.broadcast %jit3A_69 : f32 to vector<256x8192xf32>
      %select_n3A_71 = arith.select %lt3A_17, %exp3A, %broadcast_in_dim3A_70 : vector<256x8192xi1>, vector<256x8192xf32>
      %reduce_sum3A_72 = arith.constant dense<0.000000e+00> : vector<256xf32>
      %reduce_sum3A_73 = vector.multi_reduction <add>, %select_n3A_71, %reduce_sum3A_72 [1] : vector<256x8192xf32> to vector<256xf32>
      %broadcast_in_dim3A_74 = vector.shape_cast %reduce_sum3A_73 : vector<256xf32> to vector<256x1xf32>
      %get3A_75 = arith.constant 0 : index
      %get3A_76 = arith.constant 0 : index
      %get3A_77 = vector.load %arg5[%get3A_75, %get3A_76] : memref<8192x64xf32, #tpu.memory_space<vmem>>, vector<8192x64xf32>
      %dot_general3A_78 = arith.constant dense<0.000000e+00> : vector<256x64xf32>
      %dot_general3A_79 = tpu.matmul %select_n3A_71, %get3A_77, %dot_general3A_78 {dimension_numbers = #tpu.dot_dimension_numbers<[1], [0], [0], [1], [0, 0, 1, 1], [], []>, transpose_lhs_hint = false} : vector<256x8192xf32>, vector<8192x64xf32>, vector<256x64xf32> -> vector<256x64xf32>
      %div3A_80 = vector.broadcast %broadcast_in_dim3A_74 : vector<256x1xf32> to vector<256x64xf32>
      %div3A_81 = arith.divf %dot_general3A_79, %div3A_80 : vector<256x64xf32>
      %swap3A = arith.constant 0 : index
      %swap3A_82 = arith.constant 0 : index
      %swap3A_83 = vector.load %arg7[%swap3A, %swap3A_82] : memref<256x64xf32, #tpu.memory_space<vmem>>, vector<256x64xf32>
      tpu.vector_store %arg7[%swap3A, %swap3A_82], %div3A_81 {strides = array<i32>} : memref<256x64xf32, #tpu.memory_space<vmem>>, vector<256x64xf32>,
    } else {
    }
    return
  }
  func.func @transform_0(%arg0: i32) -> (i32, i32) {
    %c0_i32 = arith.constant 0 : i32
    %c0_i32_0 = arith.constant 0 : i32
    return %arg0, %c0_i32 : i32, i32
  }
  func.func @transform_1(%arg0: i32) -> (i32, i32) {
    %c0_i32 = arith.constant 0 : i32
    %c0_i32_0 = arith.constant 0 : i32
    %c0_i32_1 = arith.constant 0 : i32
    return %c0_i32, %c0_i32_0 : i32, i32
  }
  func.func @transform_2(%arg0: i32) -> (i32, i32) {
    %c0_i32 = arith.constant 0 : i32
    %c0_i32_0 = arith.constant 0 : i32
    return %arg0, %c0_i32 : i32, i32
  }
  func.func @transform_3(%arg0: i32) -> (i32, i32) {
    %c0_i32 = arith.constant 0 : i32
    %c0_i32_0 = arith.constant 0 : i32
    %c0_i32_1 = arith.constant 0 : i32
    return %c0_i32, %c0_i32_0 : i32, i32
  }
  func.func @transform_4(%arg0: i32) -> (i32, i32) {
    %c0_i32 = arith.constant 0 : i32
    %c0_i32_0 = arith.constant 0 : i32
    %c0_i32_1 = arith.constant 0 : i32
    return %c0_i32, %c0_i32_0 : i32, i32
  }
  func.func @transform_5(%arg0: i32) -> (i32, i32) {
    %c0_i32 = arith.constant 0 : i32
    %c0_i32_0 = arith.constant 0 : i32
    return %arg0, %c0_i32 : i32, i32
  }
  func.func @transform_6(%arg0: i32) -> (i32, i32) {
    %c0_i32 = arith.constant 0 : i32
    %c0_i32_0 = arith.constant 0 : i32
    return %arg0, %c0_i32 : i32, i32
  }
}

module attributes {stable_mosaic.version = 14 : i64} {
  func.func @_t4_body(%arg0: i32, %arg1: memref<2x256x128xf32, #tpu.memory_space<vmem>>, %arg2: memref<256x128xf32, #tpu.memory_space<vmem>>, %arg3: memref<2x256x8xf32, #tpu.memory_space<vmem>>, %arg4: memref<1x64xf32, #tpu.memory_space<vmem>>, %arg5: memref<64x64xf32, #tpu.memory_space<vmem>>, %arg6: memref<1x64xf32, #tpu.memory_space<vmem>>, %arg7: memref<64x64xf32, #tpu.memory_space<vmem>>, %arg8: memref<1x64xf32, #tpu.memory_space<vmem>>, %arg9: memref<64x64xf32, #tpu.memory_space<vmem>>, %arg10: memref<1x64xf32, #tpu.memory_space<vmem>>, %arg11: memref<256x64xf32, #tpu.memory_space<vmem>>, %arg12: memref<256x64xf32, #tpu.memory_space<vmem>>, %arg13: memref<256x64xf32, #tpu.memory_space<vmem>>) attributes {dimension_semantics = [#tpu.dimension_semantics<arbitrary>], iteration_bounds = array<i64: 32>, scalar_prefetch = 0 : i64, scratch_operands = 0 : i64, tpu.core_type = #tpu.core_type<tc>, window_params = [{transform_indices = @transform_0, window_bounds = array<i64: 2, 256, 128>}, {transform_indices = @transform_1, window_bounds = array<i64: 256, 128>}, {transform_indices = @transform_2, window_bounds = array<i64: 2, 256, 8>}, {pipeline_mode = #tpu.pipeline_mode<synchronous>, transform_indices = @transform_3, window_bounds = array<i64: 1, 64>}, {pipeline_mode = #tpu.pipeline_mode<synchronous>, transform_indices = @transform_4, window_bounds = array<i64: 64, 64>}, {pipeline_mode = #tpu.pipeline_mode<synchronous>, transform_indices = @transform_5, window_bounds = array<i64: 1, 64>}, {pipeline_mode = #tpu.pipeline_mode<synchronous>, transform_indices = @transform_6, window_bounds = array<i64: 64, 64>}, {pipeline_mode = #tpu.pipeline_mode<synchronous>, transform_indices = @transform_7, window_bounds = array<i64: 1, 64>}, {pipeline_mode = #tpu.pipeline_mode<synchronous>, transform_indices = @transform_8, window_bounds = array<i64: 64, 64>}, {pipeline_mode = #tpu.pipeline_mode<synchronous>, transform_indices = @transform_9, window_bounds = array<i64: 1, 64>}, {transform_indices = @transform_10, window_bounds = array<i64: 256, 64>}, {transform_indices = @transform_11, window_bounds = array<i64: 256, 64>}, {transform_indices = @transform_12, window_bounds = array<i64: 256, 64>}]} {
    %get3A = arith.constant 0 : index
    %get3A_0 = arith.constant 0 : index
    %get3A_1 = arith.constant 0 : index
    %get3A_2 = vector.load %arg3[%get3A, %get3A_0, %get3A_1] : memref<2x256x8xf32, #tpu.memory_space<vmem>>, vector<1x256x1xf32>
    %get3A_3 = vector.shape_cast %get3A_2 : vector<1x256x1xf32> to vector<256x1xf32>
    %get3A_4 = arith.constant 1 : index
    %get3A_5 = arith.constant 0 : index
    %get3A_6 = arith.constant 0 : index
    %get3A_7 = vector.load %arg3[%get3A_4, %get3A_5, %get3A_6] : memref<2x256x8xf32, #tpu.memory_space<vmem>>, vector<1x256x1xf32>
    %get3A_8 = vector.shape_cast %get3A_7 : vector<1x256x1xf32> to vector<256x1xf32>
    %add3A = arith.addf %get3A_3, %get3A_8 : vector<256x1xf32>
    %add3A_9 = arith.constant 1.000000e+00 : f32
    %add3A_10 = vector.broadcast %add3A_9 : f32 to vector<256x1xf32>
    %add3A_11 = arith.addf %add3A, %add3A_10 : vector<256x1xf32>
    %max3A = arith.constant 1.000000e+00 : f32
    %max3A_12 = vector.broadcast %max3A : f32 to vector<256x1xf32>
    %max3A_13 = arith.maximumf %add3A_11, %max3A_12 : vector<256x1xf32>
    %sqrt3A = math.sqrt %max3A_13 : vector<256x1xf32>
    %div3A = arith.constant 1.000000e+00 : f32
    %div3A_14 = vector.broadcast %div3A : f32 to vector<256x1xf32>
    %div3A_15 = arith.divf %div3A_14, %sqrt3A : vector<256x1xf32>
    %get3A_16 = arith.constant 0 : index
    %get3A_17 = arith.constant 0 : index
    %get3A_18 = arith.constant 0 : index
    %get3A_19 = vector.load %arg1[%get3A_16, %get3A_17, %get3A_18] : memref<2x256x128xf32, #tpu.memory_space<vmem>>, vector<1x256x64xf32>
    %get3A_20 = vector.shape_cast %get3A_19 : vector<1x256x64xf32> to vector<256x64xf32>
    %get3A_21 = arith.constant 1 : index
    %get3A_22 = arith.constant 0 : index
    %get3A_23 = arith.constant 0 : index
    %get3A_24 = vector.load %arg1[%get3A_21, %get3A_22, %get3A_23] : memref<2x256x128xf32, #tpu.memory_space<vmem>>, vector<1x256x64xf32>
    %get3A_25 = vector.shape_cast %get3A_24 : vector<1x256x64xf32> to vector<256x64xf32>
    %add3A_26 = arith.addf %get3A_20, %get3A_25 : vector<256x64xf32>
    %get3A_27 = arith.constant 0 : index
    %get3A_28 = arith.constant 0 : index
    %get3A_29 = vector.load %arg2[%get3A_27, %get3A_28] : memref<256x128xf32, #tpu.memory_space<vmem>>, vector<256x64xf32>
    %add3A_30 = arith.addf %add3A_26, %get3A_29 : vector<256x64xf32>
    %mul3A = vector.broadcast %div3A_15 : vector<256x1xf32> to vector<256x64xf32>
    %mul3A_31 = arith.mulf %mul3A, %add3A_30 : vector<256x64xf32>
    %get3A_32 = arith.constant 0 : index
    %get3A_33 = arith.constant 0 : index
    %get3A_34 = vector.load %arg4[%get3A_32, %get3A_33] : memref<1x64xf32, #tpu.memory_space<vmem>>, vector<1x64xf32>
    %add3A_35 = vector.broadcast %get3A_34 : vector<1x64xf32> to vector<256x64xf32>
    %add3A_36 = arith.addf %mul3A_31, %add3A_35 : vector<256x64xf32>
    %max3A_37 = arith.constant 0.000000e+00 : f32
    %max3A_38 = vector.broadcast %max3A_37 : f32 to vector<256x64xf32>
    %max3A_39 = arith.maximumf %add3A_36, %max3A_38 : vector<256x64xf32>
    %get3A_40 = arith.constant 0 : index
    %get3A_41 = arith.constant 0 : index
    %get3A_42 = vector.load %arg5[%get3A_40, %get3A_41] : memref<64x64xf32, #tpu.memory_space<vmem>>, vector<64x64xf32>
    %dot_general3A = arith.constant dense<0.000000e+00> : vector<256x64xf32>
    %dot_general3A_43 = tpu.matmul %max3A_39, %get3A_42, %dot_general3A {dimension_numbers = #tpu.dot_dimension_numbers<[1], [0], [0], [1], [0, 0, 1, 1], [], []>, transpose_lhs_hint = false} : vector<256x64xf32>, vector<64x64xf32>, vector<256x64xf32> -> vector<256x64xf32>
    %get3A_44 = arith.constant 0 : index
    %get3A_45 = arith.constant 0 : index
    %get3A_46 = vector.load %arg6[%get3A_44, %get3A_45] : memref<1x64xf32, #tpu.memory_space<vmem>>, vector<1x64xf32>
    %add3A_47 = vector.broadcast %get3A_46 : vector<1x64xf32> to vector<256x64xf32>
    %add3A_48 = arith.addf %dot_general3A_43, %add3A_47 : vector<256x64xf32>
    %swap3A = arith.constant 0 : index
    %swap3A_49 = arith.constant 0 : index
    %swap3A_50 = vector.load %arg11[%swap3A, %swap3A_49] : memref<256x64xf32, #tpu.memory_space<vmem>>, vector<256x64xf32>
    tpu.vector_store %arg11[%swap3A, %swap3A_49], %add3A_48 {strides = array<i32>} : memref<256x64xf32, #tpu.memory_space<vmem>>, vector<256x64xf32>,
    %get3A_51 = arith.constant 0 : index
    %get3A_52 = arith.constant 0 : index
    %get3A_53 = vector.load %arg7[%get3A_51, %get3A_52] : memref<64x64xf32, #tpu.memory_space<vmem>>, vector<64x64xf32>
    %dot_general3A_54 = arith.constant dense<0.000000e+00> : vector<256x64xf32>
    %dot_general3A_55 = tpu.matmul %max3A_39, %get3A_53, %dot_general3A_54 {dimension_numbers = #tpu.dot_dimension_numbers<[1], [0], [0], [1], [0, 0, 1, 1], [], []>, transpose_lhs_hint = false} : vector<256x64xf32>, vector<64x64xf32>, vector<256x64xf32> -> vector<256x64xf32>
    %get3A_56 = arith.constant 0 : index
    %get3A_57 = arith.constant 0 : index
    %get3A_58 = vector.load %arg8[%get3A_56, %get3A_57] : memref<1x64xf32, #tpu.memory_space<vmem>>, vector<1x64xf32>
    %add3A_59 = vector.broadcast %get3A_58 : vector<1x64xf32> to vector<256x64xf32>
    %add3A_60 = arith.addf %dot_general3A_55, %add3A_59 : vector<256x64xf32>
    %swap3A_61 = arith.constant 0 : index
    %swap3A_62 = arith.constant 0 : index
    %swap3A_63 = vector.load %arg12[%swap3A_61, %swap3A_62] : memref<256x64xf32, #tpu.memory_space<vmem>>, vector<256x64xf32>
    tpu.vector_store %arg12[%swap3A_61, %swap3A_62], %add3A_60 {strides = array<i32>} : memref<256x64xf32, #tpu.memory_space<vmem>>, vector<256x64xf32>,
    %get3A_64 = arith.constant 0 : index
    %get3A_65 = arith.constant 0 : index
    %get3A_66 = vector.load %arg9[%get3A_64, %get3A_65] : memref<64x64xf32, #tpu.memory_space<vmem>>, vector<64x64xf32>
    %dot_general3A_67 = arith.constant dense<0.000000e+00> : vector<256x64xf32>
    %dot_general3A_68 = tpu.matmul %max3A_39, %get3A_66, %dot_general3A_67 {dimension_numbers = #tpu.dot_dimension_numbers<[1], [0], [0], [1], [0, 0, 1, 1], [], []>, transpose_lhs_hint = false} : vector<256x64xf32>, vector<64x64xf32>, vector<256x64xf32> -> vector<256x64xf32>
    %get3A_69 = arith.constant 0 : index
    %get3A_70 = arith.constant 0 : index
    %get3A_71 = vector.load %arg10[%get3A_69, %get3A_70] : memref<1x64xf32, #tpu.memory_space<vmem>>, vector<1x64xf32>
    %add3A_72 = vector.broadcast %get3A_71 : vector<1x64xf32> to vector<256x64xf32>
    %add3A_73 = arith.addf %dot_general3A_68, %add3A_72 : vector<256x64xf32>
    %swap3A_74 = arith.constant 0 : index
    %swap3A_75 = arith.constant 0 : index
    %swap3A_76 = vector.load %arg13[%swap3A_74, %swap3A_75] : memref<256x64xf32, #tpu.memory_space<vmem>>, vector<256x64xf32>
    tpu.vector_store %arg13[%swap3A_74, %swap3A_75], %add3A_73 {strides = array<i32>} : memref<256x64xf32, #tpu.memory_space<vmem>>, vector<256x64xf32>,
    return
  }
  func.func @transform_0(%arg0: i32) -> (i32, i32, i32) {
    %c0_i32 = arith.constant 0 : i32
    %c0_i32_0 = arith.constant 0 : i32
    %c0_i32_1 = arith.constant 0 : i32
    return %c0_i32, %arg0, %c0_i32_0 : i32, i32, i32
  }
  func.func @transform_1(%arg0: i32) -> (i32, i32) {
    %c0_i32 = arith.constant 0 : i32
    %c0_i32_0 = arith.constant 0 : i32
    return %arg0, %c0_i32 : i32, i32
  }
  func.func @transform_2(%arg0: i32) -> (i32, i32, i32) {
    %c0_i32 = arith.constant 0 : i32
    %c0_i32_0 = arith.constant 0 : i32
    %c0_i32_1 = arith.constant 0 : i32
    return %c0_i32, %arg0, %c0_i32_0 : i32, i32, i32
  }
  func.func @transform_3(%arg0: i32) -> (i32, i32) {
    %c0_i32 = arith.constant 0 : i32
    %c0_i32_0 = arith.constant 0 : i32
    %c0_i32_1 = arith.constant 0 : i32
    return %c0_i32, %c0_i32_0 : i32, i32
  }
  func.func @transform_4(%arg0: i32) -> (i32, i32) {
    %c0_i32 = arith.constant 0 : i32
    %c0_i32_0 = arith.constant 0 : i32
    %c0_i32_1 = arith.constant 0 : i32
    return %c0_i32, %c0_i32_0 : i32, i32
  }
  func.func @transform_5(%arg0: i32) -> (i32, i32) {
    %c0_i32 = arith.constant 0 : i32
    %c0_i32_0 = arith.constant 0 : i32
    %c0_i32_1 = arith.constant 0 : i32
    return %c0_i32, %c0_i32_0 : i32, i32
  }
  func.func @transform_6(%arg0: i32) -> (i32, i32) {
    %c0_i32 = arith.constant 0 : i32
    %c0_i32_0 = arith.constant 0 : i32
    %c0_i32_1 = arith.constant 0 : i32
    return %c0_i32, %c0_i32_0 : i32, i32
  }
  func.func @transform_7(%arg0: i32) -> (i32, i32) {
    %c0_i32 = arith.constant 0 : i32
    %c0_i32_0 = arith.constant 0 : i32
    %c0_i32_1 = arith.constant 0 : i32
    return %c0_i32, %c0_i32_0 : i32, i32
  }
  func.func @transform_8(%arg0: i32) -> (i32, i32) {
    %c0_i32 = arith.constant 0 : i32
    %c0_i32_0 = arith.constant 0 : i32
    %c0_i32_1 = arith.constant 0 : i32
    return %c0_i32, %c0_i32_0 : i32, i32
  }
  func.func @transform_9(%arg0: i32) -> (i32, i32) {
    %c0_i32 = arith.constant 0 : i32
    %c0_i32_0 = arith.constant 0 : i32
    %c0_i32_1 = arith.constant 0 : i32
    return %c0_i32, %c0_i32_0 : i32, i32
  }
  func.func @transform_10(%arg0: i32) -> (i32, i32) {
    %c0_i32 = arith.constant 0 : i32
    %c0_i32_0 = arith.constant 0 : i32
    return %arg0, %c0_i32 : i32, i32
  }
  func.func @transform_11(%arg0: i32) -> (i32, i32) {
    %c0_i32 = arith.constant 0 : i32
    %c0_i32_0 = arith.constant 0 : i32
    return %arg0, %c0_i32 : i32, i32
  }
  func.func @transform_12(%arg0: i32) -> (i32, i32) {
    %c0_i32 = arith.constant 0 : i32
    %c0_i32_0 = arith.constant 0 : i32
    return %arg0, %c0_i32 : i32, i32
  }
}

module attributes {stable_mosaic.version = 14 : i64} {
  func.func @_t5_body(%arg0: i32, %arg1: i32, %arg2: memref<1x256x16xf32, #tpu.memory_space<vmem>>, %arg3: memref<1x16x8192xf32, #tpu.memory_space<vmem>>, %arg4: memref<1x8192x17xf32, #tpu.memory_space<vmem>>, %arg5: memref<1x256x16xf32, #tpu.memory_space<vmem>>) attributes {dimension_semantics = [#tpu.dimension_semantics<arbitrary>, #tpu.dimension_semantics<arbitrary>], iteration_bounds = array<i64: 4, 32>, scalar_prefetch = 0 : i64, scratch_operands = 0 : i64, tpu.core_type = #tpu.core_type<tc>, window_params = [{transform_indices = @transform_0, window_bounds = array<i64: 1, 256, 16>}, {transform_indices = @transform_1, window_bounds = array<i64: 1, 16, 8192>}, {transform_indices = @transform_2, window_bounds = array<i64: 1, 8192, 17>}, {transform_indices = @transform_3, window_bounds = array<i64: 1, 256, 16>}]} {
    %get3A = arith.constant 0 : index
    %get3A_0 = arith.constant 0 : index
    %get3A_1 = arith.constant 0 : index
    %get3A_2 = vector.load %arg2[%get3A, %get3A_0, %get3A_1] : memref<1x256x16xf32, #tpu.memory_space<vmem>>, vector<1x256x16xf32>
    %get3A_3 = vector.shape_cast %get3A_2 : vector<1x256x16xf32> to vector<256x16xf32>
    %get3A_4 = arith.constant 0 : index
    %get3A_5 = arith.constant 0 : index
    %get3A_6 = arith.constant 0 : index
    %get3A_7 = vector.load %arg3[%get3A_4, %get3A_5, %get3A_6] : memref<1x16x8192xf32, #tpu.memory_space<vmem>>, vector<1x16x8192xf32>
    %get3A_8 = vector.shape_cast %get3A_7 : vector<1x16x8192xf32> to vector<16x8192xf32>
    %dot_general3A = arith.constant dense<0.000000e+00> : vector<256x8192xf32>
    %dot_general3A_9 = tpu.matmul %get3A_3, %get3A_8, %dot_general3A {dimension_numbers = #tpu.dot_dimension_numbers<[1], [0], [0], [1], [0, 0, 1, 1], [], []>, transpose_lhs_hint = false} : vector<256x16xf32>, vector<16x8192xf32>, vector<256x8192xf32> -> vector<256x8192xf32>
    %mul3A = arith.constant 2.500000e-01 : f32
    %mul3A_10 = vector.broadcast %mul3A : f32 to vector<256x8192xf32>
    %mul3A_11 = arith.mulf %dot_general3A_9, %mul3A_10 : vector<256x8192xf32>
    %exp3A = math.exp %mul3A_11 : vector<256x8192xf32>
    %get3A_12 = arith.constant 0 : index
    %get3A_13 = arith.constant 0 : index
    %get3A_14 = arith.constant 0 : index
    %get3A_15 = vector.load %arg4[%get3A_12, %get3A_13, %get3A_14] : memref<1x8192x17xf32, #tpu.memory_space<vmem>>, vector<1x8192x17xf32>
    %get3A_16 = vector.shape_cast %get3A_15 : vector<1x8192x17xf32> to vector<8192x17xf32>
    %dot_general3A_17 = arith.constant dense<0.000000e+00> : vector<256x17xf32>
    %dot_general3A_18 = tpu.matmul %exp3A, %get3A_16, %dot_general3A_17 {dimension_numbers = #tpu.dot_dimension_numbers<[1], [0], [0], [1], [0, 0, 1, 1], [], []>, transpose_lhs_hint = false} : vector<256x8192xf32>, vector<8192x17xf32>, vector<256x17xf32> -> vector<256x17xf32>
    %slice3A = vector.extract_strided_slice %dot_general3A_18 {offsets = [0, 0], sizes = [256, 16], strides = [1, 1]} : vector<256x17xf32> to vector<256x16xf32>
    %slice3A_19 = vector.extract_strided_slice %dot_general3A_18 {offsets = [0, 16], sizes = [256, 1], strides = [1, 1]} : vector<256x17xf32> to vector<256x1xf32>
    %div3A = vector.broadcast %slice3A_19 : vector<256x1xf32> to vector<256x16xf32>
    %div3A_20 = arith.divf %slice3A, %div3A : vector<256x16xf32>
    %swap3A = arith.constant 0 : index
    %swap3A_21 = arith.constant 0 : index
    %swap3A_22 = arith.constant 0 : index
    %swap3A_23 = vector.load %arg5[%swap3A, %swap3A_21, %swap3A_22] : memref<1x256x16xf32, #tpu.memory_space<vmem>>, vector<1x256x16xf32>
    %swap3A_24 = vector.shape_cast %swap3A_23 : vector<1x256x16xf32> to vector<256x16xf32>
    %swap3A_25 = vector.shape_cast %div3A_20 : vector<256x16xf32> to vector<1x256x16xf32>
    tpu.vector_store %arg5[%swap3A, %swap3A_21, %swap3A_22], %swap3A_25 {strides = array<i32>} : memref<1x256x16xf32, #tpu.memory_space<vmem>>, vector<1x256x16xf32>,
    return
  }
  func.func @transform_0(%arg0: i32, %arg1: i32) -> (i32, i32, i32) {
    %c0_i32 = arith.constant 0 : i32
    %c0_i32_0 = arith.constant 0 : i32
    return %arg0, %arg1, %c0_i32 : i32, i32, i32
  }
  func.func @transform_1(%arg0: i32, %arg1: i32) -> (i32, i32, i32) {
    %c0_i32 = arith.constant 0 : i32
    %c0_i32_0 = arith.constant 0 : i32
    %c0_i32_1 = arith.constant 0 : i32
    return %arg0, %c0_i32, %c0_i32_0 : i32, i32, i32
  }
  func.func @transform_2(%arg0: i32, %arg1: i32) -> (i32, i32, i32) {
    %c0_i32 = arith.constant 0 : i32
    %c0_i32_0 = arith.constant 0 : i32
    %c0_i32_1 = arith.constant 0 : i32
    return %arg0, %c0_i32, %c0_i32_0 : i32, i32, i32
  }
  func.func @transform_3(%arg0: i32, %arg1: i32) -> (i32, i32, i32) {
    %c0_i32 = arith.constant 0 : i32
    %c0_i32_0 = arith.constant 0 : i32
    return %arg0, %arg1, %c0_i32 : i32, i32, i32
  }
}

module attributes {stable_mosaic.version = 14 : i64} {
  func.func @_t6_body(%arg0: i32, %arg1: memref<256x64xf32, #tpu.memory_space<vmem>>, %arg2: memref<256x64xf32, #tpu.memory_space<vmem>>, %arg3: memref<256x64xf32, #tpu.memory_space<vmem>>, %arg4: memref<64x64xf32, #tpu.memory_space<vmem>>, %arg5: memref<64x64xf32, #tpu.memory_space<vmem>>, %arg6: memref<64x64xf32, #tpu.memory_space<vmem>>, %arg7: memref<1x64xf32, #tpu.memory_space<vmem>>, %arg8: memref<64x32xf32, #tpu.memory_space<vmem>>, %arg9: memref<1x32xf32, #tpu.memory_space<vmem>>, %arg10: memref<32x2xf32, #tpu.memory_space<vmem>>, %arg11: memref<1x2xf32, #tpu.memory_space<vmem>>, %arg12: memref<256x2xf32, #tpu.memory_space<vmem>>) attributes {dimension_semantics = [#tpu.dimension_semantics<arbitrary>], iteration_bounds = array<i64: 32>, scalar_prefetch = 0 : i64, scratch_operands = 0 : i64, tpu.core_type = #tpu.core_type<tc>, window_params = [{transform_indices = @transform_0, window_bounds = array<i64: 256, 64>}, {transform_indices = @transform_1, window_bounds = array<i64: 256, 64>}, {transform_indices = @transform_2, window_bounds = array<i64: 256, 64>}, {pipeline_mode = #tpu.pipeline_mode<synchronous>, transform_indices = @transform_3, window_bounds = array<i64: 64, 64>}, {pipeline_mode = #tpu.pipeline_mode<synchronous>, transform_indices = @transform_4, window_bounds = array<i64: 64, 64>}, {pipeline_mode = #tpu.pipeline_mode<synchronous>, transform_indices = @transform_5, window_bounds = array<i64: 64, 64>}, {pipeline_mode = #tpu.pipeline_mode<synchronous>, transform_indices = @transform_6, window_bounds = array<i64: 1, 64>}, {pipeline_mode = #tpu.pipeline_mode<synchronous>, transform_indices = @transform_7, window_bounds = array<i64: 64, 32>}, {pipeline_mode = #tpu.pipeline_mode<synchronous>, transform_indices = @transform_8, window_bounds = array<i64: 1, 32>}, {pipeline_mode = #tpu.pipeline_mode<synchronous>, transform_indices = @transform_9, window_bounds = array<i64: 32, 2>}, {pipeline_mode = #tpu.pipeline_mode<synchronous>, transform_indices = @transform_10, window_bounds = array<i64: 1, 2>}, {transform_indices = @transform_11, window_bounds = array<i64: 256, 2>}]} {
    %get3A = arith.constant 0 : index
    %get3A_0 = arith.constant 0 : index
    %get3A_1 = vector.load %arg1[%get3A, %get3A_0] : memref<256x64xf32, #tpu.memory_space<vmem>>, vector<256x64xf32>
    %get3A_2 = arith.constant 0 : index
    %get3A_3 = arith.constant 0 : index
    %get3A_4 = vector.load %arg4[%get3A_2, %get3A_3] : memref<64x64xf32, #tpu.memory_space<vmem>>, vector<64x64xf32>
    %dot_general3A = arith.constant dense<0.000000e+00> : vector<256x64xf32>
    %dot_general3A_5 = tpu.matmul %get3A_1, %get3A_4, %dot_general3A {dimension_numbers = #tpu.dot_dimension_numbers<[1], [0], [0], [1], [0, 0, 1, 1], [], []>, transpose_lhs_hint = false} : vector<256x64xf32>, vector<64x64xf32>, vector<256x64xf32> -> vector<256x64xf32>
    %get3A_6 = arith.constant 0 : index
    %get3A_7 = arith.constant 0 : index
    %get3A_8 = vector.load %arg2[%get3A_6, %get3A_7] : memref<256x64xf32, #tpu.memory_space<vmem>>, vector<256x64xf32>
    %get3A_9 = arith.constant 0 : index
    %get3A_10 = arith.constant 0 : index
    %get3A_11 = vector.load %arg5[%get3A_9, %get3A_10] : memref<64x64xf32, #tpu.memory_space<vmem>>, vector<64x64xf32>
    %dot_general3A_12 = arith.constant dense<0.000000e+00> : vector<256x64xf32>
    %dot_general3A_13 = tpu.matmul %get3A_8, %get3A_11, %dot_general3A_12 {dimension_numbers = #tpu.dot_dimension_numbers<[1], [0], [0], [1], [0, 0, 1, 1], [], []>, transpose_lhs_hint = false} : vector<256x64xf32>, vector<64x64xf32>, vector<256x64xf32> -> vector<256x64xf32>
    %add3A = arith.addf %dot_general3A_5, %dot_general3A_13 : vector<256x64xf32>
    %get3A_14 = arith.constant 0 : index
    %get3A_15 = arith.constant 0 : index
    %get3A_16 = vector.load %arg3[%get3A_14, %get3A_15] : memref<256x64xf32, #tpu.memory_space<vmem>>, vector<256x64xf32>
    %get3A_17 = arith.constant 0 : index
    %get3A_18 = arith.constant 0 : index
    %get3A_19 = vector.load %arg6[%get3A_17, %get3A_18] : memref<64x64xf32, #tpu.memory_space<vmem>>, vector<64x64xf32>
    %dot_general3A_20 = arith.constant dense<0.000000e+00> : vector<256x64xf32>
    %dot_general3A_21 = tpu.matmul %get3A_16, %get3A_19, %dot_general3A_20 {dimension_numbers = #tpu.dot_dimension_numbers<[1], [0], [0], [1], [0, 0, 1, 1], [], []>, transpose_lhs_hint = false} : vector<256x64xf32>, vector<64x64xf32>, vector<256x64xf32> -> vector<256x64xf32>
    %add3A_22 = arith.addf %add3A, %dot_general3A_21 : vector<256x64xf32>
    %get3A_23 = arith.constant 0 : index
    %get3A_24 = arith.constant 0 : index
    %get3A_25 = vector.load %arg7[%get3A_23, %get3A_24] : memref<1x64xf32, #tpu.memory_space<vmem>>, vector<1x64xf32>
    %add3A_26 = vector.broadcast %get3A_25 : vector<1x64xf32> to vector<256x64xf32>
    %add3A_27 = arith.addf %add3A_22, %add3A_26 : vector<256x64xf32>
    %max3A = arith.constant 0.000000e+00 : f32
    %max3A_28 = vector.broadcast %max3A : f32 to vector<256x64xf32>
    %max3A_29 = arith.maximumf %add3A_27, %max3A_28 : vector<256x64xf32>
    %get3A_30 = arith.constant 0 : index
    %get3A_31 = arith.constant 0 : index
    %get3A_32 = vector.load %arg8[%get3A_30, %get3A_31] : memref<64x32xf32, #tpu.memory_space<vmem>>, vector<64x32xf32>
    %dot_general3A_33 = arith.constant dense<0.000000e+00> : vector<256x32xf32>
    %dot_general3A_34 = tpu.matmul %max3A_29, %get3A_32, %dot_general3A_33 {dimension_numbers = #tpu.dot_dimension_numbers<[1], [0], [0], [1], [0, 0, 1, 1], [], []>, transpose_lhs_hint = false} : vector<256x64xf32>, vector<64x32xf32>, vector<256x32xf32> -> vector<256x32xf32>
    %get3A_35 = arith.constant 0 : index
    %get3A_36 = arith.constant 0 : index
    %get3A_37 = vector.load %arg9[%get3A_35, %get3A_36] : memref<1x32xf32, #tpu.memory_space<vmem>>, vector<1x32xf32>
    %add3A_38 = vector.broadcast %get3A_37 : vector<1x32xf32> to vector<256x32xf32>
    %add3A_39 = arith.addf %dot_general3A_34, %add3A_38 : vector<256x32xf32>
    %max3A_40 = arith.constant 0.000000e+00 : f32
    %max3A_41 = vector.broadcast %max3A_40 : f32 to vector<256x32xf32>
    %max3A_42 = arith.maximumf %add3A_39, %max3A_41 : vector<256x32xf32>
    %get3A_43 = arith.constant 0 : index
    %get3A_44 = arith.constant 0 : index
    %get3A_45 = vector.load %arg10[%get3A_43, %get3A_44] : memref<32x2xf32, #tpu.memory_space<vmem>>, vector<32x2xf32>
    %dot_general3A_46 = arith.constant dense<0.000000e+00> : vector<256x2xf32>
    %dot_general3A_47 = tpu.matmul %max3A_42, %get3A_45, %dot_general3A_46 {dimension_numbers = #tpu.dot_dimension_numbers<[1], [0], [0], [1], [0, 0, 1, 1], [], []>, transpose_lhs_hint = false} : vector<256x32xf32>, vector<32x2xf32>, vector<256x2xf32> -> vector<256x2xf32>
    %get3A_48 = arith.constant 0 : index
    %get3A_49 = arith.constant 0 : index
    %get3A_50 = vector.load %arg11[%get3A_48, %get3A_49] : memref<1x2xf32, #tpu.memory_space<vmem>>, vector<1x2xf32>
    %add3A_51 = vector.broadcast %get3A_50 : vector<1x2xf32> to vector<256x2xf32>
    %add3A_52 = arith.addf %dot_general3A_47, %add3A_51 : vector<256x2xf32>
    %swap3A = arith.constant 0 : index
    %swap3A_53 = arith.constant 0 : index
    %swap3A_54 = vector.load %arg12[%swap3A, %swap3A_53] : memref<256x2xf32, #tpu.memory_space<vmem>>, vector<256x2xf32>
    tpu.vector_store %arg12[%swap3A, %swap3A_53], %add3A_52 {strides = array<i32>} : memref<256x2xf32, #tpu.memory_space<vmem>>, vector<256x2xf32>,
    return
  }
  func.func @transform_0(%arg0: i32) -> (i32, i32) {
    %c0_i32 = arith.constant 0 : i32
    %c0_i32_0 = arith.constant 0 : i32
    return %arg0, %c0_i32 : i32, i32
  }
  func.func @transform_1(%arg0: i32) -> (i32, i32) {
    %c0_i32 = arith.constant 0 : i32
    %c0_i32_0 = arith.constant 0 : i32
    return %arg0, %c0_i32 : i32, i32
  }
  func.func @transform_2(%arg0: i32) -> (i32, i32) {
    %c0_i32 = arith.constant 0 : i32
    %c0_i32_0 = arith.constant 0 : i32
    return %arg0, %c0_i32 : i32, i32
  }
  func.func @transform_3(%arg0: i32) -> (i32, i32) {
    %c0_i32 = arith.constant 0 : i32
    %c0_i32_0 = arith.constant 0 : i32
    %c0_i32_1 = arith.constant 0 : i32
    return %c0_i32, %c0_i32_0 : i32, i32
  }
  func.func @transform_4(%arg0: i32) -> (i32, i32) {
    %c0_i32 = arith.constant 0 : i32
    %c0_i32_0 = arith.constant 0 : i32
    %c0_i32_1 = arith.constant 0 : i32
    return %c0_i32, %c0_i32_0 : i32, i32
  }
  func.func @transform_5(%arg0: i32) -> (i32, i32) {
    %c0_i32 = arith.constant 0 : i32
    %c0_i32_0 = arith.constant 0 : i32
    %c0_i32_1 = arith.constant 0 : i32
    return %c0_i32, %c0_i32_0 : i32, i32
  }
  func.func @transform_6(%arg0: i32) -> (i32, i32) {
    %c0_i32 = arith.constant 0 : i32
    %c0_i32_0 = arith.constant 0 : i32
    %c0_i32_1 = arith.constant 0 : i32
    return %c0_i32, %c0_i32_0 : i32, i32
  }
  func.func @transform_7(%arg0: i32) -> (i32, i32) {
    %c0_i32 = arith.constant 0 : i32
    %c0_i32_0 = arith.constant 0 : i32
    %c0_i32_1 = arith.constant 0 : i32
    return %c0_i32, %c0_i32_0 : i32, i32
  }
  func.func @transform_8(%arg0: i32) -> (i32, i32) {
    %c0_i32 = arith.constant 0 : i32
    %c0_i32_0 = arith.constant 0 : i32
    %c0_i32_1 = arith.constant 0 : i32
    return %c0_i32, %c0_i32_0 : i32, i32
  }
  func.func @transform_9(%arg0: i32) -> (i32, i32) {
    %c0_i32 = arith.constant 0 : i32
    %c0_i32_0 = arith.constant 0 : i32
    %c0_i32_1 = arith.constant 0 : i32
    return %c0_i32, %c0_i32_0 : i32, i32
  }
  func.func @transform_10(%arg0: i32) -> (i32, i32) {
    %c0_i32 = arith.constant 0 : i32
    %c0_i32_0 = arith.constant 0 : i32
    %c0_i32_1 = arith.constant 0 : i32
    return %c0_i32, %c0_i32_0 : i32, i32
  }
  func.func @transform_11(%arg0: i32) -> (i32, i32) {
    %c0_i32 = arith.constant 0 : i32
    %c0_i32_0 = arith.constant 0 : i32
    return %arg0, %c0_i32 : i32, i32
  }
}

</mosaic_0001>

<sc_bundles>
// kernel: kernel.14.cloned.1.call-start
scs
__scs_entry_jumppad:
0x0: {  	(pc) =	sbr.rel $0x88, $3  }
0x1: {  	(tag) =	ssettag $0x0;
	lr =	simm.s32 $0x1  }
0x2: {  	[smem:$0x3F70] =	sst lr;
	_ =	strace $0xD0000000  }
0x3: {  	_ = 	snop  }
0x4: {  	_ = 	snop  }
0x5: {  	_ = 	snop  }
0x6: {  	_ = 	snop  }
0x7: {  	_ = 	snop  }
__scs_overlays_trampoline_lowered:
0x8: {  	[smem:$0x3F7F] =	sst s0  }
0x9: {  	[smem:$0x3F80] =	sst s1  }
0xa: {  	[smem:$0x3F81] =	sst s2  }
0xb: {  	[smem:$0x3F82] =	sst s3  }
0xc: {  	[smem:$0x3F83] =	sst s4  }
0xd: {  	[smem:$0x3F84] =	sst s5  }
0xe: {  	[smem:$0x3F85] =	sst s6  }
0xf: {  	[smem:$0x3F86] =	sst s7  }
0x10: {  	[smem:$0x3F87] =	sst s8  }
0x11: {  	[smem:$0x3F88] =	sst s9;
	s0 =	simm.s32 @!p0 $0x0  }
0x12: {  	s1 =	sld [smem:$0x3F6E];
	s0 =	simm.s32 @p0 $0x1  }
0x13: {  	[smem:$0x3F89] =	sst s0;
	s0 =	simm.s32 @!p1 $0x0  }
0x14: {  	s2 =	sld [smem:$0x3F6D];
	s0 =	simm.s32 @p1 $0x1  }
0x15: {  	[smem:$0x3F8A] =	sst s0;
	s0 =	simm.s32 @!p2 $0x0  }
0x16: {  	s3 =	sld [smem:$0x3FDB];
	s0 =	simm.s32 @p2 $0x1  }
0x17: {  	s4 =	simm.s32 $0x1BF5;
	[smem:$0x3F8C] =	sst s0  }
0x18: {  	s0 =	sld [smem:$0x3F6F];
	_ =	swait.ge [sflag:s4], $0x0  }
0x19: {  	s7 =	sld [smem:$0x3F70]  }
0x1a: {  	s8 =	sadd.s32 $0xFFFFE003, lr  }
0x1b: {  	s9 =	sadd.s32 $0xFFFFFEF7, lr;
	s5 =	simm.s32 $0xFFFFFFFF;
	p2 =	slt.u32 s8, $0xFFFFF086  }
0x1c: {  	p1 =	slt.u32 s9, $0xF7A;
	s5 =	simm.s32 @!p2 $0x0  }
0x1d: {  	s5 =	simm.s32 @p1 $0x1;
	p0 =	seq.s32 s7, s2  }
0x1e: {  	s7 =	smul.u32 @!p0 $0xF7A, s2;
	p2 =	seq.s32 @!p0 s5, $0x0  }
0x1f: {  	s9 =	smul.u32 $0xF7A, s1;
	s8 =	simm.s32 @!p0 $0x1BF5;
	p2 =	por !p2, p0  }
0x20: {  	[sflag:s8] =	ssyncset.s32 @!p0 $0xFFFFF086;
	s6 =	sadd.s32 @!p0 s3, s7;
	s7 =	simm.s32 @!p0 $0x108  }
0x21: {  	s3 =	sadd.s32 s3, s9;
	s6 =	sadd.s32 @!p0 $0x88, s6;
	s7 =	simm.s32 @p2 $0x1082  }
0x22: {  	[simem:s7], [sflag:s8] =	dma.local @!p0 [hbm:s6], $0xF7A  }
0x23: {  	s9 =	sor.u32 $0xD0000000, s2;
	s6 =	simm.s32 $0x108;
	_ =	swait.ge @!p0 [sflag:s8], $0x0  }
0x24: {  	s3 =	sadd.s32 $0x88, s3;
	s6 =	simm.s32 @!p1 $0x1082;
	[sflag:s4] =	ssyncset.s32 $0xFFFFF086  }
0x25: {  	[simem:s6], [sflag:s4] =	dma.local [hbm:s3], $0xF7A  }
0x26: {  	[smem:$0x3F70] =	sst s1;
	(tag) =	ssettag s2;
	_ =	strace s9  }
0x27: {  	s1 =	sld [smem:$0x3F80]  }
0x28: {  	s2 =	sld [smem:$0x3F81]  }
0x29: {  	s4 =	sld [smem:$0x3F83]  }
0x2a: {  	p0 =	seq.s32 s5, $0x0;
	s5 =	sld [smem:$0x3F84]  }
0x2b: {  	s6 =	sld [smem:$0x3F85]  }
0x2c: {  	s7 =	sld [smem:$0x3F86]  }
0x2d: {  	s3 =	simm.s32 $0x108;
	s8 =	sld [smem:$0x3F87]  }
0x2e: {  	s3 =	simm.s32 @!p0 $0x1082;
	s9 =	sld [smem:$0x3F88]  }
0x2f: {  	lr =	sadd.s32 s0, s3;
	s0 =	sld [smem:$0x3F7F]  }
0x30: {  	s3 =	sld [smem:$0x3F82]  }
0x31: {  	[smem:$0x3F8B] =	sst s10  }
0x32: {  	s10 =	sld [smem:$0x3F89];
	_ =	sdelay $0x3  }
0x33: {  	p0 =	seq.s32 s10, $0x1;
	s10 =	sld [smem:$0x3F8B];
	_ =	sdelay $0x3  }
0x34: {  	[smem:$0x3F8B] =	sst s10  }
0x35: {  	s10 =	sld [smem:$0x3F8A];
	_ =	sdelay $0x3  }
0x36: {  	p1 =	seq.s32 s10, $0x1;
	s10 =	sld [smem:$0x3F8B];
	_ =	sdelay $0x3  }
0x37: {  	[smem:$0x3F8B] =	sst s10  }
0x38: {  	s10 =	sld [smem:$0x3F8C]  }
0x39: {  	_ = 	snop;
	(pc) =	sbr.ind lr, $3  }
0x3a: {  	_ = 	snop  }
0x3b: {  	_ = 	snop  }
0x3c: {  	p2 =	seq.s32 s10, $0x1;
	s10 =	sld [smem:$0x3F8B]  }
0x3d: {  	_ =	shalt  }
0x3e: {  	_ =	shalt  }
0x3f: {  	_ =	shalt  }
0x40: {  	_ =	shalt  }
0x41: {  	_ =	shalt  }
0x42: {  	_ =	shalt  }
0x43: {  	_ =	shalt  }
0x44: {  	_ =	shalt  }
0x45: {  	_ =	shalt  }
0x46: {  	_ =	shalt  }
0x47: {  	_ =	shalt  }
0x48: {  	_ =	shalt  }
0x49: {  	_ =	shalt  }
0x4a: {  	_ =	shalt  }
0x4b: {  	_ =	shalt  }
0x4c: {  	_ =	shalt  }
0x4d: {  	_ =	shalt  }
0x4e: {  	_ =	shalt  }
0x4f: {  	_ =	shalt  }
0x50: {  	_ =	shalt  }
0x51: {  	_ =	shalt  }
0x52: {  	_ =	shalt  }
0x53: {  	_ =	shalt  }
0x54: {  	_ =	shalt  }
0x55: {  	_ =	shalt  }
0x56: {  	_ =	shalt  }
0x57: {  	_ =	shalt  }
0x58: {  	_ =	shalt  }
0x59: {  	_ =	shalt  }
0x5a: {  	_ =	shalt  }
0x5b: {  	_ =	shalt  }
0x5c: {  	_ =	shalt  }
0x5d: {  	_ =	shalt  }
0x5e: {  	_ =	shalt  }
0x5f: {  	_ =	shalt  }
0x60: {  	_ =	shalt  }
0x61: {  	_ =	shalt  }
0x62: {  	_ =	shalt  }
0x63: {  	_ =	shalt  }
0x64: {  	_ =	shalt  }
0x65: {  	_ =	shalt  }
0x66: {  	_ =	shalt  }
0x67: {  	_ =	shalt  }
0x68: {  	_ =	shalt  }
0x69: {  	_ =	shalt  }
0x6a: {  	_ =	shalt  }
0x6b: {  	_ =	shalt  }
0x6c: {  	_ =	shalt  }
0x6d: {  	_ =	shalt  }
0x6e: {  	_ =	shalt  }
0x6f: {  	_ =	shalt  }
0x70: {  	_ =	shalt  }
0x71: {  	_ =	shalt  }
0x72: {  	_ =	shalt  }
0x73: {  	_ =	shalt  }
0x74: {  	_ =	shalt  }
0x75: {  	_ =	shalt  }
0x76: {  	_ =	shalt  }
0x77: {  	_ =	shalt  }
0x78: {  	_ =	shalt  }
0x79: {  	_ =	shalt  }
0x7a: {  	_ =	shalt  }
0x7b: {  	_ =	shalt  }
0x7c: {  	_ =	shalt  }
0x7d: {  	_ =	shalt  }
0x7e: {  	_ =	shalt  }
0x7f: {  	_ =	shalt  }
0x80: {  	_ =	shalt  }
0x81: {  	_ =	shalt  }
0x82: {  	_ =	shalt  }
0x83: {  	_ =	shalt  }
0x84: {  	_ =	shalt  }
0x85: {  	_ =	shalt  }
0x86: {  	_ =	shalt  }
0x87: {  	_ =	shalt  }
.Lfunc_end0:
.L_simem_size_0:
called_computation_lowered:
.L_overlay_start_0:
0x88: {  	s2 =	sld [smem:$0x3FD9]  }
0x89: {  	s3 =	sld [smem:$0x3FFE];
	_ =	sdelay $0x1  }
0x8a: {  	s1 =	srdreg.scid  }
0x8b: {  	s0 =	sand.u32 $0x1, s1  }
0x8c: {  	s17 =	sshll.u32 s0, $0xA;
	s2 =	sadd.s32 s3, s2  }
0x8d: {  	s2 =	sadd.s32 s2, s17  }
0x8e: {  	[smem:$0x3F97] =	sst s2  }
0x8f: {  	_ = 	snop  }
0x90: {  	s2 =	sld [smem:$0x3FD0];
	(tm) =	ssettm $0x1  }
0x91: {  	s18 =	sld [smem:$0x3FFB];
	_ =	sdelay $0x3  }
0x92: {  	_ =	strace s18  }
0x93: {  	s3 =	sld [smem:$0x3FFC];
	_ =	sdelay $0x3  }
0x94: {  	_ =	strace s3  }
0x95: {  	s3 =	sld [smem:$0x3FFD];
	_ =	sdelay $0x3  }
0x96: {  	_ =	strace s3  }
0x97: {  	_ =	strace $0x8FFFFFFF  }
0x98: {  	s19 =	sld [smem:$0x3FDB];
	_ =	sdelay $0x1  }
0x99: {  	s4 =	simm.s32 $_scs_section_size  }
0x9a: {  	s5 =	simm.s32 $_size__tile_overlayer_lowered;
	s6 =	simm.s32 $_tile_overlayer_lowered  }
0x9b: {  	s22 =	simm.s32 $0x1BFF;
	s21 =	sshll.u32 s6, $0x1;
	s3 =	sadd.s32 s4, s19  }
0x9c: {  	s7 =	simm.s32 $0x0;
	s20 =	sshll.u32 s5, $0x1;
	s5 =	sadd.s32 s21, s3  }
0x9d: {  	[timem:s7], [sflag:s22] =	dma.local [hbm:s5], s20  }
0x9e: {  	_ =	swait.ge [sflag:s22], s20  }
0x9f: {  	s4 =	ssub.s32 $0x0, s20;
	[sflag:s22] =	ssyncset.done $0x0  }
0xa0: {  	[sflag:s22] =	ssyncadd.s32 s4;
	_ =	sdelay $0x1  }
0xa1: {  	s23 =	simm.s32 $0x1B8B  }
0xa2: {  	_ =	swait.ge [sflag:s23], $0x1  }
0xa3: {  	[sflag:s23] =	ssyncset.done $0x0  }
0xa4: {  	s25 =	simm.s32 $0x1B8E;
	s24 =	sld [smem:$0x3FFE];
	[sflag:s23] =	ssyncadd.s32 $0xFFFFFFFF  }
0xa5: {  	s26 =	simm.s32 $execute0_lowered;
	[smem:$0x3FD2] =	sst s25  }
0xa6: {  	s5 =	sshll.u32 s26, $0x1;
	_ =	strace $0x80000046;
	[dreg:$0x1] =	wrdreg $0xFFFFFFFF  }
0xa7: {  	s28 =	simm.s32 $_size_execute0_lowered;
	s3 =	sadd.s32 s3, s5;
	[dreg:$0x0] =	wrdreg $0x0  }
0xa8: {  	s5 =	sshll.u32 s28, $0x1;
	[dreg:$0x2] =	wrdreg s3  }
0xa9: {  	[dreg:$0x3] =	wrdreg s5  }
0xaa: {  	[dreg:$0x4] =	wrdreg $0xC0  }
0xab: {  	_ =	task [dreg:s7], $0x5FFFF  }
0xac: {  	[dreg:$0x1] =	wrdreg $0xFFFFFFFF  }
0xad: {  	[dreg:$0x0] =	wrdreg $0x60  }
0xae: {  	[dreg:$0x2] =	wrdreg s24  }
0xaf: {  	[dreg:$0x3] =	wrdreg s2  }
0xb0: {  	[dreg:$0x4] =	wrdreg $0x50000  }
0xb1: {  	[dreg:$0x5] =	wrdreg $0x9  }
0xb2: {  	_ =	task.clear_ibuf [dreg:s7], $0x6FFFF;
	_ =	strace $0x90000046  }
0xb3: {  	s29 =	simm.s32 $0x9;
	_ =	strace $0x80000048  }
0xb4: {  	_ =	swait.ge [sflag:s29], $0x1  }
0xb5: {  	[sflag:s29] =	ssyncadd.s32 $0xFFFFFFFF  }
0xb6: {  	_ =	strace $0x90000048  }
0xb7: {  	_ =	sfence  }
0xb8: {  	s30 =	sld [smem:$0x0];
	_ =	sdelay $0x2  }
0xb9: {  	s31 =	sshll.u32 s1, $0xD;
	s1 =	sshrl.u32 s1, $0x2  }
0xba: {  	s3 =	sand.u32 $0x4000, s31;
	s1 =	sadd.s32 s1, s30  }
0xbb: {  	s0 =	sor.u32 s3, s0;
	s1 =	sshll.u32 s1, $0x11  }
0xbc: {  	s0 =	sor.u32 s1, s0  }
0xbd: {  	s0 =	sadd.s32 $0x8F2B, s0  }
0xbe: {  	[sflag:s0] =	ssyncadd.remote.s32 $0x1  }
0xbf: {  	_ =	sfence.sel $0xFFFF  }
0xc0: {  	[dreg:$0x0] =	wrdreg $0xFFFFFFFF;
	(pc) =	sbr.abs _section_cstart, $3  }
0xc1: {  	[dreg:$0x1] =	wrdreg $0xFFFFFFFF  }
0xc2: {  	_ =	task.clear_ibuf [dreg:s7], $0x2FFFF;
	_ =	strace $0x9FFFFFFF  }
0xc3: {  	(tm) =	ssettm $0x7FFFFFFF  }
tec
execute0_lowered:
.L_overlay_start_1:
0x0: {  	(tag) =	ssettag $0x1  }
0x1: {  	s6 =	rddreg [dreg:$0x0]  }
0x2: {  	s1 =	rddreg [dreg:$0x1]  }
0x3: {  	s2 =	rddreg [dreg:$0x2]  }
0x4: {  	s0 =	rddreg [dreg:$0x3]  }
0x5: {  	s3 =	simm.s32 $0x0;
	s4 =	srdreg.scid;
	s13 =	simm.s32 $0x80  }
0x6: {  	s14 =	simm.s32 $0x0;
	[smem:$0x7FF] =	sst s3;
	s7 =	sand.u32 $0x1, s4  }
0x7: {  	s5 =	sadd.s32 $0x11400, s6;
	_ =	strace $0x80000047;
	s4 =	sshll.u32 s7, $0x9  }
0x8: {  	s9 =	ssub.s32 $0x2, s7;
	s8 =	sadd.s32 s4, s6;
	s4 =	stileid.u32  }
0x9: {  	s7 =	sshll.u32 s7, $0x11;
	s11 =	sshrl.u32 s9, $0x1;
	s10 =	sshll.u32 s4, $0xD  }
0xa: {  	s9 =	ssub.s32 s9, s11;
	s29 =	sshll.u32 s4, $0x10;
	s30 =	sshll.u32 s4, $0xA  }
0xb: {  	s12 =	sshll.u32 s4, $0x6;
	s11 =	simm.s32 $0x1;
	s6 =	sadd.s32 s10, s6  }
0xc: {  	s10 =	sadd.s32 s29, s2;
	s8 =	sadd.s32 s30, s8;
	s9 =	smax.u32 s9, $0x1  }
0xd: {  	s31 =	sadd.s32 s7, s6;
	s6 =	sor.u32 $0x1C01, s12;
	s7 =	sadd.s32 $0xD400, s8  }
0xe: {  	s10 =	sshrl.u32 s10, $0x3;
	s12 =	simm.s32 $0x1000;
	s8 =	sadd.s32 $0x13400, s31  }
.LBB2_1:
0xf: {  	[spmem:s10], [sflag:s6] =	dma.local [hbm:s5], $0x2000  }
0x10: {  	_ =	swait.ge [sflag:s11], $0x2000  }
0x11: {  	[sflag:s11] =	ssyncset.done $0x0  }
0x12: {  	[sflag:s11] =	ssyncadd.s32 $0xFFFFE000  }
0x13: {  	[tilespmem:s12], [sflag:$0x1] =	stream.linear.gather [hbm4b:s1+s3], $0x4000, $0x38;
	[tilespmem:$0x6000] =	vst v63  }
0x14: {  	_ =	swait.ge [sflag:s11], $0x4000  }
0x15: {  	[sflag:s11] =	ssyncset.done $0x0  }
0x16: {  	[sflag:s11] =	ssyncadd.s32 $0xFFFFC000  }
0x17: {  	[tilespmem:s3], [sflag:$0x1] =	stream.linear.gather [hbm4b:s7+s3], $0x1000, $0x38;
	[tilespmem:$0x6000] =	vst v63  }
0x18: {  	_ =	swait.ge [sflag:s11], $0x1000  }
0x19: {  	[sflag:s11] =	ssyncset.done $0x0  }
0x1a: {  	[sflag:s11] =	ssyncadd.s32 $0xFFFFF000  }
0x1b: {  	s15 =	simm.s32 $0x0;
	[bflag:$0x0] =	sbarrier.arrive $0xFFFF  }
0x1c: {  	[spmem:s2] =	stream.indirect.scatter.add.f32 [tilespmem:s12], [sflag:$0x1], $0x8, s15, s13, $0xb8;
	[tilespmem:$0x6000] =	vst v63  }
0x1d: {  	_ =	swait.ge [sflag:s11], $0x400  }
0x1e: {  	s15 =	simm.s32 $0x200;
	[sflag:s11] =	ssyncset.done $0x0  }
.LBB2_2:
0x1f: {  	s16 =	sshra.s32 s15, $0x2;
	[sflag:s11] =	ssyncadd.s32 $0xFFFFFC00;
	p0 =	sne.s32 s15, $0x3E00  }
0x20: {  	[spmem:s2] =	stream.indirect.scatter.add.f32 [tilespmem:s12], [sflag:$0x1], $0x8, s16, s13, $0xb8;
	[tilespmem:$0x6000] =	vst v63  }
.Ltmp0:
0x21: {  	_ = 	snop;
	(pc) =	sbr.rel @p0 .LBB2_2-.Ltmp0, $4  }
0x22: {  	_ = 	snop  }
0x23: {  	s15 =	sadd.s32 $0x200, s15  }
0x24: {  	_ =	swait.ge [sflag:s11], $0x400  }
0x25: {  	[sflag:s11] =	ssyncset.done $0x0  }
0x26: {  	s14 =	sadd.s32 $0x1, s14  }
0x27: {  	[sflag:s11] =	ssyncadd.s32 $0xFFFFFC00;
	p0 =	sne.s32 s14, s9  }
.Ltmp1:
0x28: {  	[bflag:$0x0] =	sbarrier.arrive $0xFFFF;
	(pc) =	sbr.rel @p0 .LBB2_1-.Ltmp1, $4  }
0x29: {  	[hbm:s8], [sflag:s6] =	dma.local [spmem:s10], $0x2000  }
0x2a: {  	_ =	swait.ge [sflag:s11], $0x2000  }
0x2b: {  	[sflag:s11] =	ssyncset.done $0x0  }
0x2c: {  	[sflag:s11] =	ssyncadd.s32 $0xFFFFE000  }
0x2d: {  	_ =	sfence.sel $0x180000  }
0x2e: {  	[bflag:$0x0] =	sbarrier.arrive $0xFFFF  }
0x2f: {  	p0 =	sne.s32 s4, $0x0;
	_ =	strace $0x90000047  }
0x30: {  	s0 =	sadd.s32 @!p0 $0x100000, s0;
	[bflag:$0x2] =	sbarrier.arrive $0xFFFF  }
0x31: {  	[sflag:s0] =	ssyncadd.tile.s32 @!p0 $0x1;
	_ =	shalt  }
.Lfunc_end2:
_tile_overlayer_lowered:
.L_overlay_start_2:
0x32: {  	(tag) =	ssettag $0x2  }
0x33: {  	s0 =	rddreg [dreg:$0x0];
	s2 =	stileid.u32  }
0x34: {  	s1 =	rddreg [dreg:$0x1];
	p0 =	sne.s32 s2, $0x0  }
0x35: {  	s3 =	rddreg [dreg:$0x2];
	[bflag:$0x3] =	sbarrier.arrive $0xFFFF;
	s2 =	simm.s32 @!p0 $0x1C01  }
0x36: {  	[timem:s3], [sflag:s2] =	dma.local @!p0 [hbm:s0], s1  }
0x37: {  	s0 =	simm.s32 @!p0 $0x1  }
0x38: {  	_ =	swait.ge @!p0 [sflag:s0], s1  }
0x39: {  	s1 =	ssub.s32 @!p0 $0x0, s1;
	[sflag:s0] =	ssyncset.done @!p0 $0x0  }
0x3a: {  	[sflag:s0] =	ssyncadd.s32 @!p0 s1  }
0x3b: {  	[bflag:$0x3] =	sbarrier.arrive $0xFFFF  }
0x3c: {  	_ =	shalt  }

// kernel: kernel.17.cloned.1.call-start
scs
__scs_entry_jumppad:
0x0: {  	(pc) =	sbr.rel $0x88, $3  }
0x1: {  	(tag) =	ssettag $0x0;
	lr =	simm.s32 $0x1  }
0x2: {  	[smem:$0x3F70] =	sst lr;
	_ =	strace $0xD0000000  }
0x3: {  	_ = 	snop  }
0x4: {  	_ = 	snop  }
0x5: {  	_ = 	snop  }
0x6: {  	_ = 	snop  }
0x7: {  	_ = 	snop  }
__scs_overlays_trampoline_lowered:
0x8: {  	[smem:$0x3F7F] =	sst s0  }
0x9: {  	[smem:$0x3F80] =	sst s1  }
0xa: {  	[smem:$0x3F81] =	sst s2  }
0xb: {  	[smem:$0x3F82] =	sst s3  }
0xc: {  	[smem:$0x3F83] =	sst s4  }
0xd: {  	[smem:$0x3F84] =	sst s5  }
0xe: {  	[smem:$0x3F85] =	sst s6  }
0xf: {  	[smem:$0x3F86] =	sst s7  }
0x10: {  	[smem:$0x3F87] =	sst s8  }
0x11: {  	[smem:$0x3F88] =	sst s9;
	s0 =	simm.s32 @!p0 $0x0  }
0x12: {  	s1 =	sld [smem:$0x3F6E];
	s0 =	simm.s32 @p0 $0x1  }
0x13: {  	[smem:$0x3F89] =	sst s0;
	s0 =	simm.s32 @!p1 $0x0  }
0x14: {  	s2 =	sld [smem:$0x3F6D];
	s0 =	simm.s32 @p1 $0x1  }
0x15: {  	[smem:$0x3F8A] =	sst s0;
	s0 =	simm.s32 @!p2 $0x0  }
0x16: {  	s3 =	sld [smem:$0x3FDB];
	s0 =	simm.s32 @p2 $0x1  }
0x17: {  	s4 =	simm.s32 $0x1BF5;
	[smem:$0x3F8C] =	sst s0  }
0x18: {  	s0 =	sld [smem:$0x3F6F];
	_ =	swait.ge [sflag:s4], $0x0  }
0x19: {  	s7 =	sld [smem:$0x3F70]  }
0x1a: {  	s8 =	sadd.s32 $0xFFFFE003, lr  }
0x1b: {  	s9 =	sadd.s32 $0xFFFFFEF7, lr;
	s5 =	simm.s32 $0xFFFFFFFF;
	p2 =	slt.u32 s8, $0xFFFFF086  }
0x1c: {  	p1 =	slt.u32 s9, $0xF7A;
	s5 =	simm.s32 @!p2 $0x0  }
0x1d: {  	s5 =	simm.s32 @p1 $0x1;
	p0 =	seq.s32 s7, s2  }
0x1e: {  	s7 =	smul.u32 @!p0 $0xF7A, s2;
	p2 =	seq.s32 @!p0 s5, $0x0  }
0x1f: {  	s9 =	smul.u32 $0xF7A, s1;
	s8 =	simm.s32 @!p0 $0x1BF5;
	p2 =	por !p2, p0  }
0x20: {  	[sflag:s8] =	ssyncset.s32 @!p0 $0xFFFFF086;
	s6 =	sadd.s32 @!p0 s3, s7;
	s7 =	simm.s32 @!p0 $0x108  }
0x21: {  	s3 =	sadd.s32 s3, s9;
	s6 =	sadd.s32 @!p0 $0x88, s6;
	s7 =	simm.s32 @p2 $0x1082  }
0x22: {  	[simem:s7], [sflag:s8] =	dma.local @!p0 [hbm:s6], $0xF7A  }
0x23: {  	s9 =	sor.u32 $0xD0000000, s2;
	s6 =	simm.s32 $0x108;
	_ =	swait.ge @!p0 [sflag:s8], $0x0  }
0x24: {  	s3 =	sadd.s32 $0x88, s3;
	s6 =	simm.s32 @!p1 $0x1082;
	[sflag:s4] =	ssyncset.s32 $0xFFFFF086  }
0x25: {  	[simem:s6], [sflag:s4] =	dma.local [hbm:s3], $0xF7A  }
0x26: {  	[smem:$0x3F70] =	sst s1;
	(tag) =	ssettag s2;
	_ =	strace s9  }
0x27: {  	s1 =	sld [smem:$0x3F80]  }
0x28: {  	s2 =	sld [smem:$0x3F81]  }
0x29: {  	s4 =	sld [smem:$0x3F83]  }
0x2a: {  	p0 =	seq.s32 s5, $0x0;
	s5 =	sld [smem:$0x3F84]  }
0x2b: {  	s6 =	sld [smem:$0x3F85]  }
0x2c: {  	s7 =	sld [smem:$0x3F86]  }
0x2d: {  	s3 =	simm.s32 $0x108;
	s8 =	sld [smem:$0x3F87]  }
0x2e: {  	s3 =	simm.s32 @!p0 $0x1082;
	s9 =	sld [smem:$0x3F88]  }
0x2f: {  	lr =	sadd.s32 s0, s3;
	s0 =	sld [smem:$0x3F7F]  }
0x30: {  	s3 =	sld [smem:$0x3F82]  }
0x31: {  	[smem:$0x3F8B] =	sst s10  }
0x32: {  	s10 =	sld [smem:$0x3F89];
	_ =	sdelay $0x3  }
0x33: {  	p0 =	seq.s32 s10, $0x1;
	s10 =	sld [smem:$0x3F8B];
	_ =	sdelay $0x3  }
0x34: {  	[smem:$0x3F8B] =	sst s10  }
0x35: {  	s10 =	sld [smem:$0x3F8A];
	_ =	sdelay $0x3  }
0x36: {  	p1 =	seq.s32 s10, $0x1;
	s10 =	sld [smem:$0x3F8B];
	_ =	sdelay $0x3  }
0x37: {  	[smem:$0x3F8B] =	sst s10  }
0x38: {  	s10 =	sld [smem:$0x3F8C]  }
0x39: {  	_ = 	snop;
	(pc) =	sbr.ind lr, $3  }
0x3a: {  	_ = 	snop  }
0x3b: {  	_ = 	snop  }
0x3c: {  	p2 =	seq.s32 s10, $0x1;
	s10 =	sld [smem:$0x3F8B]  }
0x3d: {  	_ =	shalt  }
0x3e: {  	_ =	shalt  }
0x3f: {  	_ =	shalt  }
0x40: {  	_ =	shalt  }
0x41: {  	_ =	shalt  }
0x42: {  	_ =	shalt  }
0x43: {  	_ =	shalt  }
0x44: {  	_ =	shalt  }
0x45: {  	_ =	shalt  }
0x46: {  	_ =	shalt  }
0x47: {  	_ =	shalt  }
0x48: {  	_ =	shalt  }
0x49: {  	_ =	shalt  }
0x4a: {  	_ =	shalt  }
0x4b: {  	_ =	shalt  }
0x4c: {  	_ =	shalt  }
0x4d: {  	_ =	shalt  }
0x4e: {  	_ =	shalt  }
0x4f: {  	_ =	shalt  }
0x50: {  	_ =	shalt  }
0x51: {  	_ =	shalt  }
0x52: {  	_ =	shalt  }
0x53: {  	_ =	shalt  }
0x54: {  	_ =	shalt  }
0x55: {  	_ =	shalt  }
0x56: {  	_ =	shalt  }
0x57: {  	_ =	shalt  }
0x58: {  	_ =	shalt  }
0x59: {  	_ =	shalt  }
0x5a: {  	_ =	shalt  }
0x5b: {  	_ =	shalt  }
0x5c: {  	_ =	shalt  }
0x5d: {  	_ =	shalt  }
0x5e: {  	_ =	shalt  }
0x5f: {  	_ =	shalt  }
0x60: {  	_ =	shalt  }
0x61: {  	_ =	shalt  }
0x62: {  	_ =	shalt  }
0x63: {  	_ =	shalt  }
0x64: {  	_ =	shalt  }
0x65: {  	_ =	shalt  }
0x66: {  	_ =	shalt  }
0x67: {  	_ =	shalt  }
0x68: {  	_ =	shalt  }
0x69: {  	_ =	shalt  }
0x6a: {  	_ =	shalt  }
0x6b: {  	_ =	shalt  }
0x6c: {  	_ =	shalt  }
0x6d: {  	_ =	shalt  }
0x6e: {  	_ =	shalt  }
0x6f: {  	_ =	shalt  }
0x70: {  	_ =	shalt  }
0x71: {  	_ =	shalt  }
0x72: {  	_ =	shalt  }
0x73: {  	_ =	shalt  }
0x74: {  	_ =	shalt  }
0x75: {  	_ =	shalt  }
0x76: {  	_ =	shalt  }
0x77: {  	_ =	shalt  }
0x78: {  	_ =	shalt  }
0x79: {  	_ =	shalt  }
0x7a: {  	_ =	shalt  }
0x7b: {  	_ =	shalt  }
0x7c: {  	_ =	shalt  }
0x7d: {  	_ =	shalt  }
0x7e: {  	_ =	shalt  }
0x7f: {  	_ =	shalt  }
0x80: {  	_ =	shalt  }
0x81: {  	_ =	shalt  }
0x82: {  	_ =	shalt  }
0x83: {  	_ =	shalt  }
0x84: {  	_ =	shalt  }
0x85: {  	_ =	shalt  }
0x86: {  	_ =	shalt  }
0x87: {  	_ =	shalt  }
.Lfunc_end0:
.L_simem_size_0:
called_computation.1_lowered:
.L_overlay_start_0:
0x88: {  	s2 =	sld [smem:$0x3FD9]  }
0x89: {  	s3 =	sld [smem:$0x3FFE];
	_ =	sdelay $0x1  }
0x8a: {  	s1 =	srdreg.scid  }
0x8b: {  	s0 =	sand.u32 $0x1, s1  }
0x8c: {  	s16 =	sshll.u32 s0, $0xA;
	s2 =	sadd.s32 s3, s2  }
0x8d: {  	s2 =	sadd.s32 s2, s16  }
0x8e: {  	[smem:$0x3F97] =	sst s2  }
0x8f: {  	_ = 	snop  }
0x90: {  	(tm) =	ssettm $0x1  }
0x91: {  	s17 =	sld [smem:$0x3FFB];
	_ =	sdelay $0x3  }
0x92: {  	_ =	strace s17  }
0x93: {  	s2 =	sld [smem:$0x3FFC];
	_ =	sdelay $0x3  }
0x94: {  	_ =	strace s2  }
0x95: {  	s2 =	sld [smem:$0x3FFD];
	_ =	sdelay $0x3  }
0x96: {  	_ =	strace s2  }
0x97: {  	_ =	strace $0x8FFFFFFF  }
0x98: {  	s18 =	sld [smem:$0x3FDB];
	_ =	sdelay $0x1  }
0x99: {  	s19 =	simm.s32 $_scs_section_size  }
0x9a: {  	s4 =	simm.s32 $_size__tile_overlayer_lowered;
	s5 =	simm.s32 $_tile_overlayer_lowered  }
0x9b: {  	s22 =	simm.s32 $0x1BFF;
	s21 =	sshll.u32 s5, $0x1;
	s2 =	sadd.s32 s19, s18  }
0x9c: {  	s6 =	simm.s32 $0x0;
	s20 =	sshll.u32 s4, $0x1;
	s4 =	sadd.s32 s21, s2  }
0x9d: {  	[timem:s6], [sflag:s22] =	dma.local [hbm:s4], s20  }
0x9e: {  	_ =	swait.ge [sflag:s22], s20  }
0x9f: {  	s3 =	ssub.s32 $0x0, s20;
	[sflag:s22] =	ssyncset.done $0x0  }
0xa0: {  	[sflag:s22] =	ssyncadd.s32 s3;
	_ =	sdelay $0x1  }
0xa1: {  	s23 =	simm.s32 $0x1B8B  }
0xa2: {  	_ =	swait.ge [sflag:s23], $0x1  }
0xa3: {  	[sflag:s23] =	ssyncset.done $0x0  }
0xa4: {  	s25 =	simm.s32 $0x1B8E;
	s24 =	sld [smem:$0x3FFE];
	[sflag:s23] =	ssyncadd.s32 $0xFFFFFFFF  }
0xa5: {  	s26 =	simm.s32 $execute0_lowered;
	[smem:$0x3FD2] =	sst s25  }
0xa6: {  	s4 =	sshll.u32 s26, $0x1;
	_ =	strace $0x80000049;
	[dreg:$0x1] =	wrdreg $0xFFFFFFFF  }
0xa7: {  	s28 =	simm.s32 $_size_execute0_lowered;
	s2 =	sadd.s32 s2, s4;
	[dreg:$0x0] =	wrdreg $0x0  }
0xa8: {  	s4 =	sshll.u32 s28, $0x1;
	[dreg:$0x2] =	wrdreg s2  }
0xa9: {  	[dreg:$0x3] =	wrdreg s4  }
0xaa: {  	[dreg:$0x4] =	wrdreg $0xC0  }
0xab: {  	_ =	task [dreg:s6], $0x5FFFF  }
0xac: {  	[dreg:$0x1] =	wrdreg $0xFFFFFFFF  }
0xad: {  	[dreg:$0x0] =	wrdreg $0x60  }
0xae: {  	[dreg:$0x2] =	wrdreg s24  }
0xaf: {  	[dreg:$0x3] =	wrdreg $0xA0000  }
0xb0: {  	[dreg:$0x4] =	wrdreg $0x9  }
0xb1: {  	_ =	task.clear_ibuf [dreg:s6], $0x5FFFF;
	_ =	strace $0x90000049  }
0xb2: {  	s29 =	simm.s32 $0x9;
	_ =	strace $0x8000004B  }
0xb3: {  	_ =	swait.ge [sflag:s29], $0x1  }
0xb4: {  	[sflag:s29] =	ssyncadd.s32 $0xFFFFFFFF  }
0xb5: {  	_ =	strace $0x9000004B  }
0xb6: {  	_ =	sfence  }
0xb7: {  	s30 =	sld [smem:$0x0];
	_ =	sdelay $0x2  }
0xb8: {  	s31 =	sshll.u32 s1, $0xD;
	s1 =	sshrl.u32 s1, $0x2  }
0xb9: {  	s3 =	sand.u32 $0x4000, s31;
	s1 =	sadd.s32 s1, s30  }
0xba: {  	s0 =	sor.u32 s3, s0;
	s1 =	sshll.u32 s1, $0x11  }
0xbb: {  	s0 =	sor.u32 s1, s0  }
0xbc: {  	s0 =	sadd.s32 $0x8F2B, s0  }
0xbd: {  	[sflag:s0] =	ssyncadd.remote.s32 $0x1  }
0xbe: {  	_ =	sfence.sel $0xFFFF  }
0xbf: {  	[dreg:$0x0] =	wrdreg $0xFFFFFFFF;
	(pc) =	sbr.abs _section_cstart, $3  }
0xc0: {  	[dreg:$0x1] =	wrdreg $0xFFFFFFFF  }
0xc1: {  	_ =	task.clear_ibuf [dreg:s6], $0x2FFFF;
	_ =	strace $0x9FFFFFFF  }
0xc2: {  	(tm) =	ssettm $0x7FFFFFFF  }
0xc3: {  	_ =	shalt  }
tec
execute0_lowered:
.L_overlay_start_1:
0x0: {  	(tag) =	ssettag $0x1  }
0x1: {  	s6 =	rddreg [dreg:$0x0]  }
0x2: {  	s2 =	rddreg [dreg:$0x1]  }
0x3: {  	s0 =	rddreg [dreg:$0x2]  }
0x4: {  	s4 =	srdreg.scid;
	s3 =	simm.s32 $0x0;
	s1 =	stileid.u32  }
0x5: {  	s13 =	simm.s32 $0x1000;
	s14 =	simm.s32 $0x80;
	s15 =	simm.s32 $0x2000  }
0x6: {  	s16 =	simm.s32 $0x1;
	s17 =	simm.s32 $0x6000;
	s18 =	simm.s32 $0x2  }
0x7: {  	s19 =	simm.s32 $0xF80;
	s20 =	simm.s32 $0x1F00;
	s21 =	simm.s32 $0x1F80  }
0x8: {  	s22 =	simm.s32 $0x0;
	s7 =	sand.u32 $0x1, s4;
	[smem:$0x7FF] =	sst s3  }
0x9: {  	s28 =	sshll.u32 s1, $0xA;
	s4 =	sadd.s32 $0x53400, s6;
	s10 =	sshll.u32 s1, $0xD  }
0xa: {  	s29 =	sshll.u32 s1, $0x10;
	s30 =	sshll.u32 s1, $0x6;
	s5 =	sshll.u32 s7, $0x9  }
0xb: {  	_ =	strace $0x8000004A;
	s9 =	ssub.s32 $0x2, s7;
	s10 =	sadd.s32 s10, s6  }
0xc: {  	s12 =	sadd.s32 s29, s2;
	s31 =	sshll.u32 s7, $0x11;
	s5 =	sor.u32 s5, s28  }
0xd: {  	s11 =	sshrl.u32 s9, $0x1;
	s8 =	sadd.s32 s5, s6;
	s5 =	sadd.s32 $0x11400, s6  }
0xe: {  	s11 =	ssub.s32 s9, s11;
	s6 =	sor.u32 $0x1C03, s30;
	s9 =	sadd.s32 s31, s10  }
0xf: {  	s7 =	sadd.s32 $0x9400, s8;
	s8 =	sadd.s32 $0xD400, s8;
	s9 =	sadd.s32 $0xB3400, s9  }
0x10: {  	s10 =	smax.u32 s11, $0x1;
	s11 =	sshrl.u32 s12, $0x3;
	s12 =	simm.s32 $0x3  }
.LBB2_1:
0x11: {  	[spmem:s11], [sflag:s6] =	dma.local [hbm:s5], $0x2000  }
0x12: {  	_ =	swait.ge [sflag:s12], $0x2000  }
0x13: {  	[sflag:s12] =	ssyncset.done $0x0  }
0x14: {  	[sflag:s12] =	ssyncadd.s32 $0xFFFFE000  }
0x15: {  	[tilespmem:s3], [sflag:$0x3] =	stream.linear.gather [hbm4b:s7+s3], $0x1000, $0x38;
	[tilespmem:$0x1A000] =	vst v63  }
0x16: {  	_ =	swait.ge [sflag:s12], $0x1000  }
0x17: {  	[sflag:s12] =	ssyncset.done $0x0  }
0x18: {  	[sflag:s12] =	ssyncadd.s32 $0xFFFFF000  }
0x19: {  	[tilespmem:s13], [sflag:$0x3] =	stream.linear.gather [hbm4b:s8+s3], $0x1000, $0x38;
	[tilespmem:$0x1A000] =	vst v63  }
0x1a: {  	_ =	swait.ge [sflag:s12], $0x1000  }
0x1b: {  	[sflag:s12] =	ssyncset.done $0x0  }
0x1c: {  	[sflag:s12] =	ssyncadd.s32 $0xFFFFF000  }
0x1d: {  	[bflag:$0x0] =	sbarrier.arrive $0xFFFF  }
0x1e: {  	[tilespmem:s15], [sflag:$0x1] =	stream.indirect.gather [hbm4b:s4+s14], $0x80, s3, s14, $0xb8;
	[tilespmem:$0x1A000] =	vst v63  }
0x1f: {  	_ =	swait.ge [sflag:s16], $0x4000  }
0x20: {  	[sflag:s16] =	ssyncset.done $0x0  }
0x21: {  	s23 =	simm.s32 $0x80;
	[sflag:s16] =	ssyncadd.s32 $0xFFFFC000  }
0x22: {  	[tilespmem:s17], [sflag:$0x2] =	stream.indirect.gather [hbm4b:s4+s14], $0x80, s23, s14, $0xb8;
	[tilespmem:$0x1A000] =	vst v63  }
0x23: {  	s29 =	simm.s32 $0x1000  }
0x24: {  	[spmem:s2] =	stream.indirect.scatter.add.f32 [tilespmem:s15], [sflag:$0x3], $0x80, s29, s14, $0xb8;
	[tilespmem:$0x1A000] =	vst v63  }
0x25: {  	_ =	swait.ge [sflag:s12], $0x4000  }
0x26: {  	[sflag:s12] =	ssyncset.done $0x0  }
0x27: {  	[sflag:s12] =	ssyncadd.s32 $0xFFFFC000  }
0x28: {  	_ =	swait.ge [sflag:s18], $0x4000  }
0x29: {  	[sflag:s18] =	ssyncset.done $0x0  }
0x2a: {  	s30 =	simm.s32 $0x100;
	[sflag:s18] =	ssyncadd.s32 $0xFFFFC000  }
0x2b: {  	[tilespmem:s15], [sflag:$0x1] =	stream.indirect.gather [hbm4b:s4+s14], $0x80, s30, s14, $0xb8;
	[tilespmem:$0x1A000] =	vst v63  }
0x2c: {  	s31 =	simm.s32 $0x1080  }
0x2d: {  	[spmem:s2] =	stream.indirect.scatter.add.f32 [tilespmem:s17], [sflag:$0x3], $0x80, s31, s14, $0xb8;
	[tilespmem:$0x1A000] =	vst v63  }
0x2e: {  	_ =	swait.ge [sflag:s12], $0x4000  }
0x2f: {  	s23 =	simm.s32 $0x400;
	[sflag:s12] =	ssyncset.done $0x0  }
.LBB2_2:
0x30: {  	p0 =	sne.s32 s23, $0x3800  }
0x31: {  	[sflag:s12] =	ssyncadd.s32 $0xFFFFC000;
	s24 =	smov.u32 s23;
	s23 =	sadd.s32 $0x400, s23  }
0x32: {  	_ = 	snop  }
0x33: {  	_ =	swait.ge [sflag:s16], $0x4000  }
0x34: {  	s24 =	sshra.s32 s24, $0x2;
	[sflag:s16] =	ssyncset.done $0x0  }
0x35: {  	s25 =	sadd.s32 $0x80, s24;
	[sflag:s16] =	ssyncadd.s32 $0xFFFFC000  }
0x36: {  	[tilespmem:s17], [sflag:$0x2] =	stream.indirect.gather [hbm4b:s4+s14], $0x80, s25, s14, $0xb8;
	[tilespmem:$0x1A000] =	vst v63  }
0x37: {  	s25 =	sadd.s32 $0x1000, s24  }
0x38: {  	[spmem:s2] =	stream.indirect.scatter.add.f32 [tilespmem:s15], [sflag:$0x3], $0x80, s25, s14, $0xb8;
	[tilespmem:$0x1A000] =	vst v63  }
0x39: {  	_ =	swait.ge [sflag:s12], $0x4000  }
0x3a: {  	[sflag:s12] =	ssyncset.done $0x0  }
0x3b: {  	[sflag:s12] =	ssyncadd.s32 $0xFFFFC000  }
0x3c: {  	_ =	swait.ge [sflag:s18], $0x4000  }
0x3d: {  	[sflag:s18] =	ssyncset.done $0x0  }
0x3e: {  	s25 =	sadd.s32 $0x100, s24;
	[sflag:s18] =	ssyncadd.s32 $0xFFFFC000  }
0x3f: {  	[tilespmem:s15], [sflag:$0x1] =	stream.indirect.gather [hbm4b:s4+s14], $0x80, s25, s14, $0xb8;
	[tilespmem:$0x1A000] =	vst v63  }
.Ltmp0:
0x40: {  	_ = 	snop;
	(pc) =	sbr.rel @p0 .LBB2_2-.Ltmp0, $4  }
0x41: {  	s24 =	sadd.s32 $0x1080, s24  }
0x42: {  	[spmem:s2] =	stream.indirect.scatter.add.f32 [tilespmem:s17], [sflag:$0x3], $0x80, s24, s14, $0xb8;
	[tilespmem:$0x1A000] =	vst v63  }
0x43: {  	_ =	swait.ge [sflag:s12], $0x4000  }
0x44: {  	[sflag:s12] =	ssyncset.done $0x0  }
0x45: {  	[sflag:s12] =	ssyncadd.s32 $0xFFFFC000  }
0x46: {  	_ =	swait.ge [sflag:s16], $0x4000  }
0x47: {  	[sflag:s16] =	ssyncset.done $0x0  }
0x48: {  	[sflag:s16] =	ssyncadd.s32 $0xFFFFC000  }
0x49: {  	[tilespmem:s17], [sflag:$0x2] =	stream.indirect.gather [hbm4b:s4+s14], $0x80, s19, s14, $0xb8;
	[tilespmem:$0x1A000] =	vst v63  }
0x4a: {  	_ = 	snop  }
0x4b: {  	[spmem:s2] =	stream.indirect.scatter.add.f32 [tilespmem:s15], [sflag:$0x3], $0x80, s20, s14, $0xb8;
	[tilespmem:$0x1A000] =	vst v63  }
0x4c: {  	_ =	swait.ge [sflag:s12], $0x4000  }
0x4d: {  	[sflag:s12] =	ssyncset.done $0x0  }
0x4e: {  	[sflag:s12] =	ssyncadd.s32 $0xFFFFC000  }
0x4f: {  	_ =	swait.ge [sflag:s18], $0x4000  }
0x50: {  	[sflag:s18] =	ssyncset.done $0x0  }
0x51: {  	[sflag:s18] =	ssyncadd.s32 $0xFFFFC000  }
0x52: {  	[tilespmem:s15], [sflag:$0x1] =	stream.indirect.gather [hbm4b:s4+s14], $0x80, s19, s14, $0xb8;
	[tilespmem:$0x1A000] =	vst v63  }
0x53: {  	_ = 	snop  }
0x54: {  	[spmem:s2] =	stream.indirect.scatter.add.f32 [tilespmem:s17], [sflag:$0x3], $0x80, s21, s14, $0xb8;
	[tilespmem:$0x1A000] =	vst v63  }
0x55: {  	_ =	swait.ge [sflag:s12], $0x4000  }
0x56: {  	[sflag:s12] =	ssyncset.done $0x0  }
0x57: {  	[sflag:s12] =	ssyncadd.s32 $0xFFFFC000  }
0x58: {  	_ =	swait.ge [sflag:s16], $0x4000  }
0x59: {  	s22 =	sadd.s32 $0x1, s22;
	[sflag:s16] =	ssyncset.done $0x0  }
0x5a: {  	p0 =	sne.s32 s22, s10;
	[sflag:s16] =	ssyncadd.s32 $0xFFFFC000  }
.Ltmp1:
0x5b: {  	[bflag:$0x0] =	sbarrier.arrive $0xFFFF;
	(pc) =	sbr.rel @p0 .LBB2_1-.Ltmp1, $4  }
0x5c: {  	[hbm:s9], [sflag:s6] =	dma.local [spmem:s11], $0x2000  }
0x5d: {  	_ =	swait.ge [sflag:s12], $0x2000  }
0x5e: {  	[sflag:s12] =	ssyncset.done $0x0  }
0x5f: {  	[sflag:s12] =	ssyncadd.s32 $0xFFFFE000  }
0x60: {  	_ =	sfence.sel $0x180000  }
0x61: {  	[bflag:$0x0] =	sbarrier.arrive $0xFFFF  }
0x62: {  	p0 =	sne.s32 s1, $0x0;
	_ =	strace $0x9000004A  }
0x63: {  	s0 =	sadd.s32 @!p0 $0x100000, s0;
	[bflag:$0x2] =	sbarrier.arrive $0xFFFF  }
0x64: {  	[sflag:s0] =	ssyncadd.tile.s32 @!p0 $0x1;
	_ =	shalt  }
.Lfunc_end2:
_tile_overlayer_lowered:
.L_overlay_start_2:
0x65: {  	(tag) =	ssettag $0x2  }
0x66: {  	s0 =	rddreg [dreg:$0x0];
	s2 =	stileid.u32  }
0x67: {  	s1 =	rddreg [dreg:$0x1];
	p0 =	sne.s32 s2, $0x0  }
0x68: {  	s3 =	rddreg [dreg:$0x2];
	[bflag:$0x3] =	sbarrier.arrive $0xFFFF;
	s2 =	simm.s32 @!p0 $0x1C03  }
0x69: {  	[timem:s3], [sflag:s2] =	dma.local @!p0 [hbm:s0], s1  }
0x6a: {  	s0 =	simm.s32 @!p0 $0x3  }
0x6b: {  	_ =	swait.ge @!p0 [sflag:s0], s1  }
0x6c: {  	s1 =	ssub.s32 @!p0 $0x0, s1;
	[sflag:s0] =	ssyncset.done @!p0 $0x0  }
0x6d: {  	[sflag:s0] =	ssyncadd.s32 @!p0 s1  }
0x6e: {  	[bflag:$0x3] =	sbarrier.arrive $0xFFFF  }
0x6f: {  	_ =	shalt  }

// kernel: kernel.20.cloned.1.call-start
scs
__scs_entry_jumppad:
0x0: {  	(pc) =	sbr.rel $0x88, $3  }
0x1: {  	(tag) =	ssettag $0x0;
	lr =	simm.s32 $0x1  }
0x2: {  	[smem:$0x3F70] =	sst lr;
	_ =	strace $0xD0000000  }
0x3: {  	_ = 	snop  }
0x4: {  	_ = 	snop  }
0x5: {  	_ = 	snop  }
0x6: {  	_ = 	snop  }
0x7: {  	_ = 	snop  }
__scs_overlays_trampoline_lowered:
0x8: {  	[smem:$0x3F7F] =	sst s0  }
0x9: {  	[smem:$0x3F80] =	sst s1  }
0xa: {  	[smem:$0x3F81] =	sst s2  }
0xb: {  	[smem:$0x3F82] =	sst s3  }
0xc: {  	[smem:$0x3F83] =	sst s4  }
0xd: {  	[smem:$0x3F84] =	sst s5  }
0xe: {  	[smem:$0x3F85] =	sst s6  }
0xf: {  	[smem:$0x3F86] =	sst s7  }
0x10: {  	[smem:$0x3F87] =	sst s8  }
0x11: {  	[smem:$0x3F88] =	sst s9;
	s0 =	simm.s32 @!p0 $0x0  }
0x12: {  	s1 =	sld [smem:$0x3F6E];
	s0 =	simm.s32 @p0 $0x1  }
0x13: {  	[smem:$0x3F89] =	sst s0;
	s0 =	simm.s32 @!p1 $0x0  }
0x14: {  	s2 =	sld [smem:$0x3F6D];
	s0 =	simm.s32 @p1 $0x1  }
0x15: {  	[smem:$0x3F8A] =	sst s0;
	s0 =	simm.s32 @!p2 $0x0  }
0x16: {  	s3 =	sld [smem:$0x3FDB];
	s0 =	simm.s32 @p2 $0x1  }
0x17: {  	s4 =	simm.s32 $0x1BF5;
	[smem:$0x3F8C] =	sst s0  }
0x18: {  	s0 =	sld [smem:$0x3F6F];
	_ =	swait.ge [sflag:s4], $0x0  }
0x19: {  	s7 =	sld [smem:$0x3F70]  }
0x1a: {  	s8 =	sadd.s32 $0xFFFFE003, lr  }
0x1b: {  	s9 =	sadd.s32 $0xFFFFFEF7, lr;
	s5 =	simm.s32 $0xFFFFFFFF;
	p2 =	slt.u32 s8, $0xFFFFF086  }
0x1c: {  	p1 =	slt.u32 s9, $0xF7A;
	s5 =	simm.s32 @!p2 $0x0  }
0x1d: {  	s5 =	simm.s32 @p1 $0x1;
	p0 =	seq.s32 s7, s2  }
0x1e: {  	s7 =	smul.u32 @!p0 $0xF7A, s2;
	p2 =	seq.s32 @!p0 s5, $0x0  }
0x1f: {  	s9 =	smul.u32 $0xF7A, s1;
	s8 =	simm.s32 @!p0 $0x1BF5;
	p2 =	por !p2, p0  }
0x20: {  	[sflag:s8] =	ssyncset.s32 @!p0 $0xFFFFF086;
	s6 =	sadd.s32 @!p0 s3, s7;
	s7 =	simm.s32 @!p0 $0x108  }
0x21: {  	s3 =	sadd.s32 s3, s9;
	s6 =	sadd.s32 @!p0 $0x88, s6;
	s7 =	simm.s32 @p2 $0x1082  }
0x22: {  	[simem:s7], [sflag:s8] =	dma.local @!p0 [hbm:s6], $0xF7A  }
0x23: {  	s9 =	sor.u32 $0xD0000000, s2;
	s6 =	simm.s32 $0x108;
	_ =	swait.ge @!p0 [sflag:s8], $0x0  }
0x24: {  	s3 =	sadd.s32 $0x88, s3;
	s6 =	simm.s32 @!p1 $0x1082;
	[sflag:s4] =	ssyncset.s32 $0xFFFFF086  }
0x25: {  	[simem:s6], [sflag:s4] =	dma.local [hbm:s3], $0xF7A  }
0x26: {  	[smem:$0x3F70] =	sst s1;
	(tag) =	ssettag s2;
	_ =	strace s9  }
0x27: {  	s1 =	sld [smem:$0x3F80]  }
0x28: {  	s2 =	sld [smem:$0x3F81]  }
0x29: {  	s4 =	sld [smem:$0x3F83]  }
0x2a: {  	p0 =	seq.s32 s5, $0x0;
	s5 =	sld [smem:$0x3F84]  }
0x2b: {  	s6 =	sld [smem:$0x3F85]  }
0x2c: {  	s7 =	sld [smem:$0x3F86]  }
0x2d: {  	s3 =	simm.s32 $0x108;
	s8 =	sld [smem:$0x3F87]  }
0x2e: {  	s3 =	simm.s32 @!p0 $0x1082;
	s9 =	sld [smem:$0x3F88]  }
0x2f: {  	lr =	sadd.s32 s0, s3;
	s0 =	sld [smem:$0x3F7F]  }
0x30: {  	s3 =	sld [smem:$0x3F82]  }
0x31: {  	[smem:$0x3F8B] =	sst s10  }
0x32: {  	s10 =	sld [smem:$0x3F89];
	_ =	sdelay $0x3  }
0x33: {  	p0 =	seq.s32 s10, $0x1;
	s10 =	sld [smem:$0x3F8B];
	_ =	sdelay $0x3  }
0x34: {  	[smem:$0x3F8B] =	sst s10  }
0x35: {  	s10 =	sld [smem:$0x3F8A];
	_ =	sdelay $0x3  }
0x36: {  	p1 =	seq.s32 s10, $0x1;
	s10 =	sld [smem:$0x3F8B];
	_ =	sdelay $0x3  }
0x37: {  	[smem:$0x3F8B] =	sst s10  }
0x38: {  	s10 =	sld [smem:$0x3F8C]  }
0x39: {  	_ = 	snop;
	(pc) =	sbr.ind lr, $3  }
0x3a: {  	_ = 	snop  }
0x3b: {  	_ = 	snop  }
0x3c: {  	p2 =	seq.s32 s10, $0x1;
	s10 =	sld [smem:$0x3F8B]  }
0x3d: {  	_ =	shalt  }
0x3e: {  	_ =	shalt  }
0x3f: {  	_ =	shalt  }
0x40: {  	_ =	shalt  }
0x41: {  	_ =	shalt  }
0x42: {  	_ =	shalt  }
0x43: {  	_ =	shalt  }
0x44: {  	_ =	shalt  }
0x45: {  	_ =	shalt  }
0x46: {  	_ =	shalt  }
0x47: {  	_ =	shalt  }
0x48: {  	_ =	shalt  }
0x49: {  	_ =	shalt  }
0x4a: {  	_ =	shalt  }
0x4b: {  	_ =	shalt  }
0x4c: {  	_ =	shalt  }
0x4d: {  	_ =	shalt  }
0x4e: {  	_ =	shalt  }
0x4f: {  	_ =	shalt  }
0x50: {  	_ =	shalt  }
0x51: {  	_ =	shalt  }
0x52: {  	_ =	shalt  }
0x53: {  	_ =	shalt  }
0x54: {  	_ =	shalt  }
0x55: {  	_ =	shalt  }
0x56: {  	_ =	shalt  }
0x57: {  	_ =	shalt  }
0x58: {  	_ =	shalt  }
0x59: {  	_ =	shalt  }
0x5a: {  	_ =	shalt  }
0x5b: {  	_ =	shalt  }
0x5c: {  	_ =	shalt  }
0x5d: {  	_ =	shalt  }
0x5e: {  	_ =	shalt  }
0x5f: {  	_ =	shalt  }
0x60: {  	_ =	shalt  }
0x61: {  	_ =	shalt  }
0x62: {  	_ =	shalt  }
0x63: {  	_ =	shalt  }
0x64: {  	_ =	shalt  }
0x65: {  	_ =	shalt  }
0x66: {  	_ =	shalt  }
0x67: {  	_ =	shalt  }
0x68: {  	_ =	shalt  }
0x69: {  	_ =	shalt  }
0x6a: {  	_ =	shalt  }
0x6b: {  	_ =	shalt  }
0x6c: {  	_ =	shalt  }
0x6d: {  	_ =	shalt  }
0x6e: {  	_ =	shalt  }
0x6f: {  	_ =	shalt  }
0x70: {  	_ =	shalt  }
0x71: {  	_ =	shalt  }
0x72: {  	_ =	shalt  }
0x73: {  	_ =	shalt  }
0x74: {  	_ =	shalt  }
0x75: {  	_ =	shalt  }
0x76: {  	_ =	shalt  }
0x77: {  	_ =	shalt  }
0x78: {  	_ =	shalt  }
0x79: {  	_ =	shalt  }
0x7a: {  	_ =	shalt  }
0x7b: {  	_ =	shalt  }
0x7c: {  	_ =	shalt  }
0x7d: {  	_ =	shalt  }
0x7e: {  	_ =	shalt  }
0x7f: {  	_ =	shalt  }
0x80: {  	_ =	shalt  }
0x81: {  	_ =	shalt  }
0x82: {  	_ =	shalt  }
0x83: {  	_ =	shalt  }
0x84: {  	_ =	shalt  }
0x85: {  	_ =	shalt  }
0x86: {  	_ =	shalt  }
0x87: {  	_ =	shalt  }
.Lfunc_end0:
.L_simem_size_0:
called_computation.2_lowered:
.L_overlay_start_0:
0x88: {  	s2 =	sld [smem:$0x3FD9]  }
0x89: {  	s3 =	sld [smem:$0x3FFE];
	_ =	sdelay $0x1  }
0x8a: {  	s1 =	srdreg.scid  }
0x8b: {  	s0 =	sand.u32 $0x1, s1  }
0x8c: {  	s17 =	sshll.u32 s0, $0xA;
	s2 =	sadd.s32 s3, s2  }
0x8d: {  	s2 =	sadd.s32 s2, s17  }
0x8e: {  	[smem:$0x3F97] =	sst s2  }
0x8f: {  	_ = 	snop  }
0x90: {  	(tm) =	ssettm $0x1  }
0x91: {  	s18 =	sld [smem:$0x3FFB];
	_ =	sdelay $0x3  }
0x92: {  	_ =	strace s18  }
0x93: {  	s2 =	sld [smem:$0x3FFC];
	_ =	sdelay $0x3  }
0x94: {  	_ =	strace s2  }
0x95: {  	s2 =	sld [smem:$0x3FFD];
	_ =	sdelay $0x3  }
0x96: {  	_ =	strace s2  }
0x97: {  	_ =	strace $0x8FFFFFFF  }
0x98: {  	s19 =	sld [smem:$0x3FDB];
	_ =	sdelay $0x1  }
0x99: {  	s20 =	simm.s32 $_scs_section_size  }
0x9a: {  	s4 =	simm.s32 $_size__tile_overlayer_lowered;
	s5 =	simm.s32 $_tile_overlayer_lowered  }
0x9b: {  	s6 =	simm.s32 $0x1BFF;
	s21 =	sshll.u32 s5, $0x1;
	s3 =	sadd.s32 s20, s19  }
0x9c: {  	s22 =	simm.s32 $0x0;
	s4 =	sshll.u32 s4, $0x1;
	s5 =	sadd.s32 s21, s3  }
0x9d: {  	[timem:s22], [sflag:s6] =	dma.local [hbm:s5], s4  }
0x9e: {  	_ =	swait.ge [sflag:s6], s4  }
0x9f: {  	s4 =	ssub.s32 $0x0, s4;
	[sflag:s6] =	ssyncset.done $0x0  }
0xa0: {  	[sflag:s6] =	ssyncadd.s32 s4;
	_ =	sdelay $0x1  }
0xa1: {  	s23 =	simm.s32 $0x1B8B  }
0xa2: {  	_ =	swait.ge [sflag:s23], $0x1  }
0xa3: {  	[sflag:s23] =	ssyncset.done $0x0  }
0xa4: {  	[sflag:s23] =	ssyncadd.s32 $0xFFFFFFFF  }
0xa5: {  	s4 =	sld [smem:$0x0]  }
0xa6: {  	s5 =	sand.u32 $0xFFFFFFFE, s1  }
0xa7: {  	p0 =	sne.s32 s1, s5  }
0xa8: {  	s5 =	sshll.u32 @p0 s5, $0xE  }
0xa9: {  	s5 =	sadd.s32 @p0 $0x11B8D, s5;
	s6 =	sshll.u32 @p0 s4, $0x11  }
0xaa: {  	s5 =	sor.u32 @p0 s6, s5  }
0xab: {  	[sflag:s5] =	ssyncadd.remote.s32 @p0 $0x1;
	_ =	sdelay $0x1  }
0xac: {  	s5 =	simm.s32 @p0 $0x1B8D  }
0xad: {  	_ =	swait.eq @p0 [sflag:s5], $0x1  }
0xae: {  	[sflag:s5] =	ssyncadd.s32 @p0 $0xFFFFFFFF  }
0xaf: {  	s6 =	sshll.u32 @!p0 s1, $0xE  }
0xb0: {  	s6 =	sor.u32 @!p0 $0x4000, s6;
	s5 =	simm.s32 @!p0 $0x1B8D  }
0xb1: {  	s4 =	sshll.u32 @!p0 s4, $0x11;
	s6 =	sadd.s32 @!p0 $0x11B8D, s6;
	_ =	swait.eq @!p0 [sflag:s5], $0x1  }
0xb2: {  	s4 =	sor.u32 @!p0 s4, s6;
	[sflag:s5] =	ssyncadd.s32 @!p0 $0xFFFFFFFF  }
0xb3: {  	s25 =	simm.s32 $0x1B8E;
	s24 =	sld [smem:$0x3FFE];
	[sflag:s4] =	ssyncadd.remote.s32 @!p0 $0x1  }
0xb4: {  	s26 =	simm.s32 $execute0_lowered;
	[smem:$0x3FD2] =	sst s25  }
0xb5: {  	s5 =	sshll.u32 s26, $0x1;
	_ =	strace $0x8000004C;
	[dreg:$0x1] =	wrdreg $0xFFFFFFFF  }
0xb6: {  	s28 =	simm.s32 $_size_execute0_lowered;
	s3 =	sadd.s32 s3, s5;
	[dreg:$0x0] =	wrdreg $0x0  }
0xb7: {  	s5 =	sshll.u32 s28, $0x1;
	[dreg:$0x2] =	wrdreg s3  }
0xb8: {  	[dreg:$0x3] =	wrdreg s5  }
0xb9: {  	[dreg:$0x4] =	wrdreg $0xC0  }
0xba: {  	_ =	task [dreg:s22], $0x5FFFF  }
0xbb: {  	[dreg:$0x1] =	wrdreg $0xFFFFFFFF  }
0xbc: {  	[dreg:$0x0] =	wrdreg $0x60  }
0xbd: {  	[dreg:$0x2] =	wrdreg s24  }
0xbe: {  	[dreg:$0x3] =	wrdreg $0xA0000  }
0xbf: {  	[dreg:$0x4] =	wrdreg $0xA  }
0xc0: {  	_ =	task.clear_ibuf [dreg:s22], $0x5FFFF;
	_ =	strace $0x9000004C  }
0xc1: {  	s29 =	simm.s32 $0xA;
	_ =	strace $0x8000004E  }
0xc2: {  	_ =	swait.ge [sflag:s29], $0x1  }
0xc3: {  	[sflag:s29] =	ssyncadd.s32 $0xFFFFFFFF  }
0xc4: {  	_ =	strace $0x9000004E  }
0xc5: {  	_ =	sfence  }
0xc6: {  	s30 =	sld [smem:$0x0];
	_ =	sdelay $0x2  }
0xc7: {  	s31 =	sshll.u32 s1, $0xD;
	s1 =	sshrl.u32 s1, $0x2  }
0xc8: {  	s4 =	sand.u32 $0x4000, s31;
	s1 =	sadd.s32 s1, s30  }
0xc9: {  	s0 =	sor.u32 s4, s0;
	s1 =	sshll.u32 s1, $0x11  }
0xca: {  	s0 =	sor.u32 s1, s0  }
0xcb: {  	s0 =	sadd.s32 $0x8F2B, s0  }
0xcc: {  	[sflag:s0] =	ssyncadd.remote.s32 $0x1  }
0xcd: {  	_ =	sfence.sel $0xFFFF  }
0xce: {  	[dreg:$0x0] =	wrdreg $0xFFFFFFFF;
	(pc) =	sbr.abs _section_cstart, $3  }
0xcf: {  	[dreg:$0x1] =	wrdreg $0xFFFFFFFF  }
0xd0: {  	_ =	task.clear_ibuf [dreg:s22], $0x2FFFF;
	_ =	strace $0x9FFFFFFF  }
0xd1: {  	(tm) =	ssettm $0x7FFFFFFF  }
tec
execute0_lowered:
.L_overlay_start_1:
0x0: {  	(tag) =	ssettag $0x1  }
0x1: {  	s6 =	rddreg [dreg:$0x0]  }
0x2: {  	s2 =	rddreg [dreg:$0x1]  }
0x3: {  	s0 =	rddreg [dreg:$0x2]  }
0x4: {  	s4 =	srdreg.scid;
	s3 =	simm.s32 $0x0;
	s1 =	stileid.u32  }
0x5: {  	s13 =	simm.s32 $0x1000;
	s14 =	simm.s32 $0x80;
	s15 =	simm.s32 $0x2000  }
0x6: {  	s16 =	simm.s32 $0x1;
	s17 =	simm.s32 $0x6000;
	s18 =	simm.s32 $0x2  }
0x7: {  	s19 =	simm.s32 $0xF80;
	s20 =	simm.s32 $0x1F00;
	s21 =	simm.s32 $0x1F80  }
0x8: {  	s22 =	simm.s32 $0x0;
	s7 =	sand.u32 $0x1, s4;
	[smem:$0x7FF] =	sst s3  }
0x9: {  	s28 =	sshll.u32 s1, $0xA;
	s4 =	sadd.s32 $0x73400, s6;
	s10 =	sshll.u32 s1, $0xD  }
0xa: {  	s29 =	sshll.u32 s1, $0x10;
	s30 =	sshll.u32 s1, $0x6;
	s5 =	sshll.u32 s7, $0x9  }
0xb: {  	_ =	strace $0x8000004D;
	s9 =	ssub.s32 $0x2, s7;
	s10 =	sadd.s32 s10, s6  }
0xc: {  	s12 =	sadd.s32 s29, s2;
	s31 =	sshll.u32 s7, $0x11;
	s5 =	sor.u32 s5, s28  }
0xd: {  	s11 =	sshrl.u32 s9, $0x1;
	s8 =	sadd.s32 s5, s6;
	s5 =	sadd.s32 $0x11400, s6  }
0xe: {  	s11 =	ssub.s32 s9, s11;
	s6 =	sor.u32 $0x1C03, s30;
	s9 =	sadd.s32 s31, s10  }
0xf: {  	s7 =	sadd.s32 $0x9400, s8;
	s8 =	sadd.s32 $0xD400, s8;
	s9 =	sadd.s32 $0xF3400, s9  }
0x10: {  	s10 =	smax.u32 s11, $0x1;
	s11 =	sshrl.u32 s12, $0x3;
	s12 =	simm.s32 $0x3  }
.LBB2_1:
0x11: {  	[spmem:s11], [sflag:s6] =	dma.local [hbm:s5], $0x2000  }
0x12: {  	_ =	swait.ge [sflag:s12], $0x2000  }
0x13: {  	[sflag:s12] =	ssyncset.done $0x0  }
0x14: {  	[sflag:s12] =	ssyncadd.s32 $0xFFFFE000  }
0x15: {  	[tilespmem:s3], [sflag:$0x3] =	stream.linear.gather [hbm4b:s7+s3], $0x1000, $0x38;
	[tilespmem:$0x1A000] =	vst v63  }
0x16: {  	_ =	swait.ge [sflag:s12], $0x1000  }
0x17: {  	[sflag:s12] =	ssyncset.done $0x0  }
0x18: {  	[sflag:s12] =	ssyncadd.s32 $0xFFFFF000  }
0x19: {  	[tilespmem:s13], [sflag:$0x3] =	stream.linear.gather [hbm4b:s8+s3], $0x1000, $0x38;
	[tilespmem:$0x1A000] =	vst v63  }
0x1a: {  	_ =	swait.ge [sflag:s12], $0x1000  }
0x1b: {  	[sflag:s12] =	ssyncset.done $0x0  }
0x1c: {  	[sflag:s12] =	ssyncadd.s32 $0xFFFFF000  }
0x1d: {  	[bflag:$0x0] =	sbarrier.arrive $0xFFFF  }
0x1e: {  	[tilespmem:s15], [sflag:$0x1] =	stream.indirect.gather [hbm4b:s4+s14], $0x80, s3, s14, $0xb8;
	[tilespmem:$0x1A000] =	vst v63  }
0x1f: {  	_ =	swait.ge [sflag:s16], $0x4000  }
0x20: {  	[sflag:s16] =	ssyncset.done $0x0  }
0x21: {  	s23 =	simm.s32 $0x80;
	[sflag:s16] =	ssyncadd.s32 $0xFFFFC000  }
0x22: {  	[tilespmem:s17], [sflag:$0x2] =	stream.indirect.gather [hbm4b:s4+s14], $0x80, s23, s14, $0xb8;
	[tilespmem:$0x1A000] =	vst v63  }
0x23: {  	s29 =	simm.s32 $0x1000  }
0x24: {  	[spmem:s2] =	stream.indirect.scatter.add.f32 [tilespmem:s15], [sflag:$0x3], $0x80, s29, s14, $0xb8;
	[tilespmem:$0x1A000] =	vst v63  }
0x25: {  	_ =	swait.ge [sflag:s12], $0x4000  }
0x26: {  	[sflag:s12] =	ssyncset.done $0x0  }
0x27: {  	[sflag:s12] =	ssyncadd.s32 $0xFFFFC000  }
0x28: {  	_ =	swait.ge [sflag:s18], $0x4000  }
0x29: {  	[sflag:s18] =	ssyncset.done $0x0  }
0x2a: {  	s30 =	simm.s32 $0x100;
	[sflag:s18] =	ssyncadd.s32 $0xFFFFC000  }
0x2b: {  	[tilespmem:s15], [sflag:$0x1] =	stream.indirect.gather [hbm4b:s4+s14], $0x80, s30, s14, $0xb8;
	[tilespmem:$0x1A000] =	vst v63  }
0x2c: {  	s31 =	simm.s32 $0x1080  }
0x2d: {  	[spmem:s2] =	stream.indirect.scatter.add.f32 [tilespmem:s17], [sflag:$0x3], $0x80, s31, s14, $0xb8;
	[tilespmem:$0x1A000] =	vst v63  }
0x2e: {  	_ =	swait.ge [sflag:s12], $0x4000  }
0x2f: {  	s23 =	simm.s32 $0x400;
	[sflag:s12] =	ssyncset.done $0x0  }
.LBB2_2:
0x30: {  	p0 =	sne.s32 s23, $0x3800  }
0x31: {  	[sflag:s12] =	ssyncadd.s32 $0xFFFFC000;
	s24 =	smov.u32 s23;
	s23 =	sadd.s32 $0x400, s23  }
0x32: {  	_ = 	snop  }
0x33: {  	_ =	swait.ge [sflag:s16], $0x4000  }
0x34: {  	s24 =	sshra.s32 s24, $0x2;
	[sflag:s16] =	ssyncset.done $0x0  }
0x35: {  	s25 =	sadd.s32 $0x80, s24;
	[sflag:s16] =	ssyncadd.s32 $0xFFFFC000  }
0x36: {  	[tilespmem:s17], [sflag:$0x2] =	stream.indirect.gather [hbm4b:s4+s14], $0x80, s25, s14, $0xb8;
	[tilespmem:$0x1A000] =	vst v63  }
0x37: {  	s25 =	sadd.s32 $0x1000, s24  }
0x38: {  	[spmem:s2] =	stream.indirect.scatter.add.f32 [tilespmem:s15], [sflag:$0x3], $0x80, s25, s14, $0xb8;
	[tilespmem:$0x1A000] =	vst v63  }
0x39: {  	_ =	swait.ge [sflag:s12], $0x4000  }
0x3a: {  	[sflag:s12] =	ssyncset.done $0x0  }
0x3b: {  	[sflag:s12] =	ssyncadd.s32 $0xFFFFC000  }
0x3c: {  	_ =	swait.ge [sflag:s18], $0x4000  }
0x3d: {  	[sflag:s18] =	ssyncset.done $0x0  }
0x3e: {  	s25 =	sadd.s32 $0x100, s24;
	[sflag:s18] =	ssyncadd.s32 $0xFFFFC000  }
0x3f: {  	[tilespmem:s15], [sflag:$0x1] =	stream.indirect.gather [hbm4b:s4+s14], $0x80, s25, s14, $0xb8;
	[tilespmem:$0x1A000] =	vst v63  }
.Ltmp0:
0x40: {  	_ = 	snop;
	(pc) =	sbr.rel @p0 .LBB2_2-.Ltmp0, $4  }
0x41: {  	s24 =	sadd.s32 $0x1080, s24  }
0x42: {  	[spmem:s2] =	stream.indirect.scatter.add.f32 [tilespmem:s17], [sflag:$0x3], $0x80, s24, s14, $0xb8;
	[tilespmem:$0x1A000] =	vst v63  }
0x43: {  	_ =	swait.ge [sflag:s12], $0x4000  }
0x44: {  	[sflag:s12] =	ssyncset.done $0x0  }
0x45: {  	[sflag:s12] =	ssyncadd.s32 $0xFFFFC000  }
0x46: {  	_ =	swait.ge [sflag:s16], $0x4000  }
0x47: {  	[sflag:s16] =	ssyncset.done $0x0  }
0x48: {  	[sflag:s16] =	ssyncadd.s32 $0xFFFFC000  }
0x49: {  	[tilespmem:s17], [sflag:$0x2] =	stream.indirect.gather [hbm4b:s4+s14], $0x80, s19, s14, $0xb8;
	[tilespmem:$0x1A000] =	vst v63  }
0x4a: {  	_ = 	snop  }
0x4b: {  	[spmem:s2] =	stream.indirect.scatter.add.f32 [tilespmem:s15], [sflag:$0x3], $0x80, s20, s14, $0xb8;
	[tilespmem:$0x1A000] =	vst v63  }
0x4c: {  	_ =	swait.ge [sflag:s12], $0x4000  }
0x4d: {  	[sflag:s12] =	ssyncset.done $0x0  }
0x4e: {  	[sflag:s12] =	ssyncadd.s32 $0xFFFFC000  }
0x4f: {  	_ =	swait.ge [sflag:s18], $0x4000  }
0x50: {  	[sflag:s18] =	ssyncset.done $0x0  }
0x51: {  	[sflag:s18] =	ssyncadd.s32 $0xFFFFC000  }
0x52: {  	[tilespmem:s15], [sflag:$0x1] =	stream.indirect.gather [hbm4b:s4+s14], $0x80, s19, s14, $0xb8;
	[tilespmem:$0x1A000] =	vst v63  }
0x53: {  	_ = 	snop  }
0x54: {  	[spmem:s2] =	stream.indirect.scatter.add.f32 [tilespmem:s17], [sflag:$0x3], $0x80, s21, s14, $0xb8;
	[tilespmem:$0x1A000] =	vst v63  }
0x55: {  	_ =	swait.ge [sflag:s12], $0x4000  }
0x56: {  	[sflag:s12] =	ssyncset.done $0x0  }
0x57: {  	[sflag:s12] =	ssyncadd.s32 $0xFFFFC000  }
0x58: {  	_ =	swait.ge [sflag:s16], $0x4000  }
0x59: {  	s22 =	sadd.s32 $0x1, s22;
	[sflag:s16] =	ssyncset.done $0x0  }
0x5a: {  	p0 =	sne.s32 s22, s10;
	[sflag:s16] =	ssyncadd.s32 $0xFFFFC000  }
.Ltmp1:
0x5b: {  	[bflag:$0x0] =	sbarrier.arrive $0xFFFF;
	(pc) =	sbr.rel @p0 .LBB2_1-.Ltmp1, $4  }
0x5c: {  	[hbm:s9], [sflag:s6] =	dma.local [spmem:s11], $0x2000  }
0x5d: {  	_ =	swait.ge [sflag:s12], $0x2000  }
0x5e: {  	[sflag:s12] =	ssyncset.done $0x0  }
0x5f: {  	[sflag:s12] =	ssyncadd.s32 $0xFFFFE000  }
0x60: {  	_ =	sfence.sel $0x180000  }
0x61: {  	[bflag:$0x0] =	sbarrier.arrive $0xFFFF  }
0x62: {  	p0 =	sne.s32 s1, $0x0;
	_ =	strace $0x9000004D  }
0x63: {  	s0 =	sadd.s32 @!p0 $0x100000, s0;
	[bflag:$0x2] =	sbarrier.arrive $0xFFFF  }
0x64: {  	[sflag:s0] =	ssyncadd.tile.s32 @!p0 $0x1;
	_ =	shalt  }
.Lfunc_end2:
_tile_overlayer_lowered:
.L_overlay_start_2:
0x65: {  	(tag) =	ssettag $0x2  }
0x66: {  	s0 =	rddreg [dreg:$0x0];
	s2 =	stileid.u32  }
0x67: {  	s1 =	rddreg [dreg:$0x1];
	p0 =	sne.s32 s2, $0x0  }
0x68: {  	s3 =	rddreg [dreg:$0x2];
	[bflag:$0x3] =	sbarrier.arrive $0xFFFF;
	s2 =	simm.s32 @!p0 $0x1C03  }
0x69: {  	[timem:s3], [sflag:s2] =	dma.local @!p0 [hbm:s0], s1  }
0x6a: {  	s0 =	simm.s32 @!p0 $0x3  }
0x6b: {  	_ =	swait.ge @!p0 [sflag:s0], s1  }
0x6c: {  	s1 =	ssub.s32 @!p0 $0x0, s1;
	[sflag:s0] =	ssyncset.done @!p0 $0x0  }
0x6d: {  	[sflag:s0] =	ssyncadd.s32 @!p0 s1  }
0x6e: {  	[bflag:$0x3] =	sbarrier.arrive $0xFFFF  }
0x6f: {  	_ =	shalt  }

// kernel: kernel.23.cloned.1.call-start
scs
__scs_entry_jumppad:
0x0: {  	(pc) =	sbr.rel $0x88, $3  }
0x1: {  	(tag) =	ssettag $0x0;
	lr =	simm.s32 $0x1  }
0x2: {  	[smem:$0x3F70] =	sst lr;
	_ =	strace $0xD0000000  }
0x3: {  	_ = 	snop  }
0x4: {  	_ = 	snop  }
0x5: {  	_ = 	snop  }
0x6: {  	_ = 	snop  }
0x7: {  	_ = 	snop  }
__scs_overlays_trampoline_lowered:
0x8: {  	[smem:$0x3F7F] =	sst s0  }
0x9: {  	[smem:$0x3F80] =	sst s1  }
0xa: {  	[smem:$0x3F81] =	sst s2  }
0xb: {  	[smem:$0x3F82] =	sst s3  }
0xc: {  	[smem:$0x3F83] =	sst s4  }
0xd: {  	[smem:$0x3F84] =	sst s5  }
0xe: {  	[smem:$0x3F85] =	sst s6  }
0xf: {  	[smem:$0x3F86] =	sst s7  }
0x10: {  	[smem:$0x3F87] =	sst s8  }
0x11: {  	[smem:$0x3F88] =	sst s9;
	s0 =	simm.s32 @!p0 $0x0  }
0x12: {  	s1 =	sld [smem:$0x3F6E];
	s0 =	simm.s32 @p0 $0x1  }
0x13: {  	[smem:$0x3F89] =	sst s0;
	s0 =	simm.s32 @!p1 $0x0  }
0x14: {  	s2 =	sld [smem:$0x3F6D];
	s0 =	simm.s32 @p1 $0x1  }
0x15: {  	[smem:$0x3F8A] =	sst s0;
	s0 =	simm.s32 @!p2 $0x0  }
0x16: {  	s3 =	sld [smem:$0x3FDB];
	s0 =	simm.s32 @p2 $0x1  }
0x17: {  	s4 =	simm.s32 $0x1BF5;
	[smem:$0x3F8C] =	sst s0  }
0x18: {  	s0 =	sld [smem:$0x3F6F];
	_ =	swait.ge [sflag:s4], $0x0  }
0x19: {  	s7 =	sld [smem:$0x3F70]  }
0x1a: {  	s8 =	sadd.s32 $0xFFFFE003, lr  }
0x1b: {  	s9 =	sadd.s32 $0xFFFFFEF7, lr;
	s5 =	simm.s32 $0xFFFFFFFF;
	p2 =	slt.u32 s8, $0xFFFFF086  }
0x1c: {  	p1 =	slt.u32 s9, $0xF7A;
	s5 =	simm.s32 @!p2 $0x0  }
0x1d: {  	s5 =	simm.s32 @p1 $0x1;
	p0 =	seq.s32 s7, s2  }
0x1e: {  	s7 =	smul.u32 @!p0 $0xF7A, s2;
	p2 =	seq.s32 @!p0 s5, $0x0  }
0x1f: {  	s9 =	smul.u32 $0xF7A, s1;
	s8 =	simm.s32 @!p0 $0x1BF5;
	p2 =	por !p2, p0  }
0x20: {  	[sflag:s8] =	ssyncset.s32 @!p0 $0xFFFFF086;
	s6 =	sadd.s32 @!p0 s3, s7;
	s7 =	simm.s32 @!p0 $0x108  }
0x21: {  	s3 =	sadd.s32 s3, s9;
	s6 =	sadd.s32 @!p0 $0x88, s6;
	s7 =	simm.s32 @p2 $0x1082  }
0x22: {  	[simem:s7], [sflag:s8] =	dma.local @!p0 [hbm:s6], $0xF7A  }
0x23: {  	s9 =	sor.u32 $0xD0000000, s2;
	s6 =	simm.s32 $0x108;
	_ =	swait.ge @!p0 [sflag:s8], $0x0  }
0x24: {  	s3 =	sadd.s32 $0x88, s3;
	s6 =	simm.s32 @!p1 $0x1082;
	[sflag:s4] =	ssyncset.s32 $0xFFFFF086  }
0x25: {  	[simem:s6], [sflag:s4] =	dma.local [hbm:s3], $0xF7A  }
0x26: {  	[smem:$0x3F70] =	sst s1;
	(tag) =	ssettag s2;
	_ =	strace s9  }
0x27: {  	s1 =	sld [smem:$0x3F80]  }
0x28: {  	s2 =	sld [smem:$0x3F81]  }
0x29: {  	s4 =	sld [smem:$0x3F83]  }
0x2a: {  	p0 =	seq.s32 s5, $0x0;
	s5 =	sld [smem:$0x3F84]  }
0x2b: {  	s6 =	sld [smem:$0x3F85]  }
0x2c: {  	s7 =	sld [smem:$0x3F86]  }
0x2d: {  	s3 =	simm.s32 $0x108;
	s8 =	sld [smem:$0x3F87]  }
0x2e: {  	s3 =	simm.s32 @!p0 $0x1082;
	s9 =	sld [smem:$0x3F88]  }
0x2f: {  	lr =	sadd.s32 s0, s3;
	s0 =	sld [smem:$0x3F7F]  }
0x30: {  	s3 =	sld [smem:$0x3F82]  }
0x31: {  	[smem:$0x3F8B] =	sst s10  }
0x32: {  	s10 =	sld [smem:$0x3F89];
	_ =	sdelay $0x3  }
0x33: {  	p0 =	seq.s32 s10, $0x1;
	s10 =	sld [smem:$0x3F8B];
	_ =	sdelay $0x3  }
0x34: {  	[smem:$0x3F8B] =	sst s10  }
0x35: {  	s10 =	sld [smem:$0x3F8A];
	_ =	sdelay $0x3  }
0x36: {  	p1 =	seq.s32 s10, $0x1;
	s10 =	sld [smem:$0x3F8B];
	_ =	sdelay $0x3  }
0x37: {  	[smem:$0x3F8B] =	sst s10  }
0x38: {  	s10 =	sld [smem:$0x3F8C]  }
0x39: {  	_ = 	snop;
	(pc) =	sbr.ind lr, $3  }
0x3a: {  	_ = 	snop  }
0x3b: {  	_ = 	snop  }
0x3c: {  	p2 =	seq.s32 s10, $0x1;
	s10 =	sld [smem:$0x3F8B]  }
0x3d: {  	_ =	shalt  }
0x3e: {  	_ =	shalt  }
0x3f: {  	_ =	shalt  }
0x40: {  	_ =	shalt  }
0x41: {  	_ =	shalt  }
0x42: {  	_ =	shalt  }
0x43: {  	_ =	shalt  }
0x44: {  	_ =	shalt  }
0x45: {  	_ =	shalt  }
0x46: {  	_ =	shalt  }
0x47: {  	_ =	shalt  }
0x48: {  	_ =	shalt  }
0x49: {  	_ =	shalt  }
0x4a: {  	_ =	shalt  }
0x4b: {  	_ =	shalt  }
0x4c: {  	_ =	shalt  }
0x4d: {  	_ =	shalt  }
0x4e: {  	_ =	shalt  }
0x4f: {  	_ =	shalt  }
0x50: {  	_ =	shalt  }
0x51: {  	_ =	shalt  }
0x52: {  	_ =	shalt  }
0x53: {  	_ =	shalt  }
0x54: {  	_ =	shalt  }
0x55: {  	_ =	shalt  }
0x56: {  	_ =	shalt  }
0x57: {  	_ =	shalt  }
0x58: {  	_ =	shalt  }
0x59: {  	_ =	shalt  }
0x5a: {  	_ =	shalt  }
0x5b: {  	_ =	shalt  }
0x5c: {  	_ =	shalt  }
0x5d: {  	_ =	shalt  }
0x5e: {  	_ =	shalt  }
0x5f: {  	_ =	shalt  }
0x60: {  	_ =	shalt  }
0x61: {  	_ =	shalt  }
0x62: {  	_ =	shalt  }
0x63: {  	_ =	shalt  }
0x64: {  	_ =	shalt  }
0x65: {  	_ =	shalt  }
0x66: {  	_ =	shalt  }
0x67: {  	_ =	shalt  }
0x68: {  	_ =	shalt  }
0x69: {  	_ =	shalt  }
0x6a: {  	_ =	shalt  }
0x6b: {  	_ =	shalt  }
0x6c: {  	_ =	shalt  }
0x6d: {  	_ =	shalt  }
0x6e: {  	_ =	shalt  }
0x6f: {  	_ =	shalt  }
0x70: {  	_ =	shalt  }
0x71: {  	_ =	shalt  }
0x72: {  	_ =	shalt  }
0x73: {  	_ =	shalt  }
0x74: {  	_ =	shalt  }
0x75: {  	_ =	shalt  }
0x76: {  	_ =	shalt  }
0x77: {  	_ =	shalt  }
0x78: {  	_ =	shalt  }
0x79: {  	_ =	shalt  }
0x7a: {  	_ =	shalt  }
0x7b: {  	_ =	shalt  }
0x7c: {  	_ =	shalt  }
0x7d: {  	_ =	shalt  }
0x7e: {  	_ =	shalt  }
0x7f: {  	_ =	shalt  }
0x80: {  	_ =	shalt  }
0x81: {  	_ =	shalt  }
0x82: {  	_ =	shalt  }
0x83: {  	_ =	shalt  }
0x84: {  	_ =	shalt  }
0x85: {  	_ =	shalt  }
0x86: {  	_ =	shalt  }
0x87: {  	_ =	shalt  }
.Lfunc_end0:
.L_simem_size_0:
called_computation.3_lowered:
.L_overlay_start_0:
0x88: {  	s2 =	sld [smem:$0x3FD9]  }
0x89: {  	s3 =	sld [smem:$0x3FFE];
	_ =	sdelay $0x1  }
0x8a: {  	s1 =	srdreg.scid  }
0x8b: {  	s0 =	sand.u32 $0x1, s1  }
0x8c: {  	s16 =	sshll.u32 s0, $0xA;
	s2 =	sadd.s32 s3, s2  }
0x8d: {  	s2 =	sadd.s32 s2, s16  }
0x8e: {  	[smem:$0x3F97] =	sst s2  }
0x8f: {  	_ = 	snop  }
0x90: {  	(tm) =	ssettm $0x1  }
0x91: {  	s17 =	sld [smem:$0x3FFB];
	_ =	sdelay $0x3  }
0x92: {  	_ =	strace s17  }
0x93: {  	s2 =	sld [smem:$0x3FFC];
	_ =	sdelay $0x3  }
0x94: {  	_ =	strace s2  }
0x95: {  	s2 =	sld [smem:$0x3FFD];
	_ =	sdelay $0x3  }
0x96: {  	_ =	strace s2  }
0x97: {  	_ =	strace $0x8FFFFFFF  }
0x98: {  	s18 =	sld [smem:$0x3FDB];
	_ =	sdelay $0x1  }
0x99: {  	s19 =	simm.s32 $_scs_section_size  }
0x9a: {  	s4 =	simm.s32 $_size__tile_overlayer_lowered;
	s5 =	simm.s32 $_tile_overlayer_lowered  }
0x9b: {  	s22 =	simm.s32 $0x1BFF;
	s21 =	sshll.u32 s5, $0x1;
	s2 =	sadd.s32 s19, s18  }
0x9c: {  	s6 =	simm.s32 $0x0;
	s20 =	sshll.u32 s4, $0x1;
	s4 =	sadd.s32 s21, s2  }
0x9d: {  	[timem:s6], [sflag:s22] =	dma.local [hbm:s4], s20  }
0x9e: {  	_ =	swait.ge [sflag:s22], s20  }
0x9f: {  	s3 =	ssub.s32 $0x0, s20;
	[sflag:s22] =	ssyncset.done $0x0  }
0xa0: {  	[sflag:s22] =	ssyncadd.s32 s3;
	_ =	sdelay $0x1  }
0xa1: {  	s23 =	simm.s32 $0x1B8B  }
0xa2: {  	_ =	swait.ge [sflag:s23], $0x1  }
0xa3: {  	[sflag:s23] =	ssyncset.done $0x0  }
0xa4: {  	s25 =	simm.s32 $0x1B8E;
	s24 =	sld [smem:$0x3FFE];
	[sflag:s23] =	ssyncadd.s32 $0xFFFFFFFF  }
0xa5: {  	s26 =	simm.s32 $execute0_lowered;
	[smem:$0x3FD2] =	sst s25  }
0xa6: {  	s4 =	sshll.u32 s26, $0x1;
	_ =	strace $0x8000004F;
	[dreg:$0x1] =	wrdreg $0xFFFFFFFF  }
0xa7: {  	s28 =	simm.s32 $_size_execute0_lowered;
	s2 =	sadd.s32 s2, s4;
	[dreg:$0x0] =	wrdreg $0x0  }
0xa8: {  	s4 =	sshll.u32 s28, $0x1;
	[dreg:$0x2] =	wrdreg s2  }
0xa9: {  	[dreg:$0x3] =	wrdreg s4  }
0xaa: {  	[dreg:$0x4] =	wrdreg $0xC0  }
0xab: {  	_ =	task [dreg:s6], $0x5FFFF  }
0xac: {  	[dreg:$0x1] =	wrdreg $0xFFFFFFFF  }
0xad: {  	[dreg:$0x0] =	wrdreg $0x60  }
0xae: {  	[dreg:$0x2] =	wrdreg s24  }
0xaf: {  	[dreg:$0x3] =	wrdreg $0xA0000  }
0xb0: {  	[dreg:$0x4] =	wrdreg $0x9  }
0xb1: {  	_ =	task.clear_ibuf [dreg:s6], $0x5FFFF;
	_ =	strace $0x9000004F  }
0xb2: {  	s29 =	simm.s32 $0x9;
	_ =	strace $0x80000051  }
0xb3: {  	_ =	swait.ge [sflag:s29], $0x1  }
0xb4: {  	[sflag:s29] =	ssyncadd.s32 $0xFFFFFFFF  }
0xb5: {  	_ =	strace $0x90000051  }
0xb6: {  	_ =	sfence  }
0xb7: {  	s30 =	sld [smem:$0x0];
	_ =	sdelay $0x2  }
0xb8: {  	s31 =	sshll.u32 s1, $0xD;
	s1 =	sshrl.u32 s1, $0x2  }
0xb9: {  	s3 =	sand.u32 $0x4000, s31;
	s1 =	sadd.s32 s1, s30  }
0xba: {  	s0 =	sor.u32 s3, s0;
	s1 =	sshll.u32 s1, $0x11  }
0xbb: {  	s0 =	sor.u32 s1, s0  }
0xbc: {  	s0 =	sadd.s32 $0x8F2B, s0  }
0xbd: {  	[sflag:s0] =	ssyncadd.remote.s32 $0x1  }
0xbe: {  	_ =	sfence.sel $0xFFFF  }
0xbf: {  	[dreg:$0x0] =	wrdreg $0xFFFFFFFF;
	(pc) =	sbr.abs _section_cstart, $3  }
0xc0: {  	[dreg:$0x1] =	wrdreg $0xFFFFFFFF  }
0xc1: {  	_ =	task.clear_ibuf [dreg:s6], $0x2FFFF;
	_ =	strace $0x9FFFFFFF  }
0xc2: {  	(tm) =	ssettm $0x7FFFFFFF  }
0xc3: {  	_ =	shalt  }
tec
execute0_lowered:
.L_overlay_start_1:
0x0: {  	(tag) =	ssettag $0x1  }
0x1: {  	s6 =	rddreg [dreg:$0x0]  }
0x2: {  	s2 =	rddreg [dreg:$0x1]  }
0x3: {  	s0 =	rddreg [dreg:$0x2]  }
0x4: {  	s4 =	srdreg.scid;
	s3 =	simm.s32 $0x0;
	s1 =	stileid.u32  }
0x5: {  	s13 =	simm.s32 $0x1000;
	s14 =	simm.s32 $0x80;
	s15 =	simm.s32 $0x2000  }
0x6: {  	s16 =	simm.s32 $0x1;
	s17 =	simm.s32 $0x6000;
	s18 =	simm.s32 $0x2  }
0x7: {  	s19 =	simm.s32 $0xF80;
	s20 =	simm.s32 $0x1F00;
	s21 =	simm.s32 $0x1F80  }
0x8: {  	s22 =	simm.s32 $0x0;
	s7 =	sand.u32 $0x1, s4;
	[smem:$0x7FF] =	sst s3  }
0x9: {  	s28 =	sshll.u32 s1, $0xA;
	s4 =	sadd.s32 $0x53400, s6;
	s10 =	sshll.u32 s1, $0xD  }
0xa: {  	s29 =	sshll.u32 s1, $0x10;
	s30 =	sshll.u32 s1, $0x6;
	s5 =	sshll.u32 s7, $0x9  }
0xb: {  	_ =	strace $0x80000050;
	s9 =	ssub.s32 $0x2, s7;
	s10 =	sadd.s32 s10, s6  }
0xc: {  	s12 =	sadd.s32 s29, s2;
	s31 =	sshll.u32 s7, $0x11;
	s5 =	sor.u32 s5, s28  }
0xd: {  	s11 =	sshrl.u32 s9, $0x1;
	s8 =	sadd.s32 s5, s6;
	s5 =	sadd.s32 $0x11400, s6  }
0xe: {  	s11 =	ssub.s32 s9, s11;
	s6 =	sor.u32 $0x1C03, s30;
	s9 =	sadd.s32 s31, s10  }
0xf: {  	s7 =	sadd.s32 $0x9400, s8;
	s8 =	sadd.s32 $0xD400, s8;
	s9 =	sadd.s32 $0xB3400, s9  }
0x10: {  	s10 =	smax.u32 s11, $0x1;
	s11 =	sshrl.u32 s12, $0x3;
	s12 =	simm.s32 $0x3  }
.LBB2_1:
0x11: {  	[spmem:s11], [sflag:s6] =	dma.local [hbm:s5], $0x2000  }
0x12: {  	_ =	swait.ge [sflag:s12], $0x2000  }
0x13: {  	[sflag:s12] =	ssyncset.done $0x0  }
0x14: {  	[sflag:s12] =	ssyncadd.s32 $0xFFFFE000  }
0x15: {  	[tilespmem:s3], [sflag:$0x3] =	stream.linear.gather [hbm4b:s7+s3], $0x1000, $0x38;
	[tilespmem:$0x1A000] =	vst v63  }
0x16: {  	_ =	swait.ge [sflag:s12], $0x1000  }
0x17: {  	[sflag:s12] =	ssyncset.done $0x0  }
0x18: {  	[sflag:s12] =	ssyncadd.s32 $0xFFFFF000  }
0x19: {  	[tilespmem:s13], [sflag:$0x3] =	stream.linear.gather [hbm4b:s8+s3], $0x1000, $0x38;
	[tilespmem:$0x1A000] =	vst v63  }
0x1a: {  	_ =	swait.ge [sflag:s12], $0x1000  }
0x1b: {  	[sflag:s12] =	ssyncset.done $0x0  }
0x1c: {  	[sflag:s12] =	ssyncadd.s32 $0xFFFFF000  }
0x1d: {  	[bflag:$0x0] =	sbarrier.arrive $0xFFFF  }
0x1e: {  	[tilespmem:s15], [sflag:$0x1] =	stream.indirect.gather [hbm4b:s4+s14], $0x80, s3, s14, $0xb8;
	[tilespmem:$0x1A000] =	vst v63  }
0x1f: {  	_ =	swait.ge [sflag:s16], $0x4000  }
0x20: {  	[sflag:s16] =	ssyncset.done $0x0  }
0x21: {  	s23 =	simm.s32 $0x80;
	[sflag:s16] =	ssyncadd.s32 $0xFFFFC000  }
0x22: {  	[tilespmem:s17], [sflag:$0x2] =	stream.indirect.gather [hbm4b:s4+s14], $0x80, s23, s14, $0xb8;
	[tilespmem:$0x1A000] =	vst v63  }
0x23: {  	s29 =	simm.s32 $0x1000  }
0x24: {  	[spmem:s2] =	stream.indirect.scatter.add.f32 [tilespmem:s15], [sflag:$0x3], $0x80, s29, s14, $0xb8;
	[tilespmem:$0x1A000] =	vst v63  }
0x25: {  	_ =	swait.ge [sflag:s12], $0x4000  }
0x26: {  	[sflag:s12] =	ssyncset.done $0x0  }
0x27: {  	[sflag:s12] =	ssyncadd.s32 $0xFFFFC000  }
0x28: {  	_ =	swait.ge [sflag:s18], $0x4000  }
0x29: {  	[sflag:s18] =	ssyncset.done $0x0  }
0x2a: {  	s30 =	simm.s32 $0x100;
	[sflag:s18] =	ssyncadd.s32 $0xFFFFC000  }
0x2b: {  	[tilespmem:s15], [sflag:$0x1] =	stream.indirect.gather [hbm4b:s4+s14], $0x80, s30, s14, $0xb8;
	[tilespmem:$0x1A000] =	vst v63  }
0x2c: {  	s31 =	simm.s32 $0x1080  }
0x2d: {  	[spmem:s2] =	stream.indirect.scatter.add.f32 [tilespmem:s17], [sflag:$0x3], $0x80, s31, s14, $0xb8;
	[tilespmem:$0x1A000] =	vst v63  }
0x2e: {  	_ =	swait.ge [sflag:s12], $0x4000  }
0x2f: {  	s23 =	simm.s32 $0x400;
	[sflag:s12] =	ssyncset.done $0x0  }
.LBB2_2:
0x30: {  	p0 =	sne.s32 s23, $0x3800  }
0x31: {  	[sflag:s12] =	ssyncadd.s32 $0xFFFFC000;
	s24 =	smov.u32 s23;
	s23 =	sadd.s32 $0x400, s23  }
0x32: {  	_ = 	snop  }
0x33: {  	_ =	swait.ge [sflag:s16], $0x4000  }
0x34: {  	s24 =	sshra.s32 s24, $0x2;
	[sflag:s16] =	ssyncset.done $0x0  }
0x35: {  	s25 =	sadd.s32 $0x80, s24;
	[sflag:s16] =	ssyncadd.s32 $0xFFFFC000  }
0x36: {  	[tilespmem:s17], [sflag:$0x2] =	stream.indirect.gather [hbm4b:s4+s14], $0x80, s25, s14, $0xb8;
	[tilespmem:$0x1A000] =	vst v63  }
0x37: {  	s25 =	sadd.s32 $0x1000, s24  }
0x38: {  	[spmem:s2] =	stream.indirect.scatter.add.f32 [tilespmem:s15], [sflag:$0x3], $0x80, s25, s14, $0xb8;
	[tilespmem:$0x1A000] =	vst v63  }
0x39: {  	_ =	swait.ge [sflag:s12], $0x4000  }
0x3a: {  	[sflag:s12] =	ssyncset.done $0x0  }
0x3b: {  	[sflag:s12] =	ssyncadd.s32 $0xFFFFC000  }
0x3c: {  	_ =	swait.ge [sflag:s18], $0x4000  }
0x3d: {  	[sflag:s18] =	ssyncset.done $0x0  }
0x3e: {  	s25 =	sadd.s32 $0x100, s24;
	[sflag:s18] =	ssyncadd.s32 $0xFFFFC000  }
0x3f: {  	[tilespmem:s15], [sflag:$0x1] =	stream.indirect.gather [hbm4b:s4+s14], $0x80, s25, s14, $0xb8;
	[tilespmem:$0x1A000] =	vst v63  }
.Ltmp0:
0x40: {  	_ = 	snop;
	(pc) =	sbr.rel @p0 .LBB2_2-.Ltmp0, $4  }
0x41: {  	s24 =	sadd.s32 $0x1080, s24  }
0x42: {  	[spmem:s2] =	stream.indirect.scatter.add.f32 [tilespmem:s17], [sflag:$0x3], $0x80, s24, s14, $0xb8;
	[tilespmem:$0x1A000] =	vst v63  }
0x43: {  	_ =	swait.ge [sflag:s12], $0x4000  }
0x44: {  	[sflag:s12] =	ssyncset.done $0x0  }
0x45: {  	[sflag:s12] =	ssyncadd.s32 $0xFFFFC000  }
0x46: {  	_ =	swait.ge [sflag:s16], $0x4000  }
0x47: {  	[sflag:s16] =	ssyncset.done $0x0  }
0x48: {  	[sflag:s16] =	ssyncadd.s32 $0xFFFFC000  }
0x49: {  	[tilespmem:s17], [sflag:$0x2] =	stream.indirect.gather [hbm4b:s4+s14], $0x80, s19, s14, $0xb8;
	[tilespmem:$0x1A000] =	vst v63  }
0x4a: {  	_ = 	snop  }
0x4b: {  	[spmem:s2] =	stream.indirect.scatter.add.f32 [tilespmem:s15], [sflag:$0x3], $0x80, s20, s14, $0xb8;
	[tilespmem:$0x1A000] =	vst v63  }
0x4c: {  	_ =	swait.ge [sflag:s12], $0x4000  }
0x4d: {  	[sflag:s12] =	ssyncset.done $0x0  }
0x4e: {  	[sflag:s12] =	ssyncadd.s32 $0xFFFFC000  }
0x4f: {  	_ =	swait.ge [sflag:s18], $0x4000  }
0x50: {  	[sflag:s18] =	ssyncset.done $0x0  }
0x51: {  	[sflag:s18] =	ssyncadd.s32 $0xFFFFC000  }
0x52: {  	[tilespmem:s15], [sflag:$0x1] =	stream.indirect.gather [hbm4b:s4+s14], $0x80, s19, s14, $0xb8;
	[tilespmem:$0x1A000] =	vst v63  }
0x53: {  	_ = 	snop  }
0x54: {  	[spmem:s2] =	stream.indirect.scatter.add.f32 [tilespmem:s17], [sflag:$0x3], $0x80, s21, s14, $0xb8;
	[tilespmem:$0x1A000] =	vst v63  }
0x55: {  	_ =	swait.ge [sflag:s12], $0x4000  }
0x56: {  	[sflag:s12] =	ssyncset.done $0x0  }
0x57: {  	[sflag:s12] =	ssyncadd.s32 $0xFFFFC000  }
0x58: {  	_ =	swait.ge [sflag:s16], $0x4000  }
0x59: {  	s22 =	sadd.s32 $0x1, s22;
	[sflag:s16] =	ssyncset.done $0x0  }
0x5a: {  	p0 =	sne.s32 s22, s10;
	[sflag:s16] =	ssyncadd.s32 $0xFFFFC000  }
.Ltmp1:
0x5b: {  	[bflag:$0x0] =	sbarrier.arrive $0xFFFF;
	(pc) =	sbr.rel @p0 .LBB2_1-.Ltmp1, $4  }
0x5c: {  	[hbm:s9], [sflag:s6] =	dma.local [spmem:s11], $0x2000  }
0x5d: {  	_ =	swait.ge [sflag:s12], $0x2000  }
0x5e: {  	[sflag:s12] =	ssyncset.done $0x0  }
0x5f: {  	[sflag:s12] =	ssyncadd.s32 $0xFFFFE000  }
0x60: {  	_ =	sfence.sel $0x180000  }
0x61: {  	[bflag:$0x0] =	sbarrier.arrive $0xFFFF  }
0x62: {  	p0 =	sne.s32 s1, $0x0;
	_ =	strace $0x90000050  }
0x63: {  	s0 =	sadd.s32 @!p0 $0x100000, s0;
	[bflag:$0x2] =	sbarrier.arrive $0xFFFF  }
0x64: {  	[sflag:s0] =	ssyncadd.tile.s32 @!p0 $0x1;
	_ =	shalt  }
.Lfunc_end2:
_tile_overlayer_lowered:
.L_overlay_start_2:
0x65: {  	(tag) =	ssettag $0x2  }
0x66: {  	s0 =	rddreg [dreg:$0x0];
	s2 =	stileid.u32  }
0x67: {  	s1 =	rddreg [dreg:$0x1];
	p0 =	sne.s32 s2, $0x0  }
0x68: {  	s3 =	rddreg [dreg:$0x2];
	[bflag:$0x3] =	sbarrier.arrive $0xFFFF;
	s2 =	simm.s32 @!p0 $0x1C03  }
0x69: {  	[timem:s3], [sflag:s2] =	dma.local @!p0 [hbm:s0], s1  }
0x6a: {  	s0 =	simm.s32 @!p0 $0x3  }
0x6b: {  	_ =	swait.ge @!p0 [sflag:s0], s1  }
0x6c: {  	s1 =	ssub.s32 @!p0 $0x0, s1;
	[sflag:s0] =	ssyncset.done @!p0 $0x0  }
0x6d: {  	[sflag:s0] =	ssyncadd.s32 @!p0 s1  }
0x6e: {  	[bflag:$0x3] =	sbarrier.arrive $0xFFFF  }
0x6f: {  	_ =	shalt  }

// kernel: kernel.26.cloned.1.call-start
scs
__scs_entry_jumppad:
0x0: {  	(pc) =	sbr.rel $0x88, $3  }
0x1: {  	(tag) =	ssettag $0x0;
	lr =	simm.s32 $0x1  }
0x2: {  	[smem:$0x3F70] =	sst lr;
	_ =	strace $0xD0000000  }
0x3: {  	_ = 	snop  }
0x4: {  	_ = 	snop  }
0x5: {  	_ = 	snop  }
0x6: {  	_ = 	snop  }
0x7: {  	_ = 	snop  }
__scs_overlays_trampoline_lowered:
0x8: {  	[smem:$0x3F7F] =	sst s0  }
0x9: {  	[smem:$0x3F80] =	sst s1  }
0xa: {  	[smem:$0x3F81] =	sst s2  }
0xb: {  	[smem:$0x3F82] =	sst s3  }
0xc: {  	[smem:$0x3F83] =	sst s4  }
0xd: {  	[smem:$0x3F84] =	sst s5  }
0xe: {  	[smem:$0x3F85] =	sst s6  }
0xf: {  	[smem:$0x3F86] =	sst s7  }
0x10: {  	[smem:$0x3F87] =	sst s8  }
0x11: {  	[smem:$0x3F88] =	sst s9;
	s0 =	simm.s32 @!p0 $0x0  }
0x12: {  	s1 =	sld [smem:$0x3F6E];
	s0 =	simm.s32 @p0 $0x1  }
0x13: {  	[smem:$0x3F89] =	sst s0;
	s0 =	simm.s32 @!p1 $0x0  }
0x14: {  	s2 =	sld [smem:$0x3F6D];
	s0 =	simm.s32 @p1 $0x1  }
0x15: {  	[smem:$0x3F8A] =	sst s0;
	s0 =	simm.s32 @!p2 $0x0  }
0x16: {  	s3 =	sld [smem:$0x3FDB];
	s0 =	simm.s32 @p2 $0x1  }
0x17: {  	s4 =	simm.s32 $0x1BF5;
	[smem:$0x3F8C] =	sst s0  }
0x18: {  	s0 =	sld [smem:$0x3F6F];
	_ =	swait.ge [sflag:s4], $0x0  }
0x19: {  	s7 =	sld [smem:$0x3F70]  }
0x1a: {  	s8 =	sadd.s32 $0xFFFFE003, lr  }
0x1b: {  	s9 =	sadd.s32 $0xFFFFFEF7, lr;
	s5 =	simm.s32 $0xFFFFFFFF;
	p2 =	slt.u32 s8, $0xFFFFF086  }
0x1c: {  	p1 =	slt.u32 s9, $0xF7A;
	s5 =	simm.s32 @!p2 $0x0  }
0x1d: {  	s5 =	simm.s32 @p1 $0x1;
	p0 =	seq.s32 s7, s2  }
0x1e: {  	s7 =	smul.u32 @!p0 $0xF7A, s2;
	p2 =	seq.s32 @!p0 s5, $0x0  }
0x1f: {  	s9 =	smul.u32 $0xF7A, s1;
	s8 =	simm.s32 @!p0 $0x1BF5;
	p2 =	por !p2, p0  }
0x20: {  	[sflag:s8] =	ssyncset.s32 @!p0 $0xFFFFF086;
	s6 =	sadd.s32 @!p0 s3, s7;
	s7 =	simm.s32 @!p0 $0x108  }
0x21: {  	s3 =	sadd.s32 s3, s9;
	s6 =	sadd.s32 @!p0 $0x88, s6;
	s7 =	simm.s32 @p2 $0x1082  }
0x22: {  	[simem:s7], [sflag:s8] =	dma.local @!p0 [hbm:s6], $0xF7A  }
0x23: {  	s9 =	sor.u32 $0xD0000000, s2;
	s6 =	simm.s32 $0x108;
	_ =	swait.ge @!p0 [sflag:s8], $0x0  }
0x24: {  	s3 =	sadd.s32 $0x88, s3;
	s6 =	simm.s32 @!p1 $0x1082;
	[sflag:s4] =	ssyncset.s32 $0xFFFFF086  }
0x25: {  	[simem:s6], [sflag:s4] =	dma.local [hbm:s3], $0xF7A  }
0x26: {  	[smem:$0x3F70] =	sst s1;
	(tag) =	ssettag s2;
	_ =	strace s9  }
0x27: {  	s1 =	sld [smem:$0x3F80]  }
0x28: {  	s2 =	sld [smem:$0x3F81]  }
0x29: {  	s4 =	sld [smem:$0x3F83]  }
0x2a: {  	p0 =	seq.s32 s5, $0x0;
	s5 =	sld [smem:$0x3F84]  }
0x2b: {  	s6 =	sld [smem:$0x3F85]  }
0x2c: {  	s7 =	sld [smem:$0x3F86]  }
0x2d: {  	s3 =	simm.s32 $0x108;
	s8 =	sld [smem:$0x3F87]  }
0x2e: {  	s3 =	simm.s32 @!p0 $0x1082;
	s9 =	sld [smem:$0x3F88]  }
0x2f: {  	lr =	sadd.s32 s0, s3;
	s0 =	sld [smem:$0x3F7F]  }
0x30: {  	s3 =	sld [smem:$0x3F82]  }
0x31: {  	[smem:$0x3F8B] =	sst s10  }
0x32: {  	s10 =	sld [smem:$0x3F89];
	_ =	sdelay $0x3  }
0x33: {  	p0 =	seq.s32 s10, $0x1;
	s10 =	sld [smem:$0x3F8B];
	_ =	sdelay $0x3  }
0x34: {  	[smem:$0x3F8B] =	sst s10  }
0x35: {  	s10 =	sld [smem:$0x3F8A];
	_ =	sdelay $0x3  }
0x36: {  	p1 =	seq.s32 s10, $0x1;
	s10 =	sld [smem:$0x3F8B];
	_ =	sdelay $0x3  }
0x37: {  	[smem:$0x3F8B] =	sst s10  }
0x38: {  	s10 =	sld [smem:$0x3F8C]  }
0x39: {  	_ = 	snop;
	(pc) =	sbr.ind lr, $3  }
0x3a: {  	_ = 	snop  }
0x3b: {  	_ = 	snop  }
0x3c: {  	p2 =	seq.s32 s10, $0x1;
	s10 =	sld [smem:$0x3F8B]  }
0x3d: {  	_ =	shalt  }
0x3e: {  	_ =	shalt  }
0x3f: {  	_ =	shalt  }
0x40: {  	_ =	shalt  }
0x41: {  	_ =	shalt  }
0x42: {  	_ =	shalt  }
0x43: {  	_ =	shalt  }
0x44: {  	_ =	shalt  }
0x45: {  	_ =	shalt  }
0x46: {  	_ =	shalt  }
0x47: {  	_ =	shalt  }
0x48: {  	_ =	shalt  }
0x49: {  	_ =	shalt  }
0x4a: {  	_ =	shalt  }
0x4b: {  	_ =	shalt  }
0x4c: {  	_ =	shalt  }
0x4d: {  	_ =	shalt  }
0x4e: {  	_ =	shalt  }
0x4f: {  	_ =	shalt  }
0x50: {  	_ =	shalt  }
0x51: {  	_ =	shalt  }
0x52: {  	_ =	shalt  }
0x53: {  	_ =	shalt  }
0x54: {  	_ =	shalt  }
0x55: {  	_ =	shalt  }
0x56: {  	_ =	shalt  }
0x57: {  	_ =	shalt  }
0x58: {  	_ =	shalt  }
0x59: {  	_ =	shalt  }
0x5a: {  	_ =	shalt  }
0x5b: {  	_ =	shalt  }
0x5c: {  	_ =	shalt  }
0x5d: {  	_ =	shalt  }
0x5e: {  	_ =	shalt  }
0x5f: {  	_ =	shalt  }
0x60: {  	_ =	shalt  }
0x61: {  	_ =	shalt  }
0x62: {  	_ =	shalt  }
0x63: {  	_ =	shalt  }
0x64: {  	_ =	shalt  }
0x65: {  	_ =	shalt  }
0x66: {  	_ =	shalt  }
0x67: {  	_ =	shalt  }
0x68: {  	_ =	shalt  }
0x69: {  	_ =	shalt  }
0x6a: {  	_ =	shalt  }
0x6b: {  	_ =	shalt  }
0x6c: {  	_ =	shalt  }
0x6d: {  	_ =	shalt  }
0x6e: {  	_ =	shalt  }
0x6f: {  	_ =	shalt  }
0x70: {  	_ =	shalt  }
0x71: {  	_ =	shalt  }
0x72: {  	_ =	shalt  }
0x73: {  	_ =	shalt  }
0x74: {  	_ =	shalt  }
0x75: {  	_ =	shalt  }
0x76: {  	_ =	shalt  }
0x77: {  	_ =	shalt  }
0x78: {  	_ =	shalt  }
0x79: {  	_ =	shalt  }
0x7a: {  	_ =	shalt  }
0x7b: {  	_ =	shalt  }
0x7c: {  	_ =	shalt  }
0x7d: {  	_ =	shalt  }
0x7e: {  	_ =	shalt  }
0x7f: {  	_ =	shalt  }
0x80: {  	_ =	shalt  }
0x81: {  	_ =	shalt  }
0x82: {  	_ =	shalt  }
0x83: {  	_ =	shalt  }
0x84: {  	_ =	shalt  }
0x85: {  	_ =	shalt  }
0x86: {  	_ =	shalt  }
0x87: {  	_ =	shalt  }
.Lfunc_end0:
.L_simem_size_0:
called_computation.4_lowered:
.L_overlay_start_0:
0x88: {  	s2 =	sld [smem:$0x3FD9]  }
0x89: {  	s3 =	sld [smem:$0x3FFE];
	_ =	sdelay $0x1  }
0x8a: {  	s1 =	srdreg.scid  }
0x8b: {  	s0 =	sand.u32 $0x1, s1  }
0x8c: {  	s16 =	sshll.u32 s0, $0xA;
	s2 =	sadd.s32 s3, s2  }
0x8d: {  	s2 =	sadd.s32 s2, s16  }
0x8e: {  	[smem:$0x3F97] =	sst s2  }
0x8f: {  	_ = 	snop  }
0x90: {  	(tm) =	ssettm $0x1  }
0x91: {  	s17 =	sld [smem:$0x3FFB];
	_ =	sdelay $0x3  }
0x92: {  	_ =	strace s17  }
0x93: {  	s2 =	sld [smem:$0x3FFC];
	_ =	sdelay $0x3  }
0x94: {  	_ =	strace s2  }
0x95: {  	s2 =	sld [smem:$0x3FFD];
	_ =	sdelay $0x3  }
0x96: {  	_ =	strace s2  }
0x97: {  	_ =	strace $0x8FFFFFFF  }
0x98: {  	s18 =	sld [smem:$0x3FDB];
	_ =	sdelay $0x1  }
0x99: {  	s19 =	simm.s32 $_scs_section_size  }
0x9a: {  	s4 =	simm.s32 $_size__tile_overlayer_lowered;
	s5 =	simm.s32 $_tile_overlayer_lowered  }
0x9b: {  	s22 =	simm.s32 $0x1BFF;
	s21 =	sshll.u32 s5, $0x1;
	s2 =	sadd.s32 s19, s18  }
0x9c: {  	s6 =	simm.s32 $0x0;
	s20 =	sshll.u32 s4, $0x1;
	s4 =	sadd.s32 s21, s2  }
0x9d: {  	[timem:s6], [sflag:s22] =	dma.local [hbm:s4], s20  }
0x9e: {  	_ =	swait.ge [sflag:s22], s20  }
0x9f: {  	s3 =	ssub.s32 $0x0, s20;
	[sflag:s22] =	ssyncset.done $0x0  }
0xa0: {  	[sflag:s22] =	ssyncadd.s32 s3;
	_ =	sdelay $0x1  }
0xa1: {  	s23 =	simm.s32 $0x1B8B  }
0xa2: {  	_ =	swait.ge [sflag:s23], $0x1  }
0xa3: {  	[sflag:s23] =	ssyncset.done $0x0  }
0xa4: {  	s25 =	simm.s32 $0x1B8E;
	s24 =	sld [smem:$0x3FFE];
	[sflag:s23] =	ssyncadd.s32 $0xFFFFFFFF  }
0xa5: {  	s26 =	simm.s32 $execute0_lowered;
	[smem:$0x3FD2] =	sst s25  }
0xa6: {  	s4 =	sshll.u32 s26, $0x1;
	_ =	strace $0x80000052;
	[dreg:$0x1] =	wrdreg $0xFFFFFFFF  }
0xa7: {  	s28 =	simm.s32 $_size_execute0_lowered;
	s2 =	sadd.s32 s2, s4;
	[dreg:$0x0] =	wrdreg $0x0  }
0xa8: {  	s4 =	sshll.u32 s28, $0x1;
	[dreg:$0x2] =	wrdreg s2  }
0xa9: {  	[dreg:$0x3] =	wrdreg s4  }
0xaa: {  	[dreg:$0x4] =	wrdreg $0xC0  }
0xab: {  	_ =	task [dreg:s6], $0x5FFFF  }
0xac: {  	[dreg:$0x1] =	wrdreg $0xFFFFFFFF  }
0xad: {  	[dreg:$0x0] =	wrdreg $0x60  }
0xae: {  	[dreg:$0x2] =	wrdreg s24  }
0xaf: {  	[dreg:$0x3] =	wrdreg $0xA0000  }
0xb0: {  	[dreg:$0x4] =	wrdreg $0x9  }
0xb1: {  	_ =	task.clear_ibuf [dreg:s6], $0x5FFFF;
	_ =	strace $0x90000052  }
0xb2: {  	s29 =	simm.s32 $0x9;
	_ =	strace $0x80000054  }
0xb3: {  	_ =	swait.ge [sflag:s29], $0x1  }
0xb4: {  	[sflag:s29] =	ssyncadd.s32 $0xFFFFFFFF  }
0xb5: {  	_ =	strace $0x90000054  }
0xb6: {  	_ =	sfence  }
0xb7: {  	s30 =	sld [smem:$0x0];
	_ =	sdelay $0x2  }
0xb8: {  	s31 =	sshll.u32 s1, $0xD;
	s1 =	sshrl.u32 s1, $0x2  }
0xb9: {  	s3 =	sand.u32 $0x4000, s31;
	s1 =	sadd.s32 s1, s30  }
0xba: {  	s0 =	sor.u32 s3, s0;
	s1 =	sshll.u32 s1, $0x11  }
0xbb: {  	s0 =	sor.u32 s1, s0  }
0xbc: {  	s0 =	sadd.s32 $0x8F2B, s0  }
0xbd: {  	[sflag:s0] =	ssyncadd.remote.s32 $0x1  }
0xbe: {  	_ =	sfence.sel $0xFFFF  }
0xbf: {  	[dreg:$0x0] =	wrdreg $0xFFFFFFFF;
	(pc) =	sbr.abs _section_cstart, $3  }
0xc0: {  	[dreg:$0x1] =	wrdreg $0xFFFFFFFF  }
0xc1: {  	_ =	task.clear_ibuf [dreg:s6], $0x2FFFF;
	_ =	strace $0x9FFFFFFF  }
0xc2: {  	(tm) =	ssettm $0x7FFFFFFF  }
0xc3: {  	_ =	shalt  }
tec
execute0_lowered:
.L_overlay_start_1:
0x0: {  	(tag) =	ssettag $0x1  }
0x1: {  	s6 =	rddreg [dreg:$0x0]  }
0x2: {  	s2 =	rddreg [dreg:$0x1]  }
0x3: {  	s0 =	rddreg [dreg:$0x2]  }
0x4: {  	s4 =	srdreg.scid;
	s3 =	simm.s32 $0x0;
	s1 =	stileid.u32  }
0x5: {  	s13 =	simm.s32 $0x1000;
	s14 =	simm.s32 $0x80;
	s15 =	simm.s32 $0x2000  }
0x6: {  	s16 =	simm.s32 $0x1;
	s17 =	simm.s32 $0x6000;
	s18 =	simm.s32 $0x2  }
0x7: {  	s19 =	simm.s32 $0xF80;
	s20 =	simm.s32 $0x1F00;
	s21 =	simm.s32 $0x1F80  }
0x8: {  	s22 =	simm.s32 $0x0;
	s7 =	sand.u32 $0x1, s4;
	[smem:$0x7FF] =	sst s3  }
0x9: {  	s28 =	sshll.u32 s1, $0xA;
	s4 =	sadd.s32 $0x53400, s6;
	s10 =	sshll.u32 s1, $0xD  }
0xa: {  	s29 =	sshll.u32 s1, $0x10;
	s30 =	sshll.u32 s1, $0x6;
	s5 =	sshll.u32 s7, $0x9  }
0xb: {  	_ =	strace $0x80000053;
	s9 =	ssub.s32 $0x2, s7;
	s10 =	sadd.s32 s10, s6  }
0xc: {  	s12 =	sadd.s32 s29, s2;
	s31 =	sshll.u32 s7, $0x11;
	s5 =	sor.u32 s5, s28  }
0xd: {  	s11 =	sshrl.u32 s9, $0x1;
	s8 =	sadd.s32 s5, s6;
	s5 =	sadd.s32 $0x11400, s6  }
0xe: {  	s11 =	ssub.s32 s9, s11;
	s6 =	sor.u32 $0x1C03, s30;
	s9 =	sadd.s32 s31, s10  }
0xf: {  	s7 =	sadd.s32 $0x9400, s8;
	s8 =	sadd.s32 $0xD400, s8;
	s9 =	sadd.s32 $0xB3400, s9  }
0x10: {  	s10 =	smax.u32 s11, $0x1;
	s11 =	sshrl.u32 s12, $0x3;
	s12 =	simm.s32 $0x3  }
.LBB2_1:
0x11: {  	[spmem:s11], [sflag:s6] =	dma.local [hbm:s5], $0x2000  }
0x12: {  	_ =	swait.ge [sflag:s12], $0x2000  }
0x13: {  	[sflag:s12] =	ssyncset.done $0x0  }
0x14: {  	[sflag:s12] =	ssyncadd.s32 $0xFFFFE000  }
0x15: {  	[tilespmem:s3], [sflag:$0x3] =	stream.linear.gather [hbm4b:s7+s3], $0x1000, $0x38;
	[tilespmem:$0x1A000] =	vst v63  }
0x16: {  	_ =	swait.ge [sflag:s12], $0x1000  }
0x17: {  	[sflag:s12] =	ssyncset.done $0x0  }
0x18: {  	[sflag:s12] =	ssyncadd.s32 $0xFFFFF000  }
0x19: {  	[tilespmem:s13], [sflag:$0x3] =	stream.linear.gather [hbm4b:s8+s3], $0x1000, $0x38;
	[tilespmem:$0x1A000] =	vst v63  }
0x1a: {  	_ =	swait.ge [sflag:s12], $0x1000  }
0x1b: {  	[sflag:s12] =	ssyncset.done $0x0  }
0x1c: {  	[sflag:s12] =	ssyncadd.s32 $0xFFFFF000  }
0x1d: {  	[bflag:$0x0] =	sbarrier.arrive $0xFFFF  }
0x1e: {  	[tilespmem:s15], [sflag:$0x1] =	stream.indirect.gather [hbm4b:s4+s14], $0x80, s3, s14, $0xb8;
	[tilespmem:$0x1A000] =	vst v63  }
0x1f: {  	_ =	swait.ge [sflag:s16], $0x4000  }
0x20: {  	[sflag:s16] =	ssyncset.done $0x0  }
0x21: {  	s23 =	simm.s32 $0x80;
	[sflag:s16] =	ssyncadd.s32 $0xFFFFC000  }
0x22: {  	[tilespmem:s17], [sflag:$0x2] =	stream.indirect.gather [hbm4b:s4+s14], $0x80, s23, s14, $0xb8;
	[tilespmem:$0x1A000] =	vst v63  }
0x23: {  	s29 =	simm.s32 $0x1000  }
0x24: {  	[spmem:s2] =	stream.indirect.scatter.add.f32 [tilespmem:s15], [sflag:$0x3], $0x80, s29, s14, $0xb8;
	[tilespmem:$0x1A000] =	vst v63  }
0x25: {  	_ =	swait.ge [sflag:s12], $0x4000  }
0x26: {  	[sflag:s12] =	ssyncset.done $0x0  }
0x27: {  	[sflag:s12] =	ssyncadd.s32 $0xFFFFC000  }
0x28: {  	_ =	swait.ge [sflag:s18], $0x4000  }
0x29: {  	[sflag:s18] =	ssyncset.done $0x0  }
0x2a: {  	s30 =	simm.s32 $0x100;
	[sflag:s18] =	ssyncadd.s32 $0xFFFFC000  }
0x2b: {  	[tilespmem:s15], [sflag:$0x1] =	stream.indirect.gather [hbm4b:s4+s14], $0x80, s30, s14, $0xb8;
	[tilespmem:$0x1A000] =	vst v63  }
0x2c: {  	s31 =	simm.s32 $0x1080  }
0x2d: {  	[spmem:s2] =	stream.indirect.scatter.add.f32 [tilespmem:s17], [sflag:$0x3], $0x80, s31, s14, $0xb8;
	[tilespmem:$0x1A000] =	vst v63  }
0x2e: {  	_ =	swait.ge [sflag:s12], $0x4000  }
0x2f: {  	s23 =	simm.s32 $0x400;
	[sflag:s12] =	ssyncset.done $0x0  }
.LBB2_2:
0x30: {  	p0 =	sne.s32 s23, $0x3800  }
0x31: {  	[sflag:s12] =	ssyncadd.s32 $0xFFFFC000;
	s24 =	smov.u32 s23;
	s23 =	sadd.s32 $0x400, s23  }
0x32: {  	_ = 	snop  }
0x33: {  	_ =	swait.ge [sflag:s16], $0x4000  }
0x34: {  	s24 =	sshra.s32 s24, $0x2;
	[sflag:s16] =	ssyncset.done $0x0  }
0x35: {  	s25 =	sadd.s32 $0x80, s24;
	[sflag:s16] =	ssyncadd.s32 $0xFFFFC000  }
0x36: {  	[tilespmem:s17], [sflag:$0x2] =	stream.indirect.gather [hbm4b:s4+s14], $0x80, s25, s14, $0xb8;
	[tilespmem:$0x1A000] =	vst v63  }
0x37: {  	s25 =	sadd.s32 $0x1000, s24  }
0x38: {  	[spmem:s2] =	stream.indirect.scatter.add.f32 [tilespmem:s15], [sflag:$0x3], $0x80, s25, s14, $0xb8;
	[tilespmem:$0x1A000] =	vst v63  }
0x39: {  	_ =	swait.ge [sflag:s12], $0x4000  }
0x3a: {  	[sflag:s12] =	ssyncset.done $0x0  }
0x3b: {  	[sflag:s12] =	ssyncadd.s32 $0xFFFFC000  }
0x3c: {  	_ =	swait.ge [sflag:s18], $0x4000  }
0x3d: {  	[sflag:s18] =	ssyncset.done $0x0  }
0x3e: {  	s25 =	sadd.s32 $0x100, s24;
	[sflag:s18] =	ssyncadd.s32 $0xFFFFC000  }
0x3f: {  	[tilespmem:s15], [sflag:$0x1] =	stream.indirect.gather [hbm4b:s4+s14], $0x80, s25, s14, $0xb8;
	[tilespmem:$0x1A000] =	vst v63  }
.Ltmp0:
0x40: {  	_ = 	snop;
	(pc) =	sbr.rel @p0 .LBB2_2-.Ltmp0, $4  }
0x41: {  	s24 =	sadd.s32 $0x1080, s24  }
0x42: {  	[spmem:s2] =	stream.indirect.scatter.add.f32 [tilespmem:s17], [sflag:$0x3], $0x80, s24, s14, $0xb8;
	[tilespmem:$0x1A000] =	vst v63  }
0x43: {  	_ =	swait.ge [sflag:s12], $0x4000  }
0x44: {  	[sflag:s12] =	ssyncset.done $0x0  }
0x45: {  	[sflag:s12] =	ssyncadd.s32 $0xFFFFC000  }
0x46: {  	_ =	swait.ge [sflag:s16], $0x4000  }
0x47: {  	[sflag:s16] =	ssyncset.done $0x0  }
0x48: {  	[sflag:s16] =	ssyncadd.s32 $0xFFFFC000  }
0x49: {  	[tilespmem:s17], [sflag:$0x2] =	stream.indirect.gather [hbm4b:s4+s14], $0x80, s19, s14, $0xb8;
	[tilespmem:$0x1A000] =	vst v63  }
0x4a: {  	_ = 	snop  }
0x4b: {  	[spmem:s2] =	stream.indirect.scatter.add.f32 [tilespmem:s15], [sflag:$0x3], $0x80, s20, s14, $0xb8;
	[tilespmem:$0x1A000] =	vst v63  }
0x4c: {  	_ =	swait.ge [sflag:s12], $0x4000  }
0x4d: {  	[sflag:s12] =	ssyncset.done $0x0  }
0x4e: {  	[sflag:s12] =	ssyncadd.s32 $0xFFFFC000  }
0x4f: {  	_ =	swait.ge [sflag:s18], $0x4000  }
0x50: {  	[sflag:s18] =	ssyncset.done $0x0  }
0x51: {  	[sflag:s18] =	ssyncadd.s32 $0xFFFFC000  }
0x52: {  	[tilespmem:s15], [sflag:$0x1] =	stream.indirect.gather [hbm4b:s4+s14], $0x80, s19, s14, $0xb8;
	[tilespmem:$0x1A000] =	vst v63  }
0x53: {  	_ = 	snop  }
0x54: {  	[spmem:s2] =	stream.indirect.scatter.add.f32 [tilespmem:s17], [sflag:$0x3], $0x80, s21, s14, $0xb8;
	[tilespmem:$0x1A000] =	vst v63  }
0x55: {  	_ =	swait.ge [sflag:s12], $0x4000  }
0x56: {  	[sflag:s12] =	ssyncset.done $0x0  }
0x57: {  	[sflag:s12] =	ssyncadd.s32 $0xFFFFC000  }
0x58: {  	_ =	swait.ge [sflag:s16], $0x4000  }
0x59: {  	s22 =	sadd.s32 $0x1, s22;
	[sflag:s16] =	ssyncset.done $0x0  }
0x5a: {  	p0 =	sne.s32 s22, s10;
	[sflag:s16] =	ssyncadd.s32 $0xFFFFC000  }
.Ltmp1:
0x5b: {  	[bflag:$0x0] =	sbarrier.arrive $0xFFFF;
	(pc) =	sbr.rel @p0 .LBB2_1-.Ltmp1, $4  }
0x5c: {  	[hbm:s9], [sflag:s6] =	dma.local [spmem:s11], $0x2000  }
0x5d: {  	_ =	swait.ge [sflag:s12], $0x2000  }
0x5e: {  	[sflag:s12] =	ssyncset.done $0x0  }
0x5f: {  	[sflag:s12] =	ssyncadd.s32 $0xFFFFE000  }
0x60: {  	_ =	sfence.sel $0x180000  }
0x61: {  	[bflag:$0x0] =	sbarrier.arrive $0xFFFF  }
0x62: {  	p0 =	sne.s32 s1, $0x0;
	_ =	strace $0x90000053  }
0x63: {  	s0 =	sadd.s32 @!p0 $0x100000, s0;
	[bflag:$0x2] =	sbarrier.arrive $0xFFFF  }
0x64: {  	[sflag:s0] =	ssyncadd.tile.s32 @!p0 $0x1;
	_ =	shalt  }
.Lfunc_end2:
_tile_overlayer_lowered:
.L_overlay_start_2:
0x65: {  	(tag) =	ssettag $0x2  }
0x66: {  	s0 =	rddreg [dreg:$0x0];
	s2 =	stileid.u32  }
0x67: {  	s1 =	rddreg [dreg:$0x1];
	p0 =	sne.s32 s2, $0x0  }
0x68: {  	s3 =	rddreg [dreg:$0x2];
	[bflag:$0x3] =	sbarrier.arrive $0xFFFF;
	s2 =	simm.s32 @!p0 $0x1C03  }
0x69: {  	[timem:s3], [sflag:s2] =	dma.local @!p0 [hbm:s0], s1  }
0x6a: {  	s0 =	simm.s32 @!p0 $0x3  }
0x6b: {  	_ =	swait.ge @!p0 [sflag:s0], s1  }
0x6c: {  	s1 =	ssub.s32 @!p0 $0x0, s1;
	[sflag:s0] =	ssyncset.done @!p0 $0x0  }
0x6d: {  	[sflag:s0] =	ssyncadd.s32 @!p0 s1  }
0x6e: {  	[bflag:$0x3] =	sbarrier.arrive $0xFFFF  }
0x6f: {  	_ =	shalt  }

</sc_bundles>
